<compile_context>
chip_gen: v7x
topology: tpu7x:2x2x1
jax: 0.10.2.dev20260603
libtpu: 0.0.44.dev20260713+nightly
codegen_flags: <defaults>
</compile_context>

<pallas_src>
import functools

import jax
import jax.numpy as jnp
from jax import lax
from jax.experimental import pallas as pl
from jax.experimental.pallas import tpu as pltpu
from jax.experimental.pallas import tpu_sc as plsc

_N = 10000
_E = 320000
_D_IN = 128
_H1 = 64
_H2 = 16

_NC = 2
_NS = 16
_NW = _NC * _NS
_EPW = _E // _NW
_CH = 128
_NCHUNK = -(-_EPW // _CH)
_EPW_PAD = _NCHUNK * _CH
_ACC_ROWS = 10240
_ZROWS = _ACC_ROWS // _NS
_FDEG = 16

def _zero_rows(zbuf, nrows, ncols):
    zero = jnp.zeros((16,), jnp.float32)

    def body(r, carry):
        for c16 in range(ncols // 16):
            zbuf[r, pl.ds(c16 * 16, 16)] = zero
        return carry

    lax.fori_loop(0, nrows, body, 0)


@functools.cache
def _degree_kernel_build():
    return functools.partial(
        pl.kernel,
        out_type=jax.ShapeDtypeStruct((2, _NC, _ACC_ROWS, _FDEG),
                                      jnp.float32),
        mesh=plsc.VectorSubcoreMesh(core_axis_name="c",
                                    subcore_axis_name="s"),
        scratch_types=[
            pltpu.VMEM((_NCHUNK, _CH), jnp.int32),
            pltpu.VMEM((_NCHUNK, _CH), jnp.int32),
            pltpu.VMEM((_CH, _FDEG), jnp.float32),
            pltpu.VMEM((_CH, _FDEG), jnp.float32),
            pltpu.VMEM_SHARED((_ACC_ROWS, _FDEG), jnp.float32),
            pltpu.VMEM_SHARED((_ACC_ROWS, _FDEG), jnp.float32),
        ],
        compiler_params=pltpu.CompilerParams(use_tc_tiling_on_sc=False),
    )(_degree_body)


def _degree_body(srcs_hbm, dsts_hbm, out_hbm, idx_s, idx_d, ones, zbuf,
                 acc_a, acc_b):
    c = lax.axis_index("c")
    s = lax.axis_index("s")
    wid = s * _NC + c
    pltpu.sync_copy(srcs_hbm.at[wid], idx_s)
    pltpu.sync_copy(dsts_hbm.at[wid], idx_d)

    one = jnp.ones((16,), jnp.float32)

    def obody(r, carry):
        ones[r, pl.ds(0, 16)] = one
        return carry

    lax.fori_loop(0, _CH, obody, 0)
    _zero_rows(zbuf, _CH, _FDEG)
    for k in range(_ZROWS // _CH):
        pltpu.sync_copy(zbuf, acc_a.at[pl.ds(s * _ZROWS + k * _CH, _CH)])
        pltpu.sync_copy(zbuf, acc_b.at[pl.ds(s * _ZROWS + k * _CH, _CH)])
    plsc.subcore_barrier()

    def body(j, carry):
        pltpu.sync_copy(ones, acc_a.at[idx_s.at[j]], add=True)
        pltpu.sync_copy(ones, acc_b.at[idx_d.at[j]], add=True)
        return carry

    lax.fori_loop(0, _NCHUNK, body, 0)
    plsc.subcore_barrier()
    pltpu.sync_copy(acc_a.at[pl.ds(s * _ZROWS, _ZROWS)],
                    out_hbm.at[0, c, pl.ds(s * _ZROWS, _ZROWS)])
    pltpu.sync_copy(acc_b.at[pl.ds(s * _ZROWS, _ZROWS)],
                    out_hbm.at[1, c, pl.ds(s * _ZROWS, _ZROWS)])


@functools.cache
def _make_seg_sum(F):
    @functools.partial(
        pl.kernel,
        out_type=jax.ShapeDtypeStruct((_NC, _ACC_ROWS, F), jnp.float32),
        mesh=plsc.VectorSubcoreMesh(core_axis_name="c",
                                    subcore_axis_name="s"),
        scratch_types=[
            pltpu.VMEM((_NCHUNK, _CH), jnp.int32),
            pltpu.VMEM((_NCHUNK, _CH), jnp.int32),
            pltpu.VMEM((2, _CH, F), jnp.float32),
            pltpu.VMEM((_CH, F), jnp.float32),
            pltpu.VMEM_SHARED((_ACC_ROWS, F), jnp.float32),
            pltpu.VMEM_SHARED((_N, F), jnp.float32),
            pltpu.SemaphoreType.DMA,
            pltpu.SemaphoreType.DMA,
        ],
        compiler_params=pltpu.CompilerParams(use_tc_tiling_on_sc=False),
    )
    def seg_sum(table_hbm, srcs_hbm, dsts_hbm, out_hbm, idx_s, idx_d, rows,
                zbuf, acc, tbl, gsem0, gsem1):
        c = lax.axis_index("c")
        s = lax.axis_index("s")
        wid = s * _NC + c
        pltpu.sync_copy(srcs_hbm.at[wid], idx_s)
        pltpu.sync_copy(dsts_hbm.at[wid], idx_d)
        @pl.when(s < 10)
        def _stage():
            pltpu.sync_copy(table_hbm.at[pl.ds(s * 1000, 1000)],
                            tbl.at[pl.ds(s * 1000, 1000)])

        _zero_rows(zbuf, _CH, F)
        for k in range(_ZROWS // _CH):
            pltpu.sync_copy(zbuf, acc.at[pl.ds(s * _ZROWS + k * _CH, _CH)])
        plsc.subcore_barrier()

        pltpu.async_copy(tbl.at[idx_s.at[0]], rows.at[0], gsem0)

        def body(i, carry):
            j = 2 * i
            pltpu.async_copy(tbl.at[idx_s.at[j + 1]], rows.at[1], gsem1)
            pltpu.make_async_copy(tbl.at[idx_s.at[j]], rows.at[0],
                                  gsem0).wait()
            pltpu.sync_copy(rows.at[0], acc.at[idx_d.at[j]], add=True)
            pltpu.async_copy(tbl.at[idx_s.at[j + 2]], rows.at[0], gsem0)
            pltpu.make_async_copy(tbl.at[idx_s.at[j + 1]], rows.at[1],
                                  gsem1).wait()
            pltpu.sync_copy(rows.at[1], acc.at[idx_d.at[j + 1]], add=True)
            return carry

        lax.fori_loop(0, (_NCHUNK - 1) // 2, body, 0)
        pltpu.make_async_copy(tbl.at[idx_s.at[_NCHUNK - 1]], rows.at[0],
                              gsem0).wait()
        pltpu.sync_copy(rows.at[0], acc.at[idx_d.at[_NCHUNK - 1]], add=True)
        plsc.subcore_barrier()
        pltpu.sync_copy(acc.at[pl.ds(s * _ZROWS, _ZROWS)],
                        out_hbm.at[c, pl.ds(s * _ZROWS, _ZROWS)])

    return seg_sum


_RB = 1000


def _tca_body(x_ref, w1_ref, deg_ref, xw_ref, no_ref, ni_ref):
    dout = deg_ref[0, 0, :, 0:1] + deg_ref[0, 1, :, 0:1]
    din = deg_ref[1, 0, :, 0:1] + deg_ref[1, 1, :, 0:1]
    no = lax.rsqrt(jnp.maximum(dout, 1.0))
    ni = lax.rsqrt(jnp.maximum(din, 1.0))
    xw = jnp.dot(x_ref[...], w1_ref[...], preferred_element_type=jnp.float32)
    xw_ref[...] = xw * no
    no_ref[...] = no
    ni_ref[...] = ni


def _tcb_body(agg_ref, ni_ref, no_ref, b1_ref, wcat_ref, qw_ref):
    agg = agg_ref[0] + agg_ref[1]
    h = jnp.maximum(agg * ni_ref[...] + b1_ref[...], 0.0)
    q = h * no_ref[...]
    qw_ref[...] = jnp.dot(q, wcat_ref[...], preferred_element_type=jnp.float32)


def _tcc_body(agg_ref, ni_ref, bcat_ref, noise_ref, z_ref):
    a = (agg_ref[0] + agg_ref[1]) * ni_ref[...] + bcat_ref[...]
    mean = a[:, :_H2]
    log_std = a[:, _H2:]
    z_ref[...] = mean + noise_ref[...] * jnp.exp(log_std)


_DBI = 256
_DBJ = _N


def _dec_body(zi_ref, zj_ref, out_ref):
    logits = lax.dot_general(zi_ref[...], zj_ref[...],
                             (((1,), (1,)), ((), ())),
                             preferred_element_type=jnp.float32)
    out_ref[...] = 0.5 * (1.0 + jnp.tanh(0.5 * logits))


def kernel(features, edge_index, W1, b1, W2, b2, W3, b3):
    src = edge_index[0].reshape(_NW, _EPW)
    dst = edge_index[1].reshape(_NW, _EPW)
    pad = ((0, 0), (0, _EPW_PAD - _EPW))
    src_deg = jnp.pad(src, pad, constant_values=_N).reshape(_NW, _NCHUNK, _CH)
    dst_deg = jnp.pad(dst, pad, constant_values=_N).reshape(_NW, _NCHUNK, _CH)
    src_seg = jnp.pad(src, pad, constant_values=0).reshape(_NW, _NCHUNK, _CH)

    deg = _degree_kernel_build()(src_deg, dst_deg)

    xw, no, ni = pl.pallas_call(
        _tca_body,
        grid=(_N // _RB,),
        in_specs=[
            pl.BlockSpec((_RB, _D_IN), lambda i: (i, 0)),
            pl.BlockSpec((_D_IN, _H1), lambda i: (0, 0)),
            pl.BlockSpec((2, _NC, _RB, _FDEG), lambda i: (0, 0, i, 0)),
        ],
        out_specs=[
            pl.BlockSpec((_RB, _H1), lambda i: (i, 0)),
            pl.BlockSpec((_RB, 1), lambda i: (i, 0)),
            pl.BlockSpec((_RB, 1), lambda i: (i, 0)),
        ],
        out_shape=[
            jax.ShapeDtypeStruct((_N, _H1), jnp.float32),
            jax.ShapeDtypeStruct((_N, 1), jnp.float32),
            jax.ShapeDtypeStruct((_N, 1), jnp.float32),
        ],
    )(features, W1, deg)

    agg1 = _make_seg_sum(_H1)(xw, src_seg, dst_deg)

    wcat = jnp.concatenate([W2, W3], axis=1)
    qw = pl.pallas_call(
        _tcb_body,
        grid=(_N // _RB,),
        in_specs=[
            pl.BlockSpec((_NC, _RB, _H1), lambda i: (0, i, 0)),
            pl.BlockSpec((_RB, 1), lambda i: (i, 0)),
            pl.BlockSpec((_RB, 1), lambda i: (i, 0)),
            pl.BlockSpec((1, _H1), lambda i: (0, 0)),
            pl.BlockSpec((_H1, 2 * _H2), lambda i: (0, 0)),
        ],
        out_specs=pl.BlockSpec((_RB, 2 * _H2), lambda i: (i, 0)),
        out_shape=jax.ShapeDtypeStruct((_N, 2 * _H2), jnp.float32),
    )(agg1, ni, no, b1.reshape(1, _H1), wcat)

    agg2 = _make_seg_sum(2 * _H2)(qw, src_seg, dst_deg)

    noise = jax.random.normal(jax.random.key(42), (_N, _H2), dtype=jnp.float32)
    bcat = jnp.concatenate([b2, b3]).reshape(1, 2 * _H2)
    z = pl.pallas_call(
        _tcc_body,
        grid=(_N // _RB,),
        in_specs=[
            pl.BlockSpec((_NC, _RB, 2 * _H2), lambda i: (0, i, 0)),
            pl.BlockSpec((_RB, 1), lambda i: (i, 0)),
            pl.BlockSpec((1, 2 * _H2), lambda i: (0, 0)),
            pl.BlockSpec((_RB, _H2), lambda i: (i, 0)),
        ],
        out_specs=pl.BlockSpec((_RB, _H2), lambda i: (i, 0)),
        out_shape=jax.ShapeDtypeStruct((_N, _H2), jnp.float32),
    )(agg2, ni, bcat, noise)

    gi = -(-_N // _DBI)
    gj = -(-_N // _DBJ)
    pre = pl.pallas_call(
        _dec_body,
        grid=(gi, gj),
        in_specs=[
            pl.BlockSpec((_DBI, _H2), lambda i, j: (i, 0)),
            pl.BlockSpec((_DBJ, _H2), lambda i, j: (j, 0)),
        ],
        out_specs=pl.BlockSpec((_DBI, _DBJ), lambda i, j: (i, j)),
        out_shape=jax.ShapeDtypeStruct((_N, _N), jnp.float32),
    )(z, z)

    return (pre, z)

# --- scband reference (transcript-rebuilt; emitter-appended) ---
"""Pipeline reference for scband-vgaemodel-70274254897510 (READ-ONLY COPY).

The authoritative reference and input builder live on the scoring server;
editing this copy changes nothing except your own understanding.
"""

import jax, jax.numpy as jnp
import numpy as np

N = 10000
E = 320000
D_IN = 128
H1 = 64
H2 = 16


def setup_inputs(seed: int = 0) -> dict:
    key = jax.random.key(seed)
    ks = jax.random.split(key, 8)
    features = jax.random.normal(ks[0], (N, D_IN), dtype=jnp.float32)
    edge_index = jax.random.randint(ks[1], (2, E), 0, N, dtype=jnp.int32)
    W1 = jax.random.normal(ks[2], (D_IN, H1), dtype=jnp.float32) * (1.0 / np.sqrt(D_IN))
    b1 = jnp.zeros((H1,), dtype=jnp.float32)
    W2 = jax.random.normal(ks[3], (H1, H2), dtype=jnp.float32) * (1.0 / np.sqrt(H1))
    b2 = jnp.zeros((H2,), dtype=jnp.float32)
    W3 = jax.random.normal(ks[4], (H1, H2), dtype=jnp.float32) * (1.0 / np.sqrt(H1))
    b3 = jnp.zeros((H2,), dtype=jnp.float32)
    return {"features": features, "edge_index": edge_index, "W1": W1, "b1": b1, "W2": W2, "b2": b2, "W3": W3, "b3": b3}


def _graph_conv(x, src, dst, W, b):
    # DGL GraphConv with norm='both': h = D_in^{-1/2} A D_out^{-1/2} x W + b
    ones = jnp.ones((E,), dtype=x.dtype)
    deg_out = jnp.clip(jnp.zeros((N,), dtype=x.dtype).at[src].add(ones), 1.0, None)
    deg_in = jnp.clip(jnp.zeros((N,), dtype=x.dtype).at[dst].add(ones), 1.0, None)
    norm_out = deg_out ** -0.5
    norm_in = deg_in ** -0.5
    h = x * norm_out[:, None]
    h = h @ W  # in_feats > out_feats: multiply weight before aggregation
    agg = jnp.zeros((N, W.shape[1]), dtype=x.dtype).at[dst].add(h[src])
    agg = agg * norm_in[:, None]
    return agg + b


def reference(features, edge_index, W1, b1, W2, b2, W3, b3):
    src = edge_index[0]
    dst = edge_index[1]
    h = jax.nn.relu(_graph_conv(features, src, dst, W1, b1))
    mean = _graph_conv(h, src, dst, W2, b2)
    log_std = _graph_conv(h, src, dst, W3, b3)
    # gaussian noise (fixed key for determinism); dropout=0.0 so decoder dropout is identity
    gaussian_noise = jax.random.normal(jax.random.key(42), (N, H2), dtype=jnp.float32)
    z = mean + gaussian_noise * jnp.exp(log_std)
    pre = jax.nn.sigmoid(z @ z.T)
    return (pre, z)

if __name__ == "__main__":
    import jax
    _d = setup_inputs()
    print(jax.jit(kernel)(*tuple(_d.values())))

</pallas_src>

<mosaic_0001>
#map = affine_map<(d0, d1) -> (0, 0, 0)>
#map1 = affine_map<(d0, d1) -> (0, 0, 0, 0)>
module attributes {stable_mosaic.version = 14 : i64} {
  func.func @_degree_body(%arg0: i32, %arg1: i32, %arg2: memref<32x79x128xi32, #tpu.memory_space<hbm>>, %arg3: memref<32x79x128xi32, #tpu.memory_space<hbm>>, %arg4: memref<2x2x10240x16xf32, #tpu.memory_space<hbm>>, %arg5: memref<79x128xi32, #tpu.memory_space<vmem>>, %arg6: memref<79x128xi32, #tpu.memory_space<vmem>>, %arg7: memref<128x16xf32, #tpu.memory_space<vmem>>, %arg8: memref<128x16xf32, #tpu.memory_space<vmem>>, %arg9: memref<10240x16xf32, #tpu.memory_space<vmem_shared>>, %arg10: memref<10240x16xf32, #tpu.memory_space<vmem_shared>>) attributes {dimension_semantics = [#tpu.dimension_semantics<core_parallel>, #tpu.dimension_semantics<subcore_parallel>], iteration_bounds = array<i64: 2, 16>, scalar_prefetch = 0 : i64, scratch_operands = 6 : i64, tpu.core_type = #tpu.core_type<sc_vector_subcore>, window_params = [{transform_indices = #map}, {transform_indices = #map}, {transform_indices = #map1}]} {
    %mul3A = arith.constant 2 : i32
    %mul3A_0 = arith.muli %arg1, %mul3A : i32
    %add3A = arith.addi %mul3A_0, %arg0 : i32
    "tpu.region"() ({
      %run_scoped3A_71 = tpu.sem_alloc : memref<!tpu.dma_semaphore, #tpu.memory_space<semaphore_mem>>
      %dma_start3A = arith.constant 0 : i32
      %dma_start3A_72 = arith.constant 0 : i32
      %dma_start3A_73 = tpu.memref_slice %arg2[%add3A, %dma_start3A, %dma_start3A_72] : memref<32x79x128xi32, #tpu.memory_space<hbm>> -> memref<1x79x128xi32, #tpu.memory_space<hbm>>
      %dma_start3A_74 = tpu.memref_squeeze %dma_start3A_73 : memref<1x79x128xi32, #tpu.memory_space<hbm>> -> memref<79x128xi32, #tpu.memory_space<hbm>>
      %dma_start3A_75 = arith.constant 0 : i32
      %dma_start3A_76 = arith.constant 0 : i32
      %dma_start3A_77 = tpu.memref_slice %arg2[%add3A, %dma_start3A_75, %dma_start3A_76] : memref<32x79x128xi32, #tpu.memory_space<hbm>> -> memref<1x79x128xi32, #tpu.memory_space<hbm>>
      %dma_start3A_78 = tpu.memref_squeeze %dma_start3A_77 : memref<1x79x128xi32, #tpu.memory_space<hbm>> -> memref<79x128xi32, #tpu.memory_space<hbm>>
      tpu.enqueue_dma source(%dma_start3A_78 : memref<79x128xi32, #tpu.memory_space<hbm>>) target(%arg5 : memref<79x128xi32, #tpu.memory_space<vmem>>) target_semaphore(%run_scoped3A_71 : memref<!tpu.dma_semaphore, #tpu.memory_space<semaphore_mem>>)
      %dma_wait3A = arith.constant 0 : i32
      %dma_wait3A_79 = arith.constant 0 : i32
      %dma_wait3A_80 = tpu.memref_slice %arg2[%add3A, %dma_wait3A, %dma_wait3A_79] : memref<32x79x128xi32, #tpu.memory_space<hbm>> -> memref<1x79x128xi32, #tpu.memory_space<hbm>>
      %dma_wait3A_81 = tpu.memref_squeeze %dma_wait3A_80 : memref<1x79x128xi32, #tpu.memory_space<hbm>> -> memref<79x128xi32, #tpu.memory_space<hbm>>
      %dma_wait3A_82 = arith.constant 0 : i32
      %dma_wait3A_83 = arith.constant 0 : i32
      %dma_wait3A_84 = tpu.memref_slice %arg2[%add3A, %dma_wait3A_82, %dma_wait3A_83] : memref<32x79x128xi32, #tpu.memory_space<hbm>> -> memref<1x79x128xi32, #tpu.memory_space<hbm>>
      %dma_wait3A_85 = tpu.memref_squeeze %dma_wait3A_84 : memref<1x79x128xi32, #tpu.memory_space<hbm>> -> memref<79x128xi32, #tpu.memory_space<hbm>>
      tpu.wait_dma2 semaphore(%run_scoped3A_71 : memref<!tpu.dma_semaphore, #tpu.memory_space<semaphore_mem>>) src(%dma_wait3A_85 : memref<79x128xi32, #tpu.memory_space<hbm>>) dst(%arg5 : memref<79x128xi32, #tpu.memory_space<vmem>>)
      tpu.yield
    }) : () -> ()
    "tpu.region"() ({
      %run_scoped3A_71 = tpu.sem_alloc : memref<!tpu.dma_semaphore, #tpu.memory_space<semaphore_mem>>
      %dma_start3A = arith.constant 0 : i32
      %dma_start3A_72 = arith.constant 0 : i32
      %dma_start3A_73 = tpu.memref_slice %arg3[%add3A, %dma_start3A, %dma_start3A_72] : memref<32x79x128xi32, #tpu.memory_space<hbm>> -> memref<1x79x128xi32, #tpu.memory_space<hbm>>
      %dma_start3A_74 = tpu.memref_squeeze %dma_start3A_73 : memref<1x79x128xi32, #tpu.memory_space<hbm>> -> memref<79x128xi32, #tpu.memory_space<hbm>>
      %dma_start3A_75 = arith.constant 0 : i32
      %dma_start3A_76 = arith.constant 0 : i32
      %dma_start3A_77 = tpu.memref_slice %arg3[%add3A, %dma_start3A_75, %dma_start3A_76] : memref<32x79x128xi32, #tpu.memory_space<hbm>> -> memref<1x79x128xi32, #tpu.memory_space<hbm>>
      %dma_start3A_78 = tpu.memref_squeeze %dma_start3A_77 : memref<1x79x128xi32, #tpu.memory_space<hbm>> -> memref<79x128xi32, #tpu.memory_space<hbm>>
      tpu.enqueue_dma source(%dma_start3A_78 : memref<79x128xi32, #tpu.memory_space<hbm>>) target(%arg6 : memref<79x128xi32, #tpu.memory_space<vmem>>) target_semaphore(%run_scoped3A_71 : memref<!tpu.dma_semaphore, #tpu.memory_space<semaphore_mem>>)
      %dma_wait3A = arith.constant 0 : i32
      %dma_wait3A_79 = arith.constant 0 : i32
      %dma_wait3A_80 = tpu.memref_slice %arg3[%add3A, %dma_wait3A, %dma_wait3A_79] : memref<32x79x128xi32, #tpu.memory_space<hbm>> -> memref<1x79x128xi32, #tpu.memory_space<hbm>>
      %dma_wait3A_81 = tpu.memref_squeeze %dma_wait3A_80 : memref<1x79x128xi32, #tpu.memory_space<hbm>> -> memref<79x128xi32, #tpu.memory_space<hbm>>
      %dma_wait3A_82 = arith.constant 0 : i32
      %dma_wait3A_83 = arith.constant 0 : i32
      %dma_wait3A_84 = tpu.memref_slice %arg3[%add3A, %dma_wait3A_82, %dma_wait3A_83] : memref<32x79x128xi32, #tpu.memory_space<hbm>> -> memref<1x79x128xi32, #tpu.memory_space<hbm>>
      %dma_wait3A_85 = tpu.memref_squeeze %dma_wait3A_84 : memref<1x79x128xi32, #tpu.memory_space<hbm>> -> memref<79x128xi32, #tpu.memory_space<hbm>>
      tpu.wait_dma2 semaphore(%run_scoped3A_71 : memref<!tpu.dma_semaphore, #tpu.memory_space<semaphore_mem>>) src(%dma_wait3A_85 : memref<79x128xi32, #tpu.memory_space<hbm>>) dst(%arg6 : memref<79x128xi32, #tpu.memory_space<vmem>>)
      tpu.yield
    }) : () -> ()
    %broadcast_in_dim3A = arith.constant 1.000000e+00 : f32
    %broadcast_in_dim3A_1 = vector.broadcast %broadcast_in_dim3A : f32 to vector<16xf32>
    %scan3A = arith.constant 0 : i32
    %scan3A_2 = arith.constant 0 : i32
    %scan3A_3 = arith.constant 128 : i32
    %scan3A_4 = arith.addi %scan3A_2, %scan3A_3 : i32
    %scan3A_5 = arith.constant 1 : i32
    scf.for %scan3A_71 = %scan3A_2 to %scan3A_4 step %scan3A_5  : i32 {
      %swap3A = arith.index_cast %scan3A_71 : i32 to index
      %swap3A_72 = arith.constant 0 : index
      %swap3A_73 = tpu.vector_load %arg7[%swap3A, %swap3A_72] {strides = array<i32>} : memref<128x16xf32, #tpu.memory_space<vmem>>, vector<1x16xf32>,
      %swap3A_74 = vector.shape_cast %swap3A_73 : vector<1x16xf32> to vector<16xf32>
      %swap3A_75 = vector.shape_cast %broadcast_in_dim3A_1 : vector<16xf32> to vector<1x16xf32>
      tpu.vector_store %arg7[%swap3A, %swap3A_72], %swap3A_75 {strides = array<i32>} : memref<128x16xf32, #tpu.memory_space<vmem>>, vector<1x16xf32>,
    }
    %scan3A_6 = arith.constant 128 : i32
    %broadcast_in_dim3A_7 = arith.constant 0.000000e+00 : f32
    %broadcast_in_dim3A_8 = vector.broadcast %broadcast_in_dim3A_7 : f32 to vector<16xf32>
    %scan3A_9 = arith.constant 0 : i32
    %scan3A_10 = arith.constant 0 : i32
    %scan3A_11 = arith.constant 128 : i32
    %scan3A_12 = arith.addi %scan3A_10, %scan3A_11 : i32
    %scan3A_13 = arith.constant 1 : i32
    scf.for %scan3A_71 = %scan3A_10 to %scan3A_12 step %scan3A_13  : i32 {
      %swap3A = arith.index_cast %scan3A_71 : i32 to index
      %swap3A_72 = arith.constant 0 : index
      %swap3A_73 = tpu.vector_load %arg8[%swap3A, %swap3A_72] {strides = array<i32>} : memref<128x16xf32, #tpu.memory_space<vmem>>, vector<1x16xf32>,
      %swap3A_74 = vector.shape_cast %swap3A_73 : vector<1x16xf32> to vector<16xf32>
      %swap3A_75 = vector.shape_cast %broadcast_in_dim3A_8 : vector<16xf32> to vector<1x16xf32>
      tpu.vector_store %arg8[%swap3A, %swap3A_72], %swap3A_75 {strides = array<i32>} : memref<128x16xf32, #tpu.memory_space<vmem>>, vector<1x16xf32>,
    }
    %scan3A_14 = arith.constant 128 : i32
    %mul3A_15 = arith.constant 640 : i32
    %mul3A_16 = arith.muli %arg1, %mul3A_15 : i32
    %add3A_17 = arith.constant 0 : i32
    %add3A_18 = arith.addi %mul3A_16, %add3A_17 : i32
    "tpu.region"() ({
      %run_scoped3A_71 = tpu.sem_alloc : memref<!tpu.dma_semaphore, #tpu.memory_space<semaphore_mem>>
      %dma_start3A = arith.constant 0 : i32
      %dma_start3A_72 = tpu.memref_slice %arg9[%add3A_18, %dma_start3A] : memref<10240x16xf32, #tpu.memory_space<vmem_shared>> -> memref<128x16xf32, #tpu.memory_space<vmem_shared>>
      %dma_start3A_73 = arith.constant 0 : i32
      %dma_start3A_74 = tpu.memref_slice %arg9[%add3A_18, %dma_start3A_73] : memref<10240x16xf32, #tpu.memory_space<vmem_shared>> -> memref<128x16xf32, #tpu.memory_space<vmem_shared>>
      tpu.enqueue_dma source(%arg8 : memref<128x16xf32, #tpu.memory_space<vmem>>) target(%dma_start3A_74 : memref<128x16xf32, #tpu.memory_space<vmem_shared>>) target_semaphore(%run_scoped3A_71 : memref<!tpu.dma_semaphore, #tpu.memory_space<semaphore_mem>>)
      %dma_wait3A = arith.constant 0 : i32
      %dma_wait3A_75 = tpu.memref_slice %arg9[%add3A_18, %dma_wait3A] : memref<10240x16xf32, #tpu.memory_space<vmem_shared>> -> memref<128x16xf32, #tpu.memory_space<vmem_shared>>
      %dma_wait3A_76 = arith.constant 0 : i32
      %dma_wait3A_77 = tpu.memref_slice %arg9[%add3A_18, %dma_wait3A_76] : memref<10240x16xf32, #tpu.memory_space<vmem_shared>> -> memref<128x16xf32, #tpu.memory_space<vmem_shared>>
      tpu.wait_dma2 semaphore(%run_scoped3A_71 : memref<!tpu.dma_semaphore, #tpu.memory_space<semaphore_mem>>) src(%arg8 : memref<128x16xf32, #tpu.memory_space<vmem>>) dst(%dma_wait3A_77 : memref<128x16xf32, #tpu.memory_space<vmem_shared>>)
      tpu.yield
    }) : () -> ()
    %mul3A_19 = arith.constant 640 : i32
    %mul3A_20 = arith.muli %arg1, %mul3A_19 : i32
    %add3A_21 = arith.constant 0 : i32
    %add3A_22 = arith.addi %mul3A_20, %add3A_21 : i32
    "tpu.region"() ({
      %run_scoped3A_71 = tpu.sem_alloc : memref<!tpu.dma_semaphore, #tpu.memory_space<semaphore_mem>>
      %dma_start3A = arith.constant 0 : i32
      %dma_start3A_72 = tpu.memref_slice %arg10[%add3A_22, %dma_start3A] : memref<10240x16xf32, #tpu.memory_space<vmem_shared>> -> memref<128x16xf32, #tpu.memory_space<vmem_shared>>
      %dma_start3A_73 = arith.constant 0 : i32
      %dma_start3A_74 = tpu.memref_slice %arg10[%add3A_22, %dma_start3A_73] : memref<10240x16xf32, #tpu.memory_space<vmem_shared>> -> memref<128x16xf32, #tpu.memory_space<vmem_shared>>
      tpu.enqueue_dma source(%arg8 : memref<128x16xf32, #tpu.memory_space<vmem>>) target(%dma_start3A_74 : memref<128x16xf32, #tpu.memory_space<vmem_shared>>) target_semaphore(%run_scoped3A_71 : memref<!tpu.dma_semaphore, #tpu.memory_space<semaphore_mem>>)
      %dma_wait3A = arith.constant 0 : i32
      %dma_wait3A_75 = tpu.memref_slice %arg10[%add3A_22, %dma_wait3A] : memref<10240x16xf32, #tpu.memory_space<vmem_shared>> -> memref<128x16xf32, #tpu.memory_space<vmem_shared>>
      %dma_wait3A_76 = arith.constant 0 : i32
      %dma_wait3A_77 = tpu.memref_slice %arg10[%add3A_22, %dma_wait3A_76] : memref<10240x16xf32, #tpu.memory_space<vmem_shared>> -> memref<128x16xf32, #tpu.memory_space<vmem_shared>>
      tpu.wait_dma2 semaphore(%run_scoped3A_71 : memref<!tpu.dma_semaphore, #tpu.memory_space<semaphore_mem>>) src(%arg8 : memref<128x16xf32, #tpu.memory_space<vmem>>) dst(%dma_wait3A_77 : memref<128x16xf32, #tpu.memory_space<vmem_shared>>)
      tpu.yield
    }) : () -> ()
    %mul3A_23 = arith.constant 640 : i32
    %mul3A_24 = arith.muli %arg1, %mul3A_23 : i32
    %add3A_25 = arith.constant 128 : i32
    %add3A_26 = arith.addi %mul3A_24, %add3A_25 : i32
    "tpu.region"() ({
      %run_scoped3A_71 = tpu.sem_alloc : memref<!tpu.dma_semaphore, #tpu.memory_space<semaphore_mem>>
      %dma_start3A = arith.constant 0 : i32
      %dma_start3A_72 = tpu.memref_slice %arg9[%add3A_26, %dma_start3A] : memref<10240x16xf32, #tpu.memory_space<vmem_shared>> -> memref<128x16xf32, #tpu.memory_space<vmem_shared>>
      %dma_start3A_73 = arith.constant 0 : i32
      %dma_start3A_74 = tpu.memref_slice %arg9[%add3A_26, %dma_start3A_73] : memref<10240x16xf32, #tpu.memory_space<vmem_shared>> -> memref<128x16xf32, #tpu.memory_space<vmem_shared>>
      tpu.enqueue_dma source(%arg8 : memref<128x16xf32, #tpu.memory_space<vmem>>) target(%dma_start3A_74 : memref<128x16xf32, #tpu.memory_space<vmem_shared>>) target_semaphore(%run_scoped3A_71 : memref<!tpu.dma_semaphore, #tpu.memory_space<semaphore_mem>>)
      %dma_wait3A = arith.constant 0 : i32
      %dma_wait3A_75 = tpu.memref_slice %arg9[%add3A_26, %dma_wait3A] : memref<10240x16xf32, #tpu.memory_space<vmem_shared>> -> memref<128x16xf32, #tpu.memory_space<vmem_shared>>
      %dma_wait3A_76 = arith.constant 0 : i32
      %dma_wait3A_77 = tpu.memref_slice %arg9[%add3A_26, %dma_wait3A_76] : memref<10240x16xf32, #tpu.memory_space<vmem_shared>> -> memref<128x16xf32, #tpu.memory_space<vmem_shared>>
      tpu.wait_dma2 semaphore(%run_scoped3A_71 : memref<!tpu.dma_semaphore, #tpu.memory_space<semaphore_mem>>) src(%arg8 : memref<128x16xf32, #tpu.memory_space<vmem>>) dst(%dma_wait3A_77 : memref<128x16xf32, #tpu.memory_space<vmem_shared>>)
      tpu.yield
    }) : () -> ()
    %mul3A_27 = arith.constant 640 : i32
    %mul3A_28 = arith.muli %arg1, %mul3A_27 : i32
    %add3A_29 = arith.constant 128 : i32
    %add3A_30 = arith.addi %mul3A_28, %add3A_29 : i32
    "tpu.region"() ({
      %run_scoped3A_71 = tpu.sem_alloc : memref<!tpu.dma_semaphore, #tpu.memory_space<semaphore_mem>>
      %dma_start3A = arith.constant 0 : i32
      %dma_start3A_72 = tpu.memref_slice %arg10[%add3A_30, %dma_start3A] : memref<10240x16xf32, #tpu.memory_space<vmem_shared>> -> memref<128x16xf32, #tpu.memory_space<vmem_shared>>
      %dma_start3A_73 = arith.constant 0 : i32
      %dma_start3A_74 = tpu.memref_slice %arg10[%add3A_30, %dma_start3A_73] : memref<10240x16xf32, #tpu.memory_space<vmem_shared>> -> memref<128x16xf32, #tpu.memory_space<vmem_shared>>
      tpu.enqueue_dma source(%arg8 : memref<128x16xf32, #tpu.memory_space<vmem>>) target(%dma_start3A_74 : memref<128x16xf32, #tpu.memory_space<vmem_shared>>) target_semaphore(%run_scoped3A_71 : memref<!tpu.dma_semaphore, #tpu.memory_space<semaphore_mem>>)
      %dma_wait3A = arith.constant 0 : i32
      %dma_wait3A_75 = tpu.memref_slice %arg10[%add3A_30, %dma_wait3A] : memref<10240x16xf32, #tpu.memory_space<vmem_shared>> -> memref<128x16xf32, #tpu.memory_space<vmem_shared>>
      %dma_wait3A_76 = arith.constant 0 : i32
      %dma_wait3A_77 = tpu.memref_slice %arg10[%add3A_30, %dma_wait3A_76] : memref<10240x16xf32, #tpu.memory_space<vmem_shared>> -> memref<128x16xf32, #tpu.memory_space<vmem_shared>>
      tpu.wait_dma2 semaphore(%run_scoped3A_71 : memref<!tpu.dma_semaphore, #tpu.memory_space<semaphore_mem>>) src(%arg8 : memref<128x16xf32, #tpu.memory_space<vmem>>) dst(%dma_wait3A_77 : memref<128x16xf32, #tpu.memory_space<vmem_shared>>)
      tpu.yield
    }) : () -> ()
    %mul3A_31 = arith.constant 640 : i32
    %mul3A_32 = arith.muli %arg1, %mul3A_31 : i32
    %add3A_33 = arith.constant 256 : i32
    %add3A_34 = arith.addi %mul3A_32, %add3A_33 : i32
    "tpu.region"() ({
      %run_scoped3A_71 = tpu.sem_alloc : memref<!tpu.dma_semaphore, #tpu.memory_space<semaphore_mem>>
      %dma_start3A = arith.constant 0 : i32
      %dma_start3A_72 = tpu.memref_slice %arg9[%add3A_34, %dma_start3A] : memref<10240x16xf32, #tpu.memory_space<vmem_shared>> -> memref<128x16xf32, #tpu.memory_space<vmem_shared>>
      %dma_start3A_73 = arith.constant 0 : i32
      %dma_start3A_74 = tpu.memref_slice %arg9[%add3A_34, %dma_start3A_73] : memref<10240x16xf32, #tpu.memory_space<vmem_shared>> -> memref<128x16xf32, #tpu.memory_space<vmem_shared>>
      tpu.enqueue_dma source(%arg8 : memref<128x16xf32, #tpu.memory_space<vmem>>) target(%dma_start3A_74 : memref<128x16xf32, #tpu.memory_space<vmem_shared>>) target_semaphore(%run_scoped3A_71 : memref<!tpu.dma_semaphore, #tpu.memory_space<semaphore_mem>>)
      %dma_wait3A = arith.constant 0 : i32
      %dma_wait3A_75 = tpu.memref_slice %arg9[%add3A_34, %dma_wait3A] : memref<10240x16xf32, #tpu.memory_space<vmem_shared>> -> memref<128x16xf32, #tpu.memory_space<vmem_shared>>
      %dma_wait3A_76 = arith.constant 0 : i32
      %dma_wait3A_77 = tpu.memref_slice %arg9[%add3A_34, %dma_wait3A_76] : memref<10240x16xf32, #tpu.memory_space<vmem_shared>> -> memref<128x16xf32, #tpu.memory_space<vmem_shared>>
      tpu.wait_dma2 semaphore(%run_scoped3A_71 : memref<!tpu.dma_semaphore, #tpu.memory_space<semaphore_mem>>) src(%arg8 : memref<128x16xf32, #tpu.memory_space<vmem>>) dst(%dma_wait3A_77 : memref<128x16xf32, #tpu.memory_space<vmem_shared>>)
      tpu.yield
    }) : () -> ()
    %mul3A_35 = arith.constant 640 : i32
    %mul3A_36 = arith.muli %arg1, %mul3A_35 : i32
    %add3A_37 = arith.constant 256 : i32
    %add3A_38 = arith.addi %mul3A_36, %add3A_37 : i32
    "tpu.region"() ({
      %run_scoped3A_71 = tpu.sem_alloc : memref<!tpu.dma_semaphore, #tpu.memory_space<semaphore_mem>>
      %dma_start3A = arith.constant 0 : i32
      %dma_start3A_72 = tpu.memref_slice %arg10[%add3A_38, %dma_start3A] : memref<10240x16xf32, #tpu.memory_space<vmem_shared>> -> memref<128x16xf32, #tpu.memory_space<vmem_shared>>
      %dma_start3A_73 = arith.constant 0 : i32
      %dma_start3A_74 = tpu.memref_slice %arg10[%add3A_38, %dma_start3A_73] : memref<10240x16xf32, #tpu.memory_space<vmem_shared>> -> memref<128x16xf32, #tpu.memory_space<vmem_shared>>
      tpu.enqueue_dma source(%arg8 : memref<128x16xf32, #tpu.memory_space<vmem>>) target(%dma_start3A_74 : memref<128x16xf32, #tpu.memory_space<vmem_shared>>) target_semaphore(%run_scoped3A_71 : memref<!tpu.dma_semaphore, #tpu.memory_space<semaphore_mem>>)
      %dma_wait3A = arith.constant 0 : i32
      %dma_wait3A_75 = tpu.memref_slice %arg10[%add3A_38, %dma_wait3A] : memref<10240x16xf32, #tpu.memory_space<vmem_shared>> -> memref<128x16xf32, #tpu.memory_space<vmem_shared>>
      %dma_wait3A_76 = arith.constant 0 : i32
      %dma_wait3A_77 = tpu.memref_slice %arg10[%add3A_38, %dma_wait3A_76] : memref<10240x16xf32, #tpu.memory_space<vmem_shared>> -> memref<128x16xf32, #tpu.memory_space<vmem_shared>>
      tpu.wait_dma2 semaphore(%run_scoped3A_71 : memref<!tpu.dma_semaphore, #tpu.memory_space<semaphore_mem>>) src(%arg8 : memref<128x16xf32, #tpu.memory_space<vmem>>) dst(%dma_wait3A_77 : memref<128x16xf32, #tpu.memory_space<vmem_shared>>)
      tpu.yield
    }) : () -> ()
    %mul3A_39 = arith.constant 640 : i32
    %mul3A_40 = arith.muli %arg1, %mul3A_39 : i32
    %add3A_41 = arith.constant 384 : i32
    %add3A_42 = arith.addi %mul3A_40, %add3A_41 : i32
    "tpu.region"() ({
      %run_scoped3A_71 = tpu.sem_alloc : memref<!tpu.dma_semaphore, #tpu.memory_space<semaphore_mem>>
      %dma_start3A = arith.constant 0 : i32
      %dma_start3A_72 = tpu.memref_slice %arg9[%add3A_42, %dma_start3A] : memref<10240x16xf32, #tpu.memory_space<vmem_shared>> -> memref<128x16xf32, #tpu.memory_space<vmem_shared>>
      %dma_start3A_73 = arith.constant 0 : i32
      %dma_start3A_74 = tpu.memref_slice %arg9[%add3A_42, %dma_start3A_73] : memref<10240x16xf32, #tpu.memory_space<vmem_shared>> -> memref<128x16xf32, #tpu.memory_space<vmem_shared>>
      tpu.enqueue_dma source(%arg8 : memref<128x16xf32, #tpu.memory_space<vmem>>) target(%dma_start3A_74 : memref<128x16xf32, #tpu.memory_space<vmem_shared>>) target_semaphore(%run_scoped3A_71 : memref<!tpu.dma_semaphore, #tpu.memory_space<semaphore_mem>>)
      %dma_wait3A = arith.constant 0 : i32
      %dma_wait3A_75 = tpu.memref_slice %arg9[%add3A_42, %dma_wait3A] : memref<10240x16xf32, #tpu.memory_space<vmem_shared>> -> memref<128x16xf32, #tpu.memory_space<vmem_shared>>
      %dma_wait3A_76 = arith.constant 0 : i32
      %dma_wait3A_77 = tpu.memref_slice %arg9[%add3A_42, %dma_wait3A_76] : memref<10240x16xf32, #tpu.memory_space<vmem_shared>> -> memref<128x16xf32, #tpu.memory_space<vmem_shared>>
      tpu.wait_dma2 semaphore(%run_scoped3A_71 : memref<!tpu.dma_semaphore, #tpu.memory_space<semaphore_mem>>) src(%arg8 : memref<128x16xf32, #tpu.memory_space<vmem>>) dst(%dma_wait3A_77 : memref<128x16xf32, #tpu.memory_space<vmem_shared>>)
      tpu.yield
    }) : () -> ()
    %mul3A_43 = arith.constant 640 : i32
    %mul3A_44 = arith.muli %arg1, %mul3A_43 : i32
    %add3A_45 = arith.constant 384 : i32
    %add3A_46 = arith.addi %mul3A_44, %add3A_45 : i32
    "tpu.region"() ({
      %run_scoped3A_71 = tpu.sem_alloc : memref<!tpu.dma_semaphore, #tpu.memory_space<semaphore_mem>>
      %dma_start3A = arith.constant 0 : i32
      %dma_start3A_72 = tpu.memref_slice %arg10[%add3A_46, %dma_start3A] : memref<10240x16xf32, #tpu.memory_space<vmem_shared>> -> memref<128x16xf32, #tpu.memory_space<vmem_shared>>
      %dma_start3A_73 = arith.constant 0 : i32
      %dma_start3A_74 = tpu.memref_slice %arg10[%add3A_46, %dma_start3A_73] : memref<10240x16xf32, #tpu.memory_space<vmem_shared>> -> memref<128x16xf32, #tpu.memory_space<vmem_shared>>
      tpu.enqueue_dma source(%arg8 : memref<128x16xf32, #tpu.memory_space<vmem>>) target(%dma_start3A_74 : memref<128x16xf32, #tpu.memory_space<vmem_shared>>) target_semaphore(%run_scoped3A_71 : memref<!tpu.dma_semaphore, #tpu.memory_space<semaphore_mem>>)
      %dma_wait3A = arith.constant 0 : i32
      %dma_wait3A_75 = tpu.memref_slice %arg10[%add3A_46, %dma_wait3A] : memref<10240x16xf32, #tpu.memory_space<vmem_shared>> -> memref<128x16xf32, #tpu.memory_space<vmem_shared>>
      %dma_wait3A_76 = arith.constant 0 : i32
      %dma_wait3A_77 = tpu.memref_slice %arg10[%add3A_46, %dma_wait3A_76] : memref<10240x16xf32, #tpu.memory_space<vmem_shared>> -> memref<128x16xf32, #tpu.memory_space<vmem_shared>>
      tpu.wait_dma2 semaphore(%run_scoped3A_71 : memref<!tpu.dma_semaphore, #tpu.memory_space<semaphore_mem>>) src(%arg8 : memref<128x16xf32, #tpu.memory_space<vmem>>) dst(%dma_wait3A_77 : memref<128x16xf32, #tpu.memory_space<vmem_shared>>)
      tpu.yield
    }) : () -> ()
    %mul3A_47 = arith.constant 640 : i32
    %mul3A_48 = arith.muli %arg1, %mul3A_47 : i32
    %add3A_49 = arith.constant 512 : i32
    %add3A_50 = arith.addi %mul3A_48, %add3A_49 : i32
    "tpu.region"() ({
      %run_scoped3A_71 = tpu.sem_alloc : memref<!tpu.dma_semaphore, #tpu.memory_space<semaphore_mem>>
      %dma_start3A = arith.constant 0 : i32
      %dma_start3A_72 = tpu.memref_slice %arg9[%add3A_50, %dma_start3A] : memref<10240x16xf32, #tpu.memory_space<vmem_shared>> -> memref<128x16xf32, #tpu.memory_space<vmem_shared>>
      %dma_start3A_73 = arith.constant 0 : i32
      %dma_start3A_74 = tpu.memref_slice %arg9[%add3A_50, %dma_start3A_73] : memref<10240x16xf32, #tpu.memory_space<vmem_shared>> -> memref<128x16xf32, #tpu.memory_space<vmem_shared>>
      tpu.enqueue_dma source(%arg8 : memref<128x16xf32, #tpu.memory_space<vmem>>) target(%dma_start3A_74 : memref<128x16xf32, #tpu.memory_space<vmem_shared>>) target_semaphore(%run_scoped3A_71 : memref<!tpu.dma_semaphore, #tpu.memory_space<semaphore_mem>>)
      %dma_wait3A = arith.constant 0 : i32
      %dma_wait3A_75 = tpu.memref_slice %arg9[%add3A_50, %dma_wait3A] : memref<10240x16xf32, #tpu.memory_space<vmem_shared>> -> memref<128x16xf32, #tpu.memory_space<vmem_shared>>
      %dma_wait3A_76 = arith.constant 0 : i32
      %dma_wait3A_77 = tpu.memref_slice %arg9[%add3A_50, %dma_wait3A_76] : memref<10240x16xf32, #tpu.memory_space<vmem_shared>> -> memref<128x16xf32, #tpu.memory_space<vmem_shared>>
      tpu.wait_dma2 semaphore(%run_scoped3A_71 : memref<!tpu.dma_semaphore, #tpu.memory_space<semaphore_mem>>) src(%arg8 : memref<128x16xf32, #tpu.memory_space<vmem>>) dst(%dma_wait3A_77 : memref<128x16xf32, #tpu.memory_space<vmem_shared>>)
      tpu.yield
    }) : () -> ()
    %mul3A_51 = arith.constant 640 : i32
    %mul3A_52 = arith.muli %arg1, %mul3A_51 : i32
    %add3A_53 = arith.constant 512 : i32
    %add3A_54 = arith.addi %mul3A_52, %add3A_53 : i32
    "tpu.region"() ({
      %run_scoped3A_71 = tpu.sem_alloc : memref<!tpu.dma_semaphore, #tpu.memory_space<semaphore_mem>>
      %dma_start3A = arith.constant 0 : i32
      %dma_start3A_72 = tpu.memref_slice %arg10[%add3A_54, %dma_start3A] : memref<10240x16xf32, #tpu.memory_space<vmem_shared>> -> memref<128x16xf32, #tpu.memory_space<vmem_shared>>
      %dma_start3A_73 = arith.constant 0 : i32
      %dma_start3A_74 = tpu.memref_slice %arg10[%add3A_54, %dma_start3A_73] : memref<10240x16xf32, #tpu.memory_space<vmem_shared>> -> memref<128x16xf32, #tpu.memory_space<vmem_shared>>
      tpu.enqueue_dma source(%arg8 : memref<128x16xf32, #tpu.memory_space<vmem>>) target(%dma_start3A_74 : memref<128x16xf32, #tpu.memory_space<vmem_shared>>) target_semaphore(%run_scoped3A_71 : memref<!tpu.dma_semaphore, #tpu.memory_space<semaphore_mem>>)
      %dma_wait3A = arith.constant 0 : i32
      %dma_wait3A_75 = tpu.memref_slice %arg10[%add3A_54, %dma_wait3A] : memref<10240x16xf32, #tpu.memory_space<vmem_shared>> -> memref<128x16xf32, #tpu.memory_space<vmem_shared>>
      %dma_wait3A_76 = arith.constant 0 : i32
      %dma_wait3A_77 = tpu.memref_slice %arg10[%add3A_54, %dma_wait3A_76] : memref<10240x16xf32, #tpu.memory_space<vmem_shared>> -> memref<128x16xf32, #tpu.memory_space<vmem_shared>>
      tpu.wait_dma2 semaphore(%run_scoped3A_71 : memref<!tpu.dma_semaphore, #tpu.memory_space<semaphore_mem>>) src(%arg8 : memref<128x16xf32, #tpu.memory_space<vmem>>) dst(%dma_wait3A_77 : memref<128x16xf32, #tpu.memory_space<vmem_shared>>)
      tpu.yield
    }) : () -> ()
    %barrier3A = arith.constant 0 : index
    tpu.barrier barrier_id(%barrier3A)
    %scan3A_55 = arith.constant 0 : i32
    %scan3A_56 = arith.constant 0 : i32
    %scan3A_57 = arith.constant 79 : i32
    %scan3A_58 = arith.addi %scan3A_56, %scan3A_57 : i32
    %scan3A_59 = arith.constant 1 : i32
    scf.for %scan3A_71 = %scan3A_56 to %scan3A_58 step %scan3A_59  : i32 {
      "tpu.region"() ({
        %run_scoped3A_72 = tpu.sem_alloc : memref<!tpu.dma_semaphore, #tpu.memory_space<semaphore_mem>>
        %dma_start3A = arith.constant 0 : i32
        %dma_start3A_73 = tpu.memref_slice %arg5[%scan3A_71, %dma_start3A] : memref<79x128xi32, #tpu.memory_space<vmem>> -> memref<1x128xi32, #tpu.memory_space<vmem>>
        %dma_start3A_74 = tpu.memref_squeeze %dma_start3A_73 : memref<1x128xi32, #tpu.memory_space<vmem>> -> memref<128xi32, #tpu.memory_space<vmem>>
        %dma_start3A_75 = arith.constant 0 : i32
        %dma_start3A_76 = arith.constant 0 : i32
        %dma_start3A_77 = tpu.memref_slice %arg9[%dma_start3A_75, %dma_start3A_76] : memref<10240x16xf32, #tpu.memory_space<vmem_shared>> -> memref<10240x16xf32, #tpu.memory_space<vmem_shared>>
        tpu.enqueue_indirect_dma source(%arg7 : memref<128x16xf32, #tpu.memory_space<vmem>>) target(%dma_start3A_77 : memref<10240x16xf32, #tpu.memory_space<vmem_shared>>) offsets(%dma_start3A_74 : memref<128xi32, #tpu.memory_space<vmem>>) semaphore(%run_scoped3A_72 : memref<!tpu.dma_semaphore, #tpu.memory_space<semaphore_mem>>) {add = true}
        %dma_wait3A = arith.constant 0 : i32
        %dma_wait3A_78 = tpu.memref_slice %arg5[%scan3A_71, %dma_wait3A] : memref<79x128xi32, #tpu.memory_space<vmem>> -> memref<1x128xi32, #tpu.memory_space<vmem>>
        %dma_wait3A_79 = tpu.memref_squeeze %dma_wait3A_78 : memref<1x128xi32, #tpu.memory_space<vmem>> -> memref<128xi32, #tpu.memory_space<vmem>>
        %dma_wait3A_80 = arith.constant 0 : i32
        %dma_wait3A_81 = arith.constant 0 : i32
        %dma_wait3A_82 = tpu.memref_slice %arg9[%dma_wait3A_80, %dma_wait3A_81] : memref<10240x16xf32, #tpu.memory_space<vmem_shared>> -> memref<10240x16xf32, #tpu.memory_space<vmem_shared>>
        tpu.wait_indirect_dma semaphore(%run_scoped3A_72 : memref<!tpu.dma_semaphore, #tpu.memory_space<semaphore_mem>>) src(%arg7 : memref<128x16xf32, #tpu.memory_space<vmem>>) dst(%dma_wait3A_82 : memref<10240x16xf32, #tpu.memory_space<vmem_shared>>)
        tpu.yield
      }) : () -> ()
      "tpu.region"() ({
        %run_scoped3A_72 = tpu.sem_alloc : memref<!tpu.dma_semaphore, #tpu.memory_space<semaphore_mem>>
        %dma_start3A = arith.constant 0 : i32
        %dma_start3A_73 = tpu.memref_slice %arg6[%scan3A_71, %dma_start3A] : memref<79x128xi32, #tpu.memory_space<vmem>> -> memref<1x128xi32, #tpu.memory_space<vmem>>
        %dma_start3A_74 = tpu.memref_squeeze %dma_start3A_73 : memref<1x128xi32, #tpu.memory_space<vmem>> -> memref<128xi32, #tpu.memory_space<vmem>>
        %dma_start3A_75 = arith.constant 0 : i32
        %dma_start3A_76 = arith.constant 0 : i32
        %dma_start3A_77 = tpu.memref_slice %arg10[%dma_start3A_75, %dma_start3A_76] : memref<10240x16xf32, #tpu.memory_space<vmem_shared>> -> memref<10240x16xf32, #tpu.memory_space<vmem_shared>>
        tpu.enqueue_indirect_dma source(%arg7 : memref<128x16xf32, #tpu.memory_space<vmem>>) target(%dma_start3A_77 : memref<10240x16xf32, #tpu.memory_space<vmem_shared>>) offsets(%dma_start3A_74 : memref<128xi32, #tpu.memory_space<vmem>>) semaphore(%run_scoped3A_72 : memref<!tpu.dma_semaphore, #tpu.memory_space<semaphore_mem>>) {add = true}
        %dma_wait3A = arith.constant 0 : i32
        %dma_wait3A_78 = tpu.memref_slice %arg6[%scan3A_71, %dma_wait3A] : memref<79x128xi32, #tpu.memory_space<vmem>> -> memref<1x128xi32, #tpu.memory_space<vmem>>
        %dma_wait3A_79 = tpu.memref_squeeze %dma_wait3A_78 : memref<1x128xi32, #tpu.memory_space<vmem>> -> memref<128xi32, #tpu.memory_space<vmem>>
        %dma_wait3A_80 = arith.constant 0 : i32
        %dma_wait3A_81 = arith.constant 0 : i32
        %dma_wait3A_82 = tpu.memref_slice %arg10[%dma_wait3A_80, %dma_wait3A_81] : memref<10240x16xf32, #tpu.memory_space<vmem_shared>> -> memref<10240x16xf32, #tpu.memory_space<vmem_shared>>
        tpu.wait_indirect_dma semaphore(%run_scoped3A_72 : memref<!tpu.dma_semaphore, #tpu.memory_space<semaphore_mem>>) src(%arg7 : memref<128x16xf32, #tpu.memory_space<vmem>>) dst(%dma_wait3A_82 : memref<10240x16xf32, #tpu.memory_space<vmem_shared>>)
        tpu.yield
      }) : () -> ()
    }
    %scan3A_60 = arith.constant 79 : i32
    %barrier3A_61 = arith.constant 0 : index
    tpu.barrier barrier_id(%barrier3A_61)
    %mul3A_62 = arith.constant 640 : i32
    %mul3A_63 = arith.muli %arg1, %mul3A_62 : i32
    %mul3A_64 = arith.constant 640 : i32
    %mul3A_65 = arith.muli %arg1, %mul3A_64 : i32
    %run_scoped3A = arith.constant 0 : i32
    "tpu.region"() ({
      %run_scoped3A_71 = tpu.sem_alloc : memref<!tpu.dma_semaphore, #tpu.memory_space<semaphore_mem>>
      %dma_start3A = arith.constant 0 : i32
      %dma_start3A_72 = tpu.memref_slice %arg4[%run_scoped3A, %arg0, %mul3A_65, %dma_start3A] : memref<2x2x10240x16xf32, #tpu.memory_space<hbm>> -> memref<1x1x640x16xf32, #tpu.memory_space<hbm>>
      %dma_start3A_73 = tpu.memref_squeeze %dma_start3A_72 : memref<1x1x640x16xf32, #tpu.memory_space<hbm>> -> memref<640x16xf32, #tpu.memory_space<hbm>>
      %dma_start3A_74 = arith.constant 0 : i32
      %dma_start3A_75 = tpu.memref_slice %arg9[%mul3A_63, %dma_start3A_74] : memref<10240x16xf32, #tpu.memory_space<vmem_shared>> -> memref<640x16xf32, #tpu.memory_space<vmem_shared>>
      tpu.enqueue_dma source(%dma_start3A_75 : memref<640x16xf32, #tpu.memory_space<vmem_shared>>) target(%dma_start3A_73 : memref<640x16xf32, #tpu.memory_space<hbm>>) target_semaphore(%run_scoped3A_71 : memref<!tpu.dma_semaphore, #tpu.memory_space<semaphore_mem>>)
      %dma_wait3A = arith.constant 0 : i32
      %dma_wait3A_76 = tpu.memref_slice %arg4[%run_scoped3A, %arg0, %mul3A_65, %dma_wait3A] : memref<2x2x10240x16xf32, #tpu.memory_space<hbm>> -> memref<1x1x640x16xf32, #tpu.memory_space<hbm>>
      %dma_wait3A_77 = tpu.memref_squeeze %dma_wait3A_76 : memref<1x1x640x16xf32, #tpu.memory_space<hbm>> -> memref<640x16xf32, #tpu.memory_space<hbm>>
      %dma_wait3A_78 = arith.constant 0 : i32
      %dma_wait3A_79 = tpu.memref_slice %arg9[%mul3A_63, %dma_wait3A_78] : memref<10240x16xf32, #tpu.memory_space<vmem_shared>> -> memref<640x16xf32, #tpu.memory_space<vmem_shared>>
      tpu.wait_dma2 semaphore(%run_scoped3A_71 : memref<!tpu.dma_semaphore, #tpu.memory_space<semaphore_mem>>) src(%dma_wait3A_79 : memref<640x16xf32, #tpu.memory_space<vmem_shared>>) dst(%dma_wait3A_77 : memref<640x16xf32, #tpu.memory_space<hbm>>)
      tpu.yield
    }) : () -> ()
    %mul3A_66 = arith.constant 640 : i32
    %mul3A_67 = arith.muli %arg1, %mul3A_66 : i32
    %mul3A_68 = arith.constant 640 : i32
    %mul3A_69 = arith.muli %arg1, %mul3A_68 : i32
    %run_scoped3A_70 = arith.constant 1 : i32
    "tpu.region"() ({
      %run_scoped3A_71 = tpu.sem_alloc : memref<!tpu.dma_semaphore, #tpu.memory_space<semaphore_mem>>
      %dma_start3A = arith.constant 0 : i32
      %dma_start3A_72 = tpu.memref_slice %arg4[%run_scoped3A_70, %arg0, %mul3A_69, %dma_start3A] : memref<2x2x10240x16xf32, #tpu.memory_space<hbm>> -> memref<1x1x640x16xf32, #tpu.memory_space<hbm>>
      %dma_start3A_73 = tpu.memref_squeeze %dma_start3A_72 : memref<1x1x640x16xf32, #tpu.memory_space<hbm>> -> memref<640x16xf32, #tpu.memory_space<hbm>>
      %dma_start3A_74 = arith.constant 0 : i32
      %dma_start3A_75 = tpu.memref_slice %arg10[%mul3A_67, %dma_start3A_74] : memref<10240x16xf32, #tpu.memory_space<vmem_shared>> -> memref<640x16xf32, #tpu.memory_space<vmem_shared>>
      tpu.enqueue_dma source(%dma_start3A_75 : memref<640x16xf32, #tpu.memory_space<vmem_shared>>) target(%dma_start3A_73 : memref<640x16xf32, #tpu.memory_space<hbm>>) target_semaphore(%run_scoped3A_71 : memref<!tpu.dma_semaphore, #tpu.memory_space<semaphore_mem>>)
      %dma_wait3A = arith.constant 0 : i32
      %dma_wait3A_76 = tpu.memref_slice %arg4[%run_scoped3A_70, %arg0, %mul3A_69, %dma_wait3A] : memref<2x2x10240x16xf32, #tpu.memory_space<hbm>> -> memref<1x1x640x16xf32, #tpu.memory_space<hbm>>
      %dma_wait3A_77 = tpu.memref_squeeze %dma_wait3A_76 : memref<1x1x640x16xf32, #tpu.memory_space<hbm>> -> memref<640x16xf32, #tpu.memory_space<hbm>>
      %dma_wait3A_78 = arith.constant 0 : i32
      %dma_wait3A_79 = tpu.memref_slice %arg10[%mul3A_67, %dma_wait3A_78] : memref<10240x16xf32, #tpu.memory_space<vmem_shared>> -> memref<640x16xf32, #tpu.memory_space<vmem_shared>>
      tpu.wait_dma2 semaphore(%run_scoped3A_71 : memref<!tpu.dma_semaphore, #tpu.memory_space<semaphore_mem>>) src(%dma_wait3A_79 : memref<640x16xf32, #tpu.memory_space<vmem_shared>>) dst(%dma_wait3A_77 : memref<640x16xf32, #tpu.memory_space<hbm>>)
      tpu.yield
    }) : () -> ()
    return
  }
}

#map = affine_map<(d0, d1) -> (0, 0)>
#map1 = affine_map<(d0, d1) -> (0, 0, 0)>
module attributes {stable_mosaic.version = 14 : i64} {
  func.func @seg_sum(%arg0: i32, %arg1: i32, %arg2: memref<10000x32xf32, #tpu.memory_space<hbm>>, %arg3: memref<32x79x128xi32, #tpu.memory_space<hbm>>, %arg4: memref<32x79x128xi32, #tpu.memory_space<hbm>>, %arg5: memref<2x10240x32xf32, #tpu.memory_space<hbm>>, %arg6: memref<79x128xi32, #tpu.memory_space<vmem>>, %arg7: memref<79x128xi32, #tpu.memory_space<vmem>>, %arg8: memref<2x128x32xf32, #tpu.memory_space<vmem>>, %arg9: memref<128x32xf32, #tpu.memory_space<vmem>>, %arg10: memref<10240x32xf32, #tpu.memory_space<vmem_shared>>, %arg11: memref<10000x32xf32, #tpu.memory_space<vmem_shared>>, %arg12: memref<!tpu.dma_semaphore, #tpu.memory_space<semaphore_mem>>, %arg13: memref<!tpu.dma_semaphore, #tpu.memory_space<semaphore_mem>>) attributes {dimension_semantics = [#tpu.dimension_semantics<core_parallel>, #tpu.dimension_semantics<subcore_parallel>], iteration_bounds = array<i64: 2, 16>, scalar_prefetch = 0 : i64, scratch_operands = 8 : i64, tpu.core_type = #tpu.core_type<sc_vector_subcore>, window_params = [{transform_indices = #map}, {transform_indices = #map1}, {transform_indices = #map1}, {transform_indices = #map1}]} {
    %mul3A = arith.constant 2 : i32
    %mul3A_0 = arith.muli %arg1, %mul3A : i32
    %add3A = arith.addi %mul3A_0, %arg0 : i32
    "tpu.region"() ({
      %run_scoped3A_63 = tpu.sem_alloc : memref<!tpu.dma_semaphore, #tpu.memory_space<semaphore_mem>>
      %dma_start3A_64 = arith.constant 0 : i32
      %dma_start3A_65 = arith.constant 0 : i32
      %dma_start3A_66 = tpu.memref_slice %arg3[%add3A, %dma_start3A_64, %dma_start3A_65] : memref<32x79x128xi32, #tpu.memory_space<hbm>> -> memref<1x79x128xi32, #tpu.memory_space<hbm>>
      %dma_start3A_67 = tpu.memref_squeeze %dma_start3A_66 : memref<1x79x128xi32, #tpu.memory_space<hbm>> -> memref<79x128xi32, #tpu.memory_space<hbm>>
      %dma_start3A_68 = arith.constant 0 : i32
      %dma_start3A_69 = arith.constant 0 : i32
      %dma_start3A_70 = tpu.memref_slice %arg3[%add3A, %dma_start3A_68, %dma_start3A_69] : memref<32x79x128xi32, #tpu.memory_space<hbm>> -> memref<1x79x128xi32, #tpu.memory_space<hbm>>
      %dma_start3A_71 = tpu.memref_squeeze %dma_start3A_70 : memref<1x79x128xi32, #tpu.memory_space<hbm>> -> memref<79x128xi32, #tpu.memory_space<hbm>>
      tpu.enqueue_dma source(%dma_start3A_71 : memref<79x128xi32, #tpu.memory_space<hbm>>) target(%arg6 : memref<79x128xi32, #tpu.memory_space<vmem>>) target_semaphore(%run_scoped3A_63 : memref<!tpu.dma_semaphore, #tpu.memory_space<semaphore_mem>>)
      %dma_wait3A_72 = arith.constant 0 : i32
      %dma_wait3A_73 = arith.constant 0 : i32
      %dma_wait3A_74 = tpu.memref_slice %arg3[%add3A, %dma_wait3A_72, %dma_wait3A_73] : memref<32x79x128xi32, #tpu.memory_space<hbm>> -> memref<1x79x128xi32, #tpu.memory_space<hbm>>
      %dma_wait3A_75 = tpu.memref_squeeze %dma_wait3A_74 : memref<1x79x128xi32, #tpu.memory_space<hbm>> -> memref<79x128xi32, #tpu.memory_space<hbm>>
      %dma_wait3A_76 = arith.constant 0 : i32
      %dma_wait3A_77 = arith.constant 0 : i32
      %dma_wait3A_78 = tpu.memref_slice %arg3[%add3A, %dma_wait3A_76, %dma_wait3A_77] : memref<32x79x128xi32, #tpu.memory_space<hbm>> -> memref<1x79x128xi32, #tpu.memory_space<hbm>>
      %dma_wait3A_79 = tpu.memref_squeeze %dma_wait3A_78 : memref<1x79x128xi32, #tpu.memory_space<hbm>> -> memref<79x128xi32, #tpu.memory_space<hbm>>
      tpu.wait_dma2 semaphore(%run_scoped3A_63 : memref<!tpu.dma_semaphore, #tpu.memory_space<semaphore_mem>>) src(%dma_wait3A_79 : memref<79x128xi32, #tpu.memory_space<hbm>>) dst(%arg6 : memref<79x128xi32, #tpu.memory_space<vmem>>)
      tpu.yield
    }) : () -> ()
    "tpu.region"() ({
      %run_scoped3A_63 = tpu.sem_alloc : memref<!tpu.dma_semaphore, #tpu.memory_space<semaphore_mem>>
      %dma_start3A_64 = arith.constant 0 : i32
      %dma_start3A_65 = arith.constant 0 : i32
      %dma_start3A_66 = tpu.memref_slice %arg4[%add3A, %dma_start3A_64, %dma_start3A_65] : memref<32x79x128xi32, #tpu.memory_space<hbm>> -> memref<1x79x128xi32, #tpu.memory_space<hbm>>
      %dma_start3A_67 = tpu.memref_squeeze %dma_start3A_66 : memref<1x79x128xi32, #tpu.memory_space<hbm>> -> memref<79x128xi32, #tpu.memory_space<hbm>>
      %dma_start3A_68 = arith.constant 0 : i32
      %dma_start3A_69 = arith.constant 0 : i32
      %dma_start3A_70 = tpu.memref_slice %arg4[%add3A, %dma_start3A_68, %dma_start3A_69] : memref<32x79x128xi32, #tpu.memory_space<hbm>> -> memref<1x79x128xi32, #tpu.memory_space<hbm>>
      %dma_start3A_71 = tpu.memref_squeeze %dma_start3A_70 : memref<1x79x128xi32, #tpu.memory_space<hbm>> -> memref<79x128xi32, #tpu.memory_space<hbm>>
      tpu.enqueue_dma source(%dma_start3A_71 : memref<79x128xi32, #tpu.memory_space<hbm>>) target(%arg7 : memref<79x128xi32, #tpu.memory_space<vmem>>) target_semaphore(%run_scoped3A_63 : memref<!tpu.dma_semaphore, #tpu.memory_space<semaphore_mem>>)
      %dma_wait3A_72 = arith.constant 0 : i32
      %dma_wait3A_73 = arith.constant 0 : i32
      %dma_wait3A_74 = tpu.memref_slice %arg4[%add3A, %dma_wait3A_72, %dma_wait3A_73] : memref<32x79x128xi32, #tpu.memory_space<hbm>> -> memref<1x79x128xi32, #tpu.memory_space<hbm>>
      %dma_wait3A_75 = tpu.memref_squeeze %dma_wait3A_74 : memref<1x79x128xi32, #tpu.memory_space<hbm>> -> memref<79x128xi32, #tpu.memory_space<hbm>>
      %dma_wait3A_76 = arith.constant 0 : i32
      %dma_wait3A_77 = arith.constant 0 : i32
      %dma_wait3A_78 = tpu.memref_slice %arg4[%add3A, %dma_wait3A_76, %dma_wait3A_77] : memref<32x79x128xi32, #tpu.memory_space<hbm>> -> memref<1x79x128xi32, #tpu.memory_space<hbm>>
      %dma_wait3A_79 = tpu.memref_squeeze %dma_wait3A_78 : memref<1x79x128xi32, #tpu.memory_space<hbm>> -> memref<79x128xi32, #tpu.memory_space<hbm>>
      tpu.wait_dma2 semaphore(%run_scoped3A_63 : memref<!tpu.dma_semaphore, #tpu.memory_space<semaphore_mem>>) src(%dma_wait3A_79 : memref<79x128xi32, #tpu.memory_space<hbm>>) dst(%arg7 : memref<79x128xi32, #tpu.memory_space<vmem>>)
      tpu.yield
    }) : () -> ()
    %lt3A = arith.constant 10 : i32
    %lt3A_1 = arith.cmpi slt, %arg1, %lt3A : i32
    %convert_element_type3A = arith.extui %lt3A_1 : i1 to i32
    %cond3A = arith.constant 0 : i32
    %cond3A_2 = arith.cmpi ne, %convert_element_type3A, %cond3A : i32
    scf.if %cond3A_2 {
      %mul3A_63 = arith.constant 1000 : i32
      %mul3A_64 = arith.muli %arg1, %mul3A_63 : i32
      %mul3A_65 = arith.constant 1000 : i32
      %mul3A_66 = arith.muli %arg1, %mul3A_65 : i32
      "tpu.region"() ({
        %run_scoped3A_67 = tpu.sem_alloc : memref<!tpu.dma_semaphore, #tpu.memory_space<semaphore_mem>>
        %dma_start3A_68 = arith.constant 0 : i32
        %dma_start3A_69 = tpu.memref_slice %arg11[%mul3A_66, %dma_start3A_68] : memref<10000x32xf32, #tpu.memory_space<vmem_shared>> -> memref<1000x32xf32, #tpu.memory_space<vmem_shared>>
        %dma_start3A_70 = arith.constant 0 : i32
        %dma_start3A_71 = tpu.memref_slice %arg2[%mul3A_64, %dma_start3A_70] : memref<10000x32xf32, #tpu.memory_space<hbm>> -> memref<1000x32xf32, #tpu.memory_space<hbm>>
        tpu.enqueue_dma source(%dma_start3A_71 : memref<1000x32xf32, #tpu.memory_space<hbm>>) target(%dma_start3A_69 : memref<1000x32xf32, #tpu.memory_space<vmem_shared>>) target_semaphore(%run_scoped3A_67 : memref<!tpu.dma_semaphore, #tpu.memory_space<semaphore_mem>>)
        %dma_wait3A_72 = arith.constant 0 : i32
        %dma_wait3A_73 = tpu.memref_slice %arg11[%mul3A_66, %dma_wait3A_72] : memref<10000x32xf32, #tpu.memory_space<vmem_shared>> -> memref<1000x32xf32, #tpu.memory_space<vmem_shared>>
        %dma_wait3A_74 = arith.constant 0 : i32
        %dma_wait3A_75 = tpu.memref_slice %arg2[%mul3A_64, %dma_wait3A_74] : memref<10000x32xf32, #tpu.memory_space<hbm>> -> memref<1000x32xf32, #tpu.memory_space<hbm>>
        tpu.wait_dma2 semaphore(%run_scoped3A_67 : memref<!tpu.dma_semaphore, #tpu.memory_space<semaphore_mem>>) src(%dma_wait3A_75 : memref<1000x32xf32, #tpu.memory_space<hbm>>) dst(%dma_wait3A_73 : memref<1000x32xf32, #tpu.memory_space<vmem_shared>>)
        tpu.yield
      }) : () -> ()
    } else {
    }
    %broadcast_in_dim3A = arith.constant 0.000000e+00 : f32
    %broadcast_in_dim3A_3 = vector.broadcast %broadcast_in_dim3A : f32 to vector<16xf32>
    %scan3A = arith.constant 0 : i32
    %scan3A_4 = arith.constant 0 : i32
    %scan3A_5 = arith.constant 128 : i32
    %scan3A_6 = arith.addi %scan3A_4, %scan3A_5 : i32
    %scan3A_7 = arith.constant 1 : i32
    scf.for %scan3A_63 = %scan3A_4 to %scan3A_6 step %scan3A_7  : i32 {
      %swap3A = arith.index_cast %scan3A_63 : i32 to index
      %swap3A_64 = arith.constant 0 : index
      %swap3A_65 = tpu.vector_load %arg9[%swap3A, %swap3A_64] {strides = array<i32>} : memref<128x32xf32, #tpu.memory_space<vmem>>, vector<1x16xf32>,
      %swap3A_66 = vector.shape_cast %swap3A_65 : vector<1x16xf32> to vector<16xf32>
      %swap3A_67 = vector.shape_cast %broadcast_in_dim3A_3 : vector<16xf32> to vector<1x16xf32>
      tpu.vector_store %arg9[%swap3A, %swap3A_64], %swap3A_67 {strides = array<i32>} : memref<128x32xf32, #tpu.memory_space<vmem>>, vector<1x16xf32>,
      %swap3A_68 = arith.index_cast %scan3A_63 : i32 to index
      %swap3A_69 = arith.constant 16 : index
      %swap3A_70 = tpu.vector_load %arg9[%swap3A_68, %swap3A_69] {strides = array<i32>} : memref<128x32xf32, #tpu.memory_space<vmem>>, vector<1x16xf32>,
      %swap3A_71 = vector.shape_cast %swap3A_70 : vector<1x16xf32> to vector<16xf32>
      %swap3A_72 = vector.shape_cast %broadcast_in_dim3A_3 : vector<16xf32> to vector<1x16xf32>
      tpu.vector_store %arg9[%swap3A_68, %swap3A_69], %swap3A_72 {strides = array<i32>} : memref<128x32xf32, #tpu.memory_space<vmem>>, vector<1x16xf32>,
    }
    %scan3A_8 = arith.constant 128 : i32
    %mul3A_9 = arith.constant 640 : i32
    %mul3A_10 = arith.muli %arg1, %mul3A_9 : i32
    %add3A_11 = arith.constant 0 : i32
    %add3A_12 = arith.addi %mul3A_10, %add3A_11 : i32
    "tpu.region"() ({
      %run_scoped3A_63 = tpu.sem_alloc : memref<!tpu.dma_semaphore, #tpu.memory_space<semaphore_mem>>
      %dma_start3A_64 = arith.constant 0 : i32
      %dma_start3A_65 = tpu.memref_slice %arg10[%add3A_12, %dma_start3A_64] : memref<10240x32xf32, #tpu.memory_space<vmem_shared>> -> memref<128x32xf32, #tpu.memory_space<vmem_shared>>
      %dma_start3A_66 = arith.constant 0 : i32
      %dma_start3A_67 = tpu.memref_slice %arg10[%add3A_12, %dma_start3A_66] : memref<10240x32xf32, #tpu.memory_space<vmem_shared>> -> memref<128x32xf32, #tpu.memory_space<vmem_shared>>
      tpu.enqueue_dma source(%arg9 : memref<128x32xf32, #tpu.memory_space<vmem>>) target(%dma_start3A_67 : memref<128x32xf32, #tpu.memory_space<vmem_shared>>) target_semaphore(%run_scoped3A_63 : memref<!tpu.dma_semaphore, #tpu.memory_space<semaphore_mem>>)
      %dma_wait3A_68 = arith.constant 0 : i32
      %dma_wait3A_69 = tpu.memref_slice %arg10[%add3A_12, %dma_wait3A_68] : memref<10240x32xf32, #tpu.memory_space<vmem_shared>> -> memref<128x32xf32, #tpu.memory_space<vmem_shared>>
      %dma_wait3A_70 = arith.constant 0 : i32
      %dma_wait3A_71 = tpu.memref_slice %arg10[%add3A_12, %dma_wait3A_70] : memref<10240x32xf32, #tpu.memory_space<vmem_shared>> -> memref<128x32xf32, #tpu.memory_space<vmem_shared>>
      tpu.wait_dma2 semaphore(%run_scoped3A_63 : memref<!tpu.dma_semaphore, #tpu.memory_space<semaphore_mem>>) src(%arg9 : memref<128x32xf32, #tpu.memory_space<vmem>>) dst(%dma_wait3A_71 : memref<128x32xf32, #tpu.memory_space<vmem_shared>>)
      tpu.yield
    }) : () -> ()
    %mul3A_13 = arith.constant 640 : i32
    %mul3A_14 = arith.muli %arg1, %mul3A_13 : i32
    %add3A_15 = arith.constant 128 : i32
    %add3A_16 = arith.addi %mul3A_14, %add3A_15 : i32
    "tpu.region"() ({
      %run_scoped3A_63 = tpu.sem_alloc : memref<!tpu.dma_semaphore, #tpu.memory_space<semaphore_mem>>
      %dma_start3A_64 = arith.constant 0 : i32
      %dma_start3A_65 = tpu.memref_slice %arg10[%add3A_16, %dma_start3A_64] : memref<10240x32xf32, #tpu.memory_space<vmem_shared>> -> memref<128x32xf32, #tpu.memory_space<vmem_shared>>
      %dma_start3A_66 = arith.constant 0 : i32
      %dma_start3A_67 = tpu.memref_slice %arg10[%add3A_16, %dma_start3A_66] : memref<10240x32xf32, #tpu.memory_space<vmem_shared>> -> memref<128x32xf32, #tpu.memory_space<vmem_shared>>
      tpu.enqueue_dma source(%arg9 : memref<128x32xf32, #tpu.memory_space<vmem>>) target(%dma_start3A_67 : memref<128x32xf32, #tpu.memory_space<vmem_shared>>) target_semaphore(%run_scoped3A_63 : memref<!tpu.dma_semaphore, #tpu.memory_space<semaphore_mem>>)
      %dma_wait3A_68 = arith.constant 0 : i32
      %dma_wait3A_69 = tpu.memref_slice %arg10[%add3A_16, %dma_wait3A_68] : memref<10240x32xf32, #tpu.memory_space<vmem_shared>> -> memref<128x32xf32, #tpu.memory_space<vmem_shared>>
      %dma_wait3A_70 = arith.constant 0 : i32
      %dma_wait3A_71 = tpu.memref_slice %arg10[%add3A_16, %dma_wait3A_70] : memref<10240x32xf32, #tpu.memory_space<vmem_shared>> -> memref<128x32xf32, #tpu.memory_space<vmem_shared>>
      tpu.wait_dma2 semaphore(%run_scoped3A_63 : memref<!tpu.dma_semaphore, #tpu.memory_space<semaphore_mem>>) src(%arg9 : memref<128x32xf32, #tpu.memory_space<vmem>>) dst(%dma_wait3A_71 : memref<128x32xf32, #tpu.memory_space<vmem_shared>>)
      tpu.yield
    }) : () -> ()
    %mul3A_17 = arith.constant 640 : i32
    %mul3A_18 = arith.muli %arg1, %mul3A_17 : i32
    %add3A_19 = arith.constant 256 : i32
    %add3A_20 = arith.addi %mul3A_18, %add3A_19 : i32
    "tpu.region"() ({
      %run_scoped3A_63 = tpu.sem_alloc : memref<!tpu.dma_semaphore, #tpu.memory_space<semaphore_mem>>
      %dma_start3A_64 = arith.constant 0 : i32
      %dma_start3A_65 = tpu.memref_slice %arg10[%add3A_20, %dma_start3A_64] : memref<10240x32xf32, #tpu.memory_space<vmem_shared>> -> memref<128x32xf32, #tpu.memory_space<vmem_shared>>
      %dma_start3A_66 = arith.constant 0 : i32
      %dma_start3A_67 = tpu.memref_slice %arg10[%add3A_20, %dma_start3A_66] : memref<10240x32xf32, #tpu.memory_space<vmem_shared>> -> memref<128x32xf32, #tpu.memory_space<vmem_shared>>
      tpu.enqueue_dma source(%arg9 : memref<128x32xf32, #tpu.memory_space<vmem>>) target(%dma_start3A_67 : memref<128x32xf32, #tpu.memory_space<vmem_shared>>) target_semaphore(%run_scoped3A_63 : memref<!tpu.dma_semaphore, #tpu.memory_space<semaphore_mem>>)
      %dma_wait3A_68 = arith.constant 0 : i32
      %dma_wait3A_69 = tpu.memref_slice %arg10[%add3A_20, %dma_wait3A_68] : memref<10240x32xf32, #tpu.memory_space<vmem_shared>> -> memref<128x32xf32, #tpu.memory_space<vmem_shared>>
      %dma_wait3A_70 = arith.constant 0 : i32
      %dma_wait3A_71 = tpu.memref_slice %arg10[%add3A_20, %dma_wait3A_70] : memref<10240x32xf32, #tpu.memory_space<vmem_shared>> -> memref<128x32xf32, #tpu.memory_space<vmem_shared>>
      tpu.wait_dma2 semaphore(%run_scoped3A_63 : memref<!tpu.dma_semaphore, #tpu.memory_space<semaphore_mem>>) src(%arg9 : memref<128x32xf32, #tpu.memory_space<vmem>>) dst(%dma_wait3A_71 : memref<128x32xf32, #tpu.memory_space<vmem_shared>>)
      tpu.yield
    }) : () -> ()
    %mul3A_21 = arith.constant 640 : i32
    %mul3A_22 = arith.muli %arg1, %mul3A_21 : i32
    %add3A_23 = arith.constant 384 : i32
    %add3A_24 = arith.addi %mul3A_22, %add3A_23 : i32
    "tpu.region"() ({
      %run_scoped3A_63 = tpu.sem_alloc : memref<!tpu.dma_semaphore, #tpu.memory_space<semaphore_mem>>
      %dma_start3A_64 = arith.constant 0 : i32
      %dma_start3A_65 = tpu.memref_slice %arg10[%add3A_24, %dma_start3A_64] : memref<10240x32xf32, #tpu.memory_space<vmem_shared>> -> memref<128x32xf32, #tpu.memory_space<vmem_shared>>
      %dma_start3A_66 = arith.constant 0 : i32
      %dma_start3A_67 = tpu.memref_slice %arg10[%add3A_24, %dma_start3A_66] : memref<10240x32xf32, #tpu.memory_space<vmem_shared>> -> memref<128x32xf32, #tpu.memory_space<vmem_shared>>
      tpu.enqueue_dma source(%arg9 : memref<128x32xf32, #tpu.memory_space<vmem>>) target(%dma_start3A_67 : memref<128x32xf32, #tpu.memory_space<vmem_shared>>) target_semaphore(%run_scoped3A_63 : memref<!tpu.dma_semaphore, #tpu.memory_space<semaphore_mem>>)
      %dma_wait3A_68 = arith.constant 0 : i32
      %dma_wait3A_69 = tpu.memref_slice %arg10[%add3A_24, %dma_wait3A_68] : memref<10240x32xf32, #tpu.memory_space<vmem_shared>> -> memref<128x32xf32, #tpu.memory_space<vmem_shared>>
      %dma_wait3A_70 = arith.constant 0 : i32
      %dma_wait3A_71 = tpu.memref_slice %arg10[%add3A_24, %dma_wait3A_70] : memref<10240x32xf32, #tpu.memory_space<vmem_shared>> -> memref<128x32xf32, #tpu.memory_space<vmem_shared>>
      tpu.wait_dma2 semaphore(%run_scoped3A_63 : memref<!tpu.dma_semaphore, #tpu.memory_space<semaphore_mem>>) src(%arg9 : memref<128x32xf32, #tpu.memory_space<vmem>>) dst(%dma_wait3A_71 : memref<128x32xf32, #tpu.memory_space<vmem_shared>>)
      tpu.yield
    }) : () -> ()
    %mul3A_25 = arith.constant 640 : i32
    %mul3A_26 = arith.muli %arg1, %mul3A_25 : i32
    %add3A_27 = arith.constant 512 : i32
    %add3A_28 = arith.addi %mul3A_26, %add3A_27 : i32
    "tpu.region"() ({
      %run_scoped3A_63 = tpu.sem_alloc : memref<!tpu.dma_semaphore, #tpu.memory_space<semaphore_mem>>
      %dma_start3A_64 = arith.constant 0 : i32
      %dma_start3A_65 = tpu.memref_slice %arg10[%add3A_28, %dma_start3A_64] : memref<10240x32xf32, #tpu.memory_space<vmem_shared>> -> memref<128x32xf32, #tpu.memory_space<vmem_shared>>
      %dma_start3A_66 = arith.constant 0 : i32
      %dma_start3A_67 = tpu.memref_slice %arg10[%add3A_28, %dma_start3A_66] : memref<10240x32xf32, #tpu.memory_space<vmem_shared>> -> memref<128x32xf32, #tpu.memory_space<vmem_shared>>
      tpu.enqueue_dma source(%arg9 : memref<128x32xf32, #tpu.memory_space<vmem>>) target(%dma_start3A_67 : memref<128x32xf32, #tpu.memory_space<vmem_shared>>) target_semaphore(%run_scoped3A_63 : memref<!tpu.dma_semaphore, #tpu.memory_space<semaphore_mem>>)
      %dma_wait3A_68 = arith.constant 0 : i32
      %dma_wait3A_69 = tpu.memref_slice %arg10[%add3A_28, %dma_wait3A_68] : memref<10240x32xf32, #tpu.memory_space<vmem_shared>> -> memref<128x32xf32, #tpu.memory_space<vmem_shared>>
      %dma_wait3A_70 = arith.constant 0 : i32
      %dma_wait3A_71 = tpu.memref_slice %arg10[%add3A_28, %dma_wait3A_70] : memref<10240x32xf32, #tpu.memory_space<vmem_shared>> -> memref<128x32xf32, #tpu.memory_space<vmem_shared>>
      tpu.wait_dma2 semaphore(%run_scoped3A_63 : memref<!tpu.dma_semaphore, #tpu.memory_space<semaphore_mem>>) src(%arg9 : memref<128x32xf32, #tpu.memory_space<vmem>>) dst(%dma_wait3A_71 : memref<128x32xf32, #tpu.memory_space<vmem_shared>>)
      tpu.yield
    }) : () -> ()
    %barrier3A = arith.constant 0 : index
    tpu.barrier barrier_id(%barrier3A)
    %dma_start3A = arith.constant 0 : i32
    %dma_start3A_29 = arith.constant 0 : i32
    %dma_start3A_30 = arith.constant 0 : i32
    %dma_start3A_31 = arith.constant 0 : i32
    %dma_start3A_32 = tpu.memref_slice %arg8[%dma_start3A_29, %dma_start3A_30, %dma_start3A_31] : memref<2x128x32xf32, #tpu.memory_space<vmem>> -> memref<1x128x32xf32, #tpu.memory_space<vmem>>
    %dma_start3A_33 = tpu.memref_squeeze %dma_start3A_32 : memref<1x128x32xf32, #tpu.memory_space<vmem>> -> memref<128x32xf32, #tpu.memory_space<vmem>>
    %dma_start3A_34 = arith.constant 0 : i32
    %dma_start3A_35 = tpu.memref_slice %arg6[%dma_start3A, %dma_start3A_34] : memref<79x128xi32, #tpu.memory_space<vmem>> -> memref<1x128xi32, #tpu.memory_space<vmem>>
    %dma_start3A_36 = tpu.memref_squeeze %dma_start3A_35 : memref<1x128xi32, #tpu.memory_space<vmem>> -> memref<128xi32, #tpu.memory_space<vmem>>
    %dma_start3A_37 = arith.constant 0 : i32
    %dma_start3A_38 = arith.constant 0 : i32
    %dma_start3A_39 = tpu.memref_slice %arg11[%dma_start3A_37, %dma_start3A_38] : memref<10000x32xf32, #tpu.memory_space<vmem_shared>> -> memref<10000x32xf32, #tpu.memory_space<vmem_shared>>
    tpu.enqueue_indirect_dma source(%dma_start3A_39 : memref<10000x32xf32, #tpu.memory_space<vmem_shared>>) target(%dma_start3A_33 : memref<128x32xf32, #tpu.memory_space<vmem>>) offsets(%dma_start3A_36 : memref<128xi32, #tpu.memory_space<vmem>>) semaphore(%arg12 : memref<!tpu.dma_semaphore, #tpu.memory_space<semaphore_mem>>)
    %scan3A_40 = arith.constant 0 : i32
    %scan3A_41 = arith.constant 0 : i32
    %scan3A_42 = arith.constant 39 : i32
    %scan3A_43 = arith.addi %scan3A_41, %scan3A_42 : i32
    %scan3A_44 = arith.constant 1 : i32
    scf.for %scan3A_63 = %scan3A_41 to %scan3A_43 step %scan3A_44  : i32 {
      %mul3A_64 = arith.constant 2 : i32
      %mul3A_65 = arith.muli %mul3A_64, %scan3A_63 : i32
      %add3A_66 = arith.constant 1 : i32
      %add3A_67 = arith.addi %mul3A_65, %add3A_66 : i32
      %dma_start3A_68 = arith.constant 1 : i32
      %dma_start3A_69 = arith.constant 0 : i32
      %dma_start3A_70 = arith.constant 0 : i32
      %dma_start3A_71 = tpu.memref_slice %arg8[%dma_start3A_68, %dma_start3A_69, %dma_start3A_70] : memref<2x128x32xf32, #tpu.memory_space<vmem>> -> memref<1x128x32xf32, #tpu.memory_space<vmem>>
      %dma_start3A_72 = tpu.memref_squeeze %dma_start3A_71 : memref<1x128x32xf32, #tpu.memory_space<vmem>> -> memref<128x32xf32, #tpu.memory_space<vmem>>
      %dma_start3A_73 = arith.constant 0 : i32
      %dma_start3A_74 = tpu.memref_slice %arg6[%add3A_67, %dma_start3A_73] : memref<79x128xi32, #tpu.memory_space<vmem>> -> memref<1x128xi32, #tpu.memory_space<vmem>>
      %dma_start3A_75 = tpu.memref_squeeze %dma_start3A_74 : memref<1x128xi32, #tpu.memory_space<vmem>> -> memref<128xi32, #tpu.memory_space<vmem>>
      %dma_start3A_76 = arith.constant 0 : i32
      %dma_start3A_77 = arith.constant 0 : i32
      %dma_start3A_78 = tpu.memref_slice %arg11[%dma_start3A_76, %dma_start3A_77] : memref<10000x32xf32, #tpu.memory_space<vmem_shared>> -> memref<10000x32xf32, #tpu.memory_space<vmem_shared>>
      tpu.enqueue_indirect_dma source(%dma_start3A_78 : memref<10000x32xf32, #tpu.memory_space<vmem_shared>>) target(%dma_start3A_72 : memref<128x32xf32, #tpu.memory_space<vmem>>) offsets(%dma_start3A_75 : memref<128xi32, #tpu.memory_space<vmem>>) semaphore(%arg13 : memref<!tpu.dma_semaphore, #tpu.memory_space<semaphore_mem>>)
      %dma_wait3A_79 = arith.constant 0 : i32
      %dma_wait3A_80 = arith.constant 0 : i32
      %dma_wait3A_81 = arith.constant 0 : i32
      %dma_wait3A_82 = tpu.memref_slice %arg8[%dma_wait3A_79, %dma_wait3A_80, %dma_wait3A_81] : memref<2x128x32xf32, #tpu.memory_space<vmem>> -> memref<1x128x32xf32, #tpu.memory_space<vmem>>
      %dma_wait3A_83 = tpu.memref_squeeze %dma_wait3A_82 : memref<1x128x32xf32, #tpu.memory_space<vmem>> -> memref<128x32xf32, #tpu.memory_space<vmem>>
      %dma_wait3A_84 = arith.constant 0 : i32
      %dma_wait3A_85 = tpu.memref_slice %arg6[%mul3A_65, %dma_wait3A_84] : memref<79x128xi32, #tpu.memory_space<vmem>> -> memref<1x128xi32, #tpu.memory_space<vmem>>
      %dma_wait3A_86 = tpu.memref_squeeze %dma_wait3A_85 : memref<1x128xi32, #tpu.memory_space<vmem>> -> memref<128xi32, #tpu.memory_space<vmem>>
      %dma_wait3A_87 = arith.constant 0 : i32
      %dma_wait3A_88 = arith.constant 0 : i32
      %dma_wait3A_89 = tpu.memref_slice %arg11[%dma_wait3A_87, %dma_wait3A_88] : memref<10000x32xf32, #tpu.memory_space<vmem_shared>> -> memref<10000x32xf32, #tpu.memory_space<vmem_shared>>
      tpu.wait_indirect_dma semaphore(%arg12 : memref<!tpu.dma_semaphore, #tpu.memory_space<semaphore_mem>>) src(%dma_wait3A_89 : memref<10000x32xf32, #tpu.memory_space<vmem_shared>>) dst(%dma_wait3A_83 : memref<128x32xf32, #tpu.memory_space<vmem>>)
      %run_scoped3A_90 = arith.constant 0 : i32
      "tpu.region"() ({
        %run_scoped3A_120 = tpu.sem_alloc : memref<!tpu.dma_semaphore, #tpu.memory_space<semaphore_mem>>
        %dma_start3A_121 = arith.constant 0 : i32
        %dma_start3A_122 = arith.constant 0 : i32
        %dma_start3A_123 = tpu.memref_slice %arg8[%run_scoped3A_90, %dma_start3A_121, %dma_start3A_122] : memref<2x128x32xf32, #tpu.memory_space<vmem>> -> memref<1x128x32xf32, #tpu.memory_space<vmem>>
        %dma_start3A_124 = tpu.memref_squeeze %dma_start3A_123 : memref<1x128x32xf32, #tpu.memory_space<vmem>> -> memref<128x32xf32, #tpu.memory_space<vmem>>
        %dma_start3A_125 = arith.constant 0 : i32
        %dma_start3A_126 = tpu.memref_slice %arg7[%mul3A_65, %dma_start3A_125] : memref<79x128xi32, #tpu.memory_space<vmem>> -> memref<1x128xi32, #tpu.memory_space<vmem>>
        %dma_start3A_127 = tpu.memref_squeeze %dma_start3A_126 : memref<1x128xi32, #tpu.memory_space<vmem>> -> memref<128xi32, #tpu.memory_space<vmem>>
        %dma_start3A_128 = arith.constant 0 : i32
        %dma_start3A_129 = arith.constant 0 : i32
        %dma_start3A_130 = tpu.memref_slice %arg10[%dma_start3A_128, %dma_start3A_129] : memref<10240x32xf32, #tpu.memory_space<vmem_shared>> -> memref<10240x32xf32, #tpu.memory_space<vmem_shared>>
        tpu.enqueue_indirect_dma source(%dma_start3A_124 : memref<128x32xf32, #tpu.memory_space<vmem>>) target(%dma_start3A_130 : memref<10240x32xf32, #tpu.memory_space<vmem_shared>>) offsets(%dma_start3A_127 : memref<128xi32, #tpu.memory_space<vmem>>) semaphore(%run_scoped3A_120 : memref<!tpu.dma_semaphore, #tpu.memory_space<semaphore_mem>>) {add = true}
        %dma_wait3A_131 = arith.constant 0 : i32
        %dma_wait3A_132 = arith.constant 0 : i32
        %dma_wait3A_133 = tpu.memref_slice %arg8[%run_scoped3A_90, %dma_wait3A_131, %dma_wait3A_132] : memref<2x128x32xf32, #tpu.memory_space<vmem>> -> memref<1x128x32xf32, #tpu.memory_space<vmem>>
        %dma_wait3A_134 = tpu.memref_squeeze %dma_wait3A_133 : memref<1x128x32xf32, #tpu.memory_space<vmem>> -> memref<128x32xf32, #tpu.memory_space<vmem>>
        %dma_wait3A_135 = arith.constant 0 : i32
        %dma_wait3A_136 = tpu.memref_slice %arg7[%mul3A_65, %dma_wait3A_135] : memref<79x128xi32, #tpu.memory_space<vmem>> -> memref<1x128xi32, #tpu.memory_space<vmem>>
        %dma_wait3A_137 = tpu.memref_squeeze %dma_wait3A_136 : memref<1x128xi32, #tpu.memory_space<vmem>> -> memref<128xi32, #tpu.memory_space<vmem>>
        %dma_wait3A_138 = arith.constant 0 : i32
        %dma_wait3A_139 = arith.constant 0 : i32
        %dma_wait3A_140 = tpu.memref_slice %arg10[%dma_wait3A_138, %dma_wait3A_139] : memref<10240x32xf32, #tpu.memory_space<vmem_shared>> -> memref<10240x32xf32, #tpu.memory_space<vmem_shared>>
        tpu.wait_indirect_dma semaphore(%run_scoped3A_120 : memref<!tpu.dma_semaphore, #tpu.memory_space<semaphore_mem>>) src(%dma_wait3A_134 : memref<128x32xf32, #tpu.memory_space<vmem>>) dst(%dma_wait3A_140 : memref<10240x32xf32, #tpu.memory_space<vmem_shared>>)
        tpu.yield
      }) : () -> ()
      %add3A_91 = arith.constant 2 : i32
      %add3A_92 = arith.addi %mul3A_65, %add3A_91 : i32
      %dma_start3A_93 = arith.constant 0 : i32
      %dma_start3A_94 = arith.constant 0 : i32
      %dma_start3A_95 = arith.constant 0 : i32
      %dma_start3A_96 = tpu.memref_slice %arg8[%dma_start3A_93, %dma_start3A_94, %dma_start3A_95] : memref<2x128x32xf32, #tpu.memory_space<vmem>> -> memref<1x128x32xf32, #tpu.memory_space<vmem>>
      %dma_start3A_97 = tpu.memref_squeeze %dma_start3A_96 : memref<1x128x32xf32, #tpu.memory_space<vmem>> -> memref<128x32xf32, #tpu.memory_space<vmem>>
      %dma_start3A_98 = arith.constant 0 : i32
      %dma_start3A_99 = tpu.memref_slice %arg6[%add3A_92, %dma_start3A_98] : memref<79x128xi32, #tpu.memory_space<vmem>> -> memref<1x128xi32, #tpu.memory_space<vmem>>
      %dma_start3A_100 = tpu.memref_squeeze %dma_start3A_99 : memref<1x128xi32, #tpu.memory_space<vmem>> -> memref<128xi32, #tpu.memory_space<vmem>>
      %dma_start3A_101 = arith.constant 0 : i32
      %dma_start3A_102 = arith.constant 0 : i32
      %dma_start3A_103 = tpu.memref_slice %arg11[%dma_start3A_101, %dma_start3A_102] : memref<10000x32xf32, #tpu.memory_space<vmem_shared>> -> memref<10000x32xf32, #tpu.memory_space<vmem_shared>>
      tpu.enqueue_indirect_dma source(%dma_start3A_103 : memref<10000x32xf32, #tpu.memory_space<vmem_shared>>) target(%dma_start3A_97 : memref<128x32xf32, #tpu.memory_space<vmem>>) offsets(%dma_start3A_100 : memref<128xi32, #tpu.memory_space<vmem>>) semaphore(%arg12 : memref<!tpu.dma_semaphore, #tpu.memory_space<semaphore_mem>>)
      %add3A_104 = arith.constant 1 : i32
      %add3A_105 = arith.addi %mul3A_65, %add3A_104 : i32
      %dma_wait3A_106 = arith.constant 1 : i32
      %dma_wait3A_107 = arith.constant 0 : i32
      %dma_wait3A_108 = arith.constant 0 : i32
      %dma_wait3A_109 = tpu.memref_slice %arg8[%dma_wait3A_106, %dma_wait3A_107, %dma_wait3A_108] : memref<2x128x32xf32, #tpu.memory_space<vmem>> -> memref<1x128x32xf32, #tpu.memory_space<vmem>>
      %dma_wait3A_110 = tpu.memref_squeeze %dma_wait3A_109 : memref<1x128x32xf32, #tpu.memory_space<vmem>> -> memref<128x32xf32, #tpu.memory_space<vmem>>
      %dma_wait3A_111 = arith.constant 0 : i32
      %dma_wait3A_112 = tpu.memref_slice %arg6[%add3A_105, %dma_wait3A_111] : memref<79x128xi32, #tpu.memory_space<vmem>> -> memref<1x128xi32, #tpu.memory_space<vmem>>
      %dma_wait3A_113 = tpu.memref_squeeze %dma_wait3A_112 : memref<1x128xi32, #tpu.memory_space<vmem>> -> memref<128xi32, #tpu.memory_space<vmem>>
      %dma_wait3A_114 = arith.constant 0 : i32
      %dma_wait3A_115 = arith.constant 0 : i32
      %dma_wait3A_116 = tpu.memref_slice %arg11[%dma_wait3A_114, %dma_wait3A_115] : memref<10000x32xf32, #tpu.memory_space<vmem_shared>> -> memref<10000x32xf32, #tpu.memory_space<vmem_shared>>
      tpu.wait_indirect_dma semaphore(%arg13 : memref<!tpu.dma_semaphore, #tpu.memory_space<semaphore_mem>>) src(%dma_wait3A_116 : memref<10000x32xf32, #tpu.memory_space<vmem_shared>>) dst(%dma_wait3A_110 : memref<128x32xf32, #tpu.memory_space<vmem>>)
      %add3A_117 = arith.constant 1 : i32
      %add3A_118 = arith.addi %mul3A_65, %add3A_117 : i32
      %run_scoped3A_119 = arith.constant 1 : i32
      "tpu.region"() ({
        %run_scoped3A_120 = tpu.sem_alloc : memref<!tpu.dma_semaphore, #tpu.memory_space<semaphore_mem>>
        %dma_start3A_121 = arith.constant 0 : i32
        %dma_start3A_122 = arith.constant 0 : i32
        %dma_start3A_123 = tpu.memref_slice %arg8[%run_scoped3A_119, %dma_start3A_121, %dma_start3A_122] : memref<2x128x32xf32, #tpu.memory_space<vmem>> -> memref<1x128x32xf32, #tpu.memory_space<vmem>>
        %dma_start3A_124 = tpu.memref_squeeze %dma_start3A_123 : memref<1x128x32xf32, #tpu.memory_space<vmem>> -> memref<128x32xf32, #tpu.memory_space<vmem>>
        %dma_start3A_125 = arith.constant 0 : i32
        %dma_start3A_126 = tpu.memref_slice %arg7[%add3A_118, %dma_start3A_125] : memref<79x128xi32, #tpu.memory_space<vmem>> -> memref<1x128xi32, #tpu.memory_space<vmem>>
        %dma_start3A_127 = tpu.memref_squeeze %dma_start3A_126 : memref<1x128xi32, #tpu.memory_space<vmem>> -> memref<128xi32, #tpu.memory_space<vmem>>
        %dma_start3A_128 = arith.constant 0 : i32
        %dma_start3A_129 = arith.constant 0 : i32
        %dma_start3A_130 = tpu.memref_slice %arg10[%dma_start3A_128, %dma_start3A_129] : memref<10240x32xf32, #tpu.memory_space<vmem_shared>> -> memref<10240x32xf32, #tpu.memory_space<vmem_shared>>
        tpu.enqueue_indirect_dma source(%dma_start3A_124 : memref<128x32xf32, #tpu.memory_space<vmem>>) target(%dma_start3A_130 : memref<10240x32xf32, #tpu.memory_space<vmem_shared>>) offsets(%dma_start3A_127 : memref<128xi32, #tpu.memory_space<vmem>>) semaphore(%run_scoped3A_120 : memref<!tpu.dma_semaphore, #tpu.memory_space<semaphore_mem>>) {add = true}
        %dma_wait3A_131 = arith.constant 0 : i32
        %dma_wait3A_132 = arith.constant 0 : i32
        %dma_wait3A_133 = tpu.memref_slice %arg8[%run_scoped3A_119, %dma_wait3A_131, %dma_wait3A_132] : memref<2x128x32xf32, #tpu.memory_space<vmem>> -> memref<1x128x32xf32, #tpu.memory_space<vmem>>
        %dma_wait3A_134 = tpu.memref_squeeze %dma_wait3A_133 : memref<1x128x32xf32, #tpu.memory_space<vmem>> -> memref<128x32xf32, #tpu.memory_space<vmem>>
        %dma_wait3A_135 = arith.constant 0 : i32
        %dma_wait3A_136 = tpu.memref_slice %arg7[%add3A_118, %dma_wait3A_135] : memref<79x128xi32, #tpu.memory_space<vmem>> -> memref<1x128xi32, #tpu.memory_space<vmem>>
        %dma_wait3A_137 = tpu.memref_squeeze %dma_wait3A_136 : memref<1x128xi32, #tpu.memory_space<vmem>> -> memref<128xi32, #tpu.memory_space<vmem>>
        %dma_wait3A_138 = arith.constant 0 : i32
        %dma_wait3A_139 = arith.constant 0 : i32
        %dma_wait3A_140 = tpu.memref_slice %arg10[%dma_wait3A_138, %dma_wait3A_139] : memref<10240x32xf32, #tpu.memory_space<vmem_shared>> -> memref<10240x32xf32, #tpu.memory_space<vmem_shared>>
        tpu.wait_indirect_dma semaphore(%run_scoped3A_120 : memref<!tpu.dma_semaphore, #tpu.memory_space<semaphore_mem>>) src(%dma_wait3A_134 : memref<128x32xf32, #tpu.memory_space<vmem>>) dst(%dma_wait3A_140 : memref<10240x32xf32, #tpu.memory_space<vmem_shared>>)
        tpu.yield
      }) : () -> ()
    }
    %scan3A_45 = arith.constant 39 : i32
    %dma_wait3A = arith.constant 78 : i32
    %dma_wait3A_46 = arith.constant 0 : i32
    %dma_wait3A_47 = arith.constant 0 : i32
    %dma_wait3A_48 = arith.constant 0 : i32
    %dma_wait3A_49 = tpu.memref_slice %arg8[%dma_wait3A_46, %dma_wait3A_47, %dma_wait3A_48] : memref<2x128x32xf32, #tpu.memory_space<vmem>> -> memref<1x128x32xf32, #tpu.memory_space<vmem>>
    %dma_wait3A_50 = tpu.memref_squeeze %dma_wait3A_49 : memref<1x128x32xf32, #tpu.memory_space<vmem>> -> memref<128x32xf32, #tpu.memory_space<vmem>>
    %dma_wait3A_51 = arith.constant 0 : i32
    %dma_wait3A_52 = tpu.memref_slice %arg6[%dma_wait3A, %dma_wait3A_51] : memref<79x128xi32, #tpu.memory_space<vmem>> -> memref<1x128xi32, #tpu.memory_space<vmem>>
    %dma_wait3A_53 = tpu.memref_squeeze %dma_wait3A_52 : memref<1x128xi32, #tpu.memory_space<vmem>> -> memref<128xi32, #tpu.memory_space<vmem>>
    %dma_wait3A_54 = arith.constant 0 : i32
    %dma_wait3A_55 = arith.constant 0 : i32
    %dma_wait3A_56 = tpu.memref_slice %arg11[%dma_wait3A_54, %dma_wait3A_55] : memref<10000x32xf32, #tpu.memory_space<vmem_shared>> -> memref<10000x32xf32, #tpu.memory_space<vmem_shared>>
    tpu.wait_indirect_dma semaphore(%arg12 : memref<!tpu.dma_semaphore, #tpu.memory_space<semaphore_mem>>) src(%dma_wait3A_56 : memref<10000x32xf32, #tpu.memory_space<vmem_shared>>) dst(%dma_wait3A_50 : memref<128x32xf32, #tpu.memory_space<vmem>>)
    %run_scoped3A = arith.constant 0 : i32
    %run_scoped3A_57 = arith.constant 78 : i32
    "tpu.region"() ({
      %run_scoped3A_63 = tpu.sem_alloc : memref<!tpu.dma_semaphore, #tpu.memory_space<semaphore_mem>>
      %dma_start3A_64 = arith.constant 0 : i32
      %dma_start3A_65 = arith.constant 0 : i32
      %dma_start3A_66 = tpu.memref_slice %arg8[%run_scoped3A, %dma_start3A_64, %dma_start3A_65] : memref<2x128x32xf32, #tpu.memory_space<vmem>> -> memref<1x128x32xf32, #tpu.memory_space<vmem>>
      %dma_start3A_67 = tpu.memref_squeeze %dma_start3A_66 : memref<1x128x32xf32, #tpu.memory_space<vmem>> -> memref<128x32xf32, #tpu.memory_space<vmem>>
      %dma_start3A_68 = arith.constant 0 : i32
      %dma_start3A_69 = tpu.memref_slice %arg7[%run_scoped3A_57, %dma_start3A_68] : memref<79x128xi32, #tpu.memory_space<vmem>> -> memref<1x128xi32, #tpu.memory_space<vmem>>
      %dma_start3A_70 = tpu.memref_squeeze %dma_start3A_69 : memref<1x128xi32, #tpu.memory_space<vmem>> -> memref<128xi32, #tpu.memory_space<vmem>>
      %dma_start3A_71 = arith.constant 0 : i32
      %dma_start3A_72 = arith.constant 0 : i32
      %dma_start3A_73 = tpu.memref_slice %arg10[%dma_start3A_71, %dma_start3A_72] : memref<10240x32xf32, #tpu.memory_space<vmem_shared>> -> memref<10240x32xf32, #tpu.memory_space<vmem_shared>>
      tpu.enqueue_indirect_dma source(%dma_start3A_67 : memref<128x32xf32, #tpu.memory_space<vmem>>) target(%dma_start3A_73 : memref<10240x32xf32, #tpu.memory_space<vmem_shared>>) offsets(%dma_start3A_70 : memref<128xi32, #tpu.memory_space<vmem>>) semaphore(%run_scoped3A_63 : memref<!tpu.dma_semaphore, #tpu.memory_space<semaphore_mem>>) {add = true}
      %dma_wait3A_74 = arith.constant 0 : i32
      %dma_wait3A_75 = arith.constant 0 : i32
      %dma_wait3A_76 = tpu.memref_slice %arg8[%run_scoped3A, %dma_wait3A_74, %dma_wait3A_75] : memref<2x128x32xf32, #tpu.memory_space<vmem>> -> memref<1x128x32xf32, #tpu.memory_space<vmem>>
      %dma_wait3A_77 = tpu.memref_squeeze %dma_wait3A_76 : memref<1x128x32xf32, #tpu.memory_space<vmem>> -> memref<128x32xf32, #tpu.memory_space<vmem>>
      %dma_wait3A_78 = arith.constant 0 : i32
      %dma_wait3A_79 = tpu.memref_slice %arg7[%run_scoped3A_57, %dma_wait3A_78] : memref<79x128xi32, #tpu.memory_space<vmem>> -> memref<1x128xi32, #tpu.memory_space<vmem>>
      %dma_wait3A_80 = tpu.memref_squeeze %dma_wait3A_79 : memref<1x128xi32, #tpu.memory_space<vmem>> -> memref<128xi32, #tpu.memory_space<vmem>>
      %dma_wait3A_81 = arith.constant 0 : i32
      %dma_wait3A_82 = arith.constant 0 : i32
      %dma_wait3A_83 = tpu.memref_slice %arg10[%dma_wait3A_81, %dma_wait3A_82] : memref<10240x32xf32, #tpu.memory_space<vmem_shared>> -> memref<10240x32xf32, #tpu.memory_space<vmem_shared>>
      tpu.wait_indirect_dma semaphore(%run_scoped3A_63 : memref<!tpu.dma_semaphore, #tpu.memory_space<semaphore_mem>>) src(%dma_wait3A_77 : memref<128x32xf32, #tpu.memory_space<vmem>>) dst(%dma_wait3A_83 : memref<10240x32xf32, #tpu.memory_space<vmem_shared>>)
      tpu.yield
    }) : () -> ()
    %barrier3A_58 = arith.constant 0 : index
    tpu.barrier barrier_id(%barrier3A_58)
    %mul3A_59 = arith.constant 640 : i32
    %mul3A_60 = arith.muli %arg1, %mul3A_59 : i32
    %mul3A_61 = arith.constant 640 : i32
    %mul3A_62 = arith.muli %arg1, %mul3A_61 : i32
    "tpu.region"() ({
      %run_scoped3A_63 = tpu.sem_alloc : memref<!tpu.dma_semaphore, #tpu.memory_space<semaphore_mem>>
      %dma_start3A_64 = arith.constant 0 : i32
      %dma_start3A_65 = tpu.memref_slice %arg5[%arg0, %mul3A_62, %dma_start3A_64] : memref<2x10240x32xf32, #tpu.memory_space<hbm>> -> memref<1x640x32xf32, #tpu.memory_space<hbm>>
      %dma_start3A_66 = tpu.memref_squeeze %dma_start3A_65 : memref<1x640x32xf32, #tpu.memory_space<hbm>> -> memref<640x32xf32, #tpu.memory_space<hbm>>
      %dma_start3A_67 = arith.constant 0 : i32
      %dma_start3A_68 = tpu.memref_slice %arg10[%mul3A_60, %dma_start3A_67] : memref<10240x32xf32, #tpu.memory_space<vmem_shared>> -> memref<640x32xf32, #tpu.memory_space<vmem_shared>>
      tpu.enqueue_dma source(%dma_start3A_68 : memref<640x32xf32, #tpu.memory_space<vmem_shared>>) target(%dma_start3A_66 : memref<640x32xf32, #tpu.memory_space<hbm>>) target_semaphore(%run_scoped3A_63 : memref<!tpu.dma_semaphore, #tpu.memory_space<semaphore_mem>>)
      %dma_wait3A_69 = arith.constant 0 : i32
      %dma_wait3A_70 = tpu.memref_slice %arg5[%arg0, %mul3A_62, %dma_wait3A_69] : memref<2x10240x32xf32, #tpu.memory_space<hbm>> -> memref<1x640x32xf32, #tpu.memory_space<hbm>>
      %dma_wait3A_71 = tpu.memref_squeeze %dma_wait3A_70 : memref<1x640x32xf32, #tpu.memory_space<hbm>> -> memref<640x32xf32, #tpu.memory_space<hbm>>
      %dma_wait3A_72 = arith.constant 0 : i32
      %dma_wait3A_73 = tpu.memref_slice %arg10[%mul3A_60, %dma_wait3A_72] : memref<10240x32xf32, #tpu.memory_space<vmem_shared>> -> memref<640x32xf32, #tpu.memory_space<vmem_shared>>
      tpu.wait_dma2 semaphore(%run_scoped3A_63 : memref<!tpu.dma_semaphore, #tpu.memory_space<semaphore_mem>>) src(%dma_wait3A_73 : memref<640x32xf32, #tpu.memory_space<vmem_shared>>) dst(%dma_wait3A_71 : memref<640x32xf32, #tpu.memory_space<hbm>>)
      tpu.yield
    }) : () -> ()
    return
  }
}

#map = affine_map<(d0, d1) -> (0, 0)>
#map1 = affine_map<(d0, d1) -> (0, 0, 0)>
module attributes {stable_mosaic.version = 14 : i64} {
  func.func @seg_sum(%arg0: i32, %arg1: i32, %arg2: memref<10000x64xf32, #tpu.memory_space<hbm>>, %arg3: memref<32x79x128xi32, #tpu.memory_space<hbm>>, %arg4: memref<32x79x128xi32, #tpu.memory_space<hbm>>, %arg5: memref<2x10240x64xf32, #tpu.memory_space<hbm>>, %arg6: memref<79x128xi32, #tpu.memory_space<vmem>>, %arg7: memref<79x128xi32, #tpu.memory_space<vmem>>, %arg8: memref<2x128x64xf32, #tpu.memory_space<vmem>>, %arg9: memref<128x64xf32, #tpu.memory_space<vmem>>, %arg10: memref<10240x64xf32, #tpu.memory_space<vmem_shared>>, %arg11: memref<10000x64xf32, #tpu.memory_space<vmem_shared>>, %arg12: memref<!tpu.dma_semaphore, #tpu.memory_space<semaphore_mem>>, %arg13: memref<!tpu.dma_semaphore, #tpu.memory_space<semaphore_mem>>) attributes {dimension_semantics = [#tpu.dimension_semantics<core_parallel>, #tpu.dimension_semantics<subcore_parallel>], iteration_bounds = array<i64: 2, 16>, scalar_prefetch = 0 : i64, scratch_operands = 8 : i64, tpu.core_type = #tpu.core_type<sc_vector_subcore>, window_params = [{transform_indices = #map}, {transform_indices = #map1}, {transform_indices = #map1}, {transform_indices = #map1}]} {
    %mul3A = arith.constant 2 : i32
    %mul3A_0 = arith.muli %arg1, %mul3A : i32
    %add3A = arith.addi %mul3A_0, %arg0 : i32
    "tpu.region"() ({
      %run_scoped3A_63 = tpu.sem_alloc : memref<!tpu.dma_semaphore, #tpu.memory_space<semaphore_mem>>
      %dma_start3A_64 = arith.constant 0 : i32
      %dma_start3A_65 = arith.constant 0 : i32
      %dma_start3A_66 = tpu.memref_slice %arg3[%add3A, %dma_start3A_64, %dma_start3A_65] : memref<32x79x128xi32, #tpu.memory_space<hbm>> -> memref<1x79x128xi32, #tpu.memory_space<hbm>>
      %dma_start3A_67 = tpu.memref_squeeze %dma_start3A_66 : memref<1x79x128xi32, #tpu.memory_space<hbm>> -> memref<79x128xi32, #tpu.memory_space<hbm>>
      %dma_start3A_68 = arith.constant 0 : i32
      %dma_start3A_69 = arith.constant 0 : i32
      %dma_start3A_70 = tpu.memref_slice %arg3[%add3A, %dma_start3A_68, %dma_start3A_69] : memref<32x79x128xi32, #tpu.memory_space<hbm>> -> memref<1x79x128xi32, #tpu.memory_space<hbm>>
      %dma_start3A_71 = tpu.memref_squeeze %dma_start3A_70 : memref<1x79x128xi32, #tpu.memory_space<hbm>> -> memref<79x128xi32, #tpu.memory_space<hbm>>
      tpu.enqueue_dma source(%dma_start3A_71 : memref<79x128xi32, #tpu.memory_space<hbm>>) target(%arg6 : memref<79x128xi32, #tpu.memory_space<vmem>>) target_semaphore(%run_scoped3A_63 : memref<!tpu.dma_semaphore, #tpu.memory_space<semaphore_mem>>)
      %dma_wait3A_72 = arith.constant 0 : i32
      %dma_wait3A_73 = arith.constant 0 : i32
      %dma_wait3A_74 = tpu.memref_slice %arg3[%add3A, %dma_wait3A_72, %dma_wait3A_73] : memref<32x79x128xi32, #tpu.memory_space<hbm>> -> memref<1x79x128xi32, #tpu.memory_space<hbm>>
      %dma_wait3A_75 = tpu.memref_squeeze %dma_wait3A_74 : memref<1x79x128xi32, #tpu.memory_space<hbm>> -> memref<79x128xi32, #tpu.memory_space<hbm>>
      %dma_wait3A_76 = arith.constant 0 : i32
      %dma_wait3A_77 = arith.constant 0 : i32
      %dma_wait3A_78 = tpu.memref_slice %arg3[%add3A, %dma_wait3A_76, %dma_wait3A_77] : memref<32x79x128xi32, #tpu.memory_space<hbm>> -> memref<1x79x128xi32, #tpu.memory_space<hbm>>
      %dma_wait3A_79 = tpu.memref_squeeze %dma_wait3A_78 : memref<1x79x128xi32, #tpu.memory_space<hbm>> -> memref<79x128xi32, #tpu.memory_space<hbm>>
      tpu.wait_dma2 semaphore(%run_scoped3A_63 : memref<!tpu.dma_semaphore, #tpu.memory_space<semaphore_mem>>) src(%dma_wait3A_79 : memref<79x128xi32, #tpu.memory_space<hbm>>) dst(%arg6 : memref<79x128xi32, #tpu.memory_space<vmem>>)
      tpu.yield
    }) : () -> ()
    "tpu.region"() ({
      %run_scoped3A_63 = tpu.sem_alloc : memref<!tpu.dma_semaphore, #tpu.memory_space<semaphore_mem>>
      %dma_start3A_64 = arith.constant 0 : i32
      %dma_start3A_65 = arith.constant 0 : i32
      %dma_start3A_66 = tpu.memref_slice %arg4[%add3A, %dma_start3A_64, %dma_start3A_65] : memref<32x79x128xi32, #tpu.memory_space<hbm>> -> memref<1x79x128xi32, #tpu.memory_space<hbm>>
      %dma_start3A_67 = tpu.memref_squeeze %dma_start3A_66 : memref<1x79x128xi32, #tpu.memory_space<hbm>> -> memref<79x128xi32, #tpu.memory_space<hbm>>
      %dma_start3A_68 = arith.constant 0 : i32
      %dma_start3A_69 = arith.constant 0 : i32
      %dma_start3A_70 = tpu.memref_slice %arg4[%add3A, %dma_start3A_68, %dma_start3A_69] : memref<32x79x128xi32, #tpu.memory_space<hbm>> -> memref<1x79x128xi32, #tpu.memory_space<hbm>>
      %dma_start3A_71 = tpu.memref_squeeze %dma_start3A_70 : memref<1x79x128xi32, #tpu.memory_space<hbm>> -> memref<79x128xi32, #tpu.memory_space<hbm>>
      tpu.enqueue_dma source(%dma_start3A_71 : memref<79x128xi32, #tpu.memory_space<hbm>>) target(%arg7 : memref<79x128xi32, #tpu.memory_space<vmem>>) target_semaphore(%run_scoped3A_63 : memref<!tpu.dma_semaphore, #tpu.memory_space<semaphore_mem>>)
      %dma_wait3A_72 = arith.constant 0 : i32
      %dma_wait3A_73 = arith.constant 0 : i32
      %dma_wait3A_74 = tpu.memref_slice %arg4[%add3A, %dma_wait3A_72, %dma_wait3A_73] : memref<32x79x128xi32, #tpu.memory_space<hbm>> -> memref<1x79x128xi32, #tpu.memory_space<hbm>>
      %dma_wait3A_75 = tpu.memref_squeeze %dma_wait3A_74 : memref<1x79x128xi32, #tpu.memory_space<hbm>> -> memref<79x128xi32, #tpu.memory_space<hbm>>
      %dma_wait3A_76 = arith.constant 0 : i32
      %dma_wait3A_77 = arith.constant 0 : i32
      %dma_wait3A_78 = tpu.memref_slice %arg4[%add3A, %dma_wait3A_76, %dma_wait3A_77] : memref<32x79x128xi32, #tpu.memory_space<hbm>> -> memref<1x79x128xi32, #tpu.memory_space<hbm>>
      %dma_wait3A_79 = tpu.memref_squeeze %dma_wait3A_78 : memref<1x79x128xi32, #tpu.memory_space<hbm>> -> memref<79x128xi32, #tpu.memory_space<hbm>>
      tpu.wait_dma2 semaphore(%run_scoped3A_63 : memref<!tpu.dma_semaphore, #tpu.memory_space<semaphore_mem>>) src(%dma_wait3A_79 : memref<79x128xi32, #tpu.memory_space<hbm>>) dst(%arg7 : memref<79x128xi32, #tpu.memory_space<vmem>>)
      tpu.yield
    }) : () -> ()
    %lt3A = arith.constant 10 : i32
    %lt3A_1 = arith.cmpi slt, %arg1, %lt3A : i32
    %convert_element_type3A = arith.extui %lt3A_1 : i1 to i32
    %cond3A = arith.constant 0 : i32
    %cond3A_2 = arith.cmpi ne, %convert_element_type3A, %cond3A : i32
    scf.if %cond3A_2 {
      %mul3A_63 = arith.constant 1000 : i32
      %mul3A_64 = arith.muli %arg1, %mul3A_63 : i32
      %mul3A_65 = arith.constant 1000 : i32
      %mul3A_66 = arith.muli %arg1, %mul3A_65 : i32
      "tpu.region"() ({
        %run_scoped3A_67 = tpu.sem_alloc : memref<!tpu.dma_semaphore, #tpu.memory_space<semaphore_mem>>
        %dma_start3A_68 = arith.constant 0 : i32
        %dma_start3A_69 = tpu.memref_slice %arg11[%mul3A_66, %dma_start3A_68] : memref<10000x64xf32, #tpu.memory_space<vmem_shared>> -> memref<1000x64xf32, #tpu.memory_space<vmem_shared>>
        %dma_start3A_70 = arith.constant 0 : i32
        %dma_start3A_71 = tpu.memref_slice %arg2[%mul3A_64, %dma_start3A_70] : memref<10000x64xf32, #tpu.memory_space<hbm>> -> memref<1000x64xf32, #tpu.memory_space<hbm>>
        tpu.enqueue_dma source(%dma_start3A_71 : memref<1000x64xf32, #tpu.memory_space<hbm>>) target(%dma_start3A_69 : memref<1000x64xf32, #tpu.memory_space<vmem_shared>>) target_semaphore(%run_scoped3A_67 : memref<!tpu.dma_semaphore, #tpu.memory_space<semaphore_mem>>)
        %dma_wait3A_72 = arith.constant 0 : i32
        %dma_wait3A_73 = tpu.memref_slice %arg11[%mul3A_66, %dma_wait3A_72] : memref<10000x64xf32, #tpu.memory_space<vmem_shared>> -> memref<1000x64xf32, #tpu.memory_space<vmem_shared>>
        %dma_wait3A_74 = arith.constant 0 : i32
        %dma_wait3A_75 = tpu.memref_slice %arg2[%mul3A_64, %dma_wait3A_74] : memref<10000x64xf32, #tpu.memory_space<hbm>> -> memref<1000x64xf32, #tpu.memory_space<hbm>>
        tpu.wait_dma2 semaphore(%run_scoped3A_67 : memref<!tpu.dma_semaphore, #tpu.memory_space<semaphore_mem>>) src(%dma_wait3A_75 : memref<1000x64xf32, #tpu.memory_space<hbm>>) dst(%dma_wait3A_73 : memref<1000x64xf32, #tpu.memory_space<vmem_shared>>)
        tpu.yield
      }) : () -> ()
    } else {
    }
    %broadcast_in_dim3A = arith.constant 0.000000e+00 : f32
    %broadcast_in_dim3A_3 = vector.broadcast %broadcast_in_dim3A : f32 to vector<16xf32>
    %scan3A = arith.constant 0 : i32
    %scan3A_4 = arith.constant 0 : i32
    %scan3A_5 = arith.constant 128 : i32
    %scan3A_6 = arith.addi %scan3A_4, %scan3A_5 : i32
    %scan3A_7 = arith.constant 1 : i32
    scf.for %scan3A_63 = %scan3A_4 to %scan3A_6 step %scan3A_7  : i32 {
      %swap3A = arith.index_cast %scan3A_63 : i32 to index
      %swap3A_64 = arith.constant 0 : index
      %swap3A_65 = tpu.vector_load %arg9[%swap3A, %swap3A_64] {strides = array<i32>} : memref<128x64xf32, #tpu.memory_space<vmem>>, vector<1x16xf32>,
      %swap3A_66 = vector.shape_cast %swap3A_65 : vector<1x16xf32> to vector<16xf32>
      %swap3A_67 = vector.shape_cast %broadcast_in_dim3A_3 : vector<16xf32> to vector<1x16xf32>
      tpu.vector_store %arg9[%swap3A, %swap3A_64], %swap3A_67 {strides = array<i32>} : memref<128x64xf32, #tpu.memory_space<vmem>>, vector<1x16xf32>,
      %swap3A_68 = arith.index_cast %scan3A_63 : i32 to index
      %swap3A_69 = arith.constant 16 : index
      %swap3A_70 = tpu.vector_load %arg9[%swap3A_68, %swap3A_69] {strides = array<i32>} : memref<128x64xf32, #tpu.memory_space<vmem>>, vector<1x16xf32>,
      %swap3A_71 = vector.shape_cast %swap3A_70 : vector<1x16xf32> to vector<16xf32>
      %swap3A_72 = vector.shape_cast %broadcast_in_dim3A_3 : vector<16xf32> to vector<1x16xf32>
      tpu.vector_store %arg9[%swap3A_68, %swap3A_69], %swap3A_72 {strides = array<i32>} : memref<128x64xf32, #tpu.memory_space<vmem>>, vector<1x16xf32>,
      %swap3A_73 = arith.index_cast %scan3A_63 : i32 to index
      %swap3A_74 = arith.constant 32 : index
      %swap3A_75 = tpu.vector_load %arg9[%swap3A_73, %swap3A_74] {strides = array<i32>} : memref<128x64xf32, #tpu.memory_space<vmem>>, vector<1x16xf32>,
      %swap3A_76 = vector.shape_cast %swap3A_75 : vector<1x16xf32> to vector<16xf32>
      %swap3A_77 = vector.shape_cast %broadcast_in_dim3A_3 : vector<16xf32> to vector<1x16xf32>
      tpu.vector_store %arg9[%swap3A_73, %swap3A_74], %swap3A_77 {strides = array<i32>} : memref<128x64xf32, #tpu.memory_space<vmem>>, vector<1x16xf32>,
      %swap3A_78 = arith.index_cast %scan3A_63 : i32 to index
      %swap3A_79 = arith.constant 48 : index
      %swap3A_80 = tpu.vector_load %arg9[%swap3A_78, %swap3A_79] {strides = array<i32>} : memref<128x64xf32, #tpu.memory_space<vmem>>, vector<1x16xf32>,
      %swap3A_81 = vector.shape_cast %swap3A_80 : vector<1x16xf32> to vector<16xf32>
      %swap3A_82 = vector.shape_cast %broadcast_in_dim3A_3 : vector<16xf32> to vector<1x16xf32>
      tpu.vector_store %arg9[%swap3A_78, %swap3A_79], %swap3A_82 {strides = array<i32>} : memref<128x64xf32, #tpu.memory_space<vmem>>, vector<1x16xf32>,
    }
    %scan3A_8 = arith.constant 128 : i32
    %mul3A_9 = arith.constant 640 : i32
    %mul3A_10 = arith.muli %arg1, %mul3A_9 : i32
    %add3A_11 = arith.constant 0 : i32
    %add3A_12 = arith.addi %mul3A_10, %add3A_11 : i32
    "tpu.region"() ({
      %run_scoped3A_63 = tpu.sem_alloc : memref<!tpu.dma_semaphore, #tpu.memory_space<semaphore_mem>>
      %dma_start3A_64 = arith.constant 0 : i32
      %dma_start3A_65 = tpu.memref_slice %arg10[%add3A_12, %dma_start3A_64] : memref<10240x64xf32, #tpu.memory_space<vmem_shared>> -> memref<128x64xf32, #tpu.memory_space<vmem_shared>>
      %dma_start3A_66 = arith.constant 0 : i32
      %dma_start3A_67 = tpu.memref_slice %arg10[%add3A_12, %dma_start3A_66] : memref<10240x64xf32, #tpu.memory_space<vmem_shared>> -> memref<128x64xf32, #tpu.memory_space<vmem_shared>>
      tpu.enqueue_dma source(%arg9 : memref<128x64xf32, #tpu.memory_space<vmem>>) target(%dma_start3A_67 : memref<128x64xf32, #tpu.memory_space<vmem_shared>>) target_semaphore(%run_scoped3A_63 : memref<!tpu.dma_semaphore, #tpu.memory_space<semaphore_mem>>)
      %dma_wait3A_68 = arith.constant 0 : i32
      %dma_wait3A_69 = tpu.memref_slice %arg10[%add3A_12, %dma_wait3A_68] : memref<10240x64xf32, #tpu.memory_space<vmem_shared>> -> memref<128x64xf32, #tpu.memory_space<vmem_shared>>
      %dma_wait3A_70 = arith.constant 0 : i32
      %dma_wait3A_71 = tpu.memref_slice %arg10[%add3A_12, %dma_wait3A_70] : memref<10240x64xf32, #tpu.memory_space<vmem_shared>> -> memref<128x64xf32, #tpu.memory_space<vmem_shared>>
      tpu.wait_dma2 semaphore(%run_scoped3A_63 : memref<!tpu.dma_semaphore, #tpu.memory_space<semaphore_mem>>) src(%arg9 : memref<128x64xf32, #tpu.memory_space<vmem>>) dst(%dma_wait3A_71 : memref<128x64xf32, #tpu.memory_space<vmem_shared>>)
      tpu.yield
    }) : () -> ()
    %mul3A_13 = arith.constant 640 : i32
    %mul3A_14 = arith.muli %arg1, %mul3A_13 : i32
    %add3A_15 = arith.constant 128 : i32
    %add3A_16 = arith.addi %mul3A_14, %add3A_15 : i32
    "tpu.region"() ({
      %run_scoped3A_63 = tpu.sem_alloc : memref<!tpu.dma_semaphore, #tpu.memory_space<semaphore_mem>>
      %dma_start3A_64 = arith.constant 0 : i32
      %dma_start3A_65 = tpu.memref_slice %arg10[%add3A_16, %dma_start3A_64] : memref<10240x64xf32, #tpu.memory_space<vmem_shared>> -> memref<128x64xf32, #tpu.memory_space<vmem_shared>>
      %dma_start3A_66 = arith.constant 0 : i32
      %dma_start3A_67 = tpu.memref_slice %arg10[%add3A_16, %dma_start3A_66] : memref<10240x64xf32, #tpu.memory_space<vmem_shared>> -> memref<128x64xf32, #tpu.memory_space<vmem_shared>>
      tpu.enqueue_dma source(%arg9 : memref<128x64xf32, #tpu.memory_space<vmem>>) target(%dma_start3A_67 : memref<128x64xf32, #tpu.memory_space<vmem_shared>>) target_semaphore(%run_scoped3A_63 : memref<!tpu.dma_semaphore, #tpu.memory_space<semaphore_mem>>)
      %dma_wait3A_68 = arith.constant 0 : i32
      %dma_wait3A_69 = tpu.memref_slice %arg10[%add3A_16, %dma_wait3A_68] : memref<10240x64xf32, #tpu.memory_space<vmem_shared>> -> memref<128x64xf32, #tpu.memory_space<vmem_shared>>
      %dma_wait3A_70 = arith.constant 0 : i32
      %dma_wait3A_71 = tpu.memref_slice %arg10[%add3A_16, %dma_wait3A_70] : memref<10240x64xf32, #tpu.memory_space<vmem_shared>> -> memref<128x64xf32, #tpu.memory_space<vmem_shared>>
      tpu.wait_dma2 semaphore(%run_scoped3A_63 : memref<!tpu.dma_semaphore, #tpu.memory_space<semaphore_mem>>) src(%arg9 : memref<128x64xf32, #tpu.memory_space<vmem>>) dst(%dma_wait3A_71 : memref<128x64xf32, #tpu.memory_space<vmem_shared>>)
      tpu.yield
    }) : () -> ()
    %mul3A_17 = arith.constant 640 : i32
    %mul3A_18 = arith.muli %arg1, %mul3A_17 : i32
    %add3A_19 = arith.constant 256 : i32
    %add3A_20 = arith.addi %mul3A_18, %add3A_19 : i32
    "tpu.region"() ({
      %run_scoped3A_63 = tpu.sem_alloc : memref<!tpu.dma_semaphore, #tpu.memory_space<semaphore_mem>>
      %dma_start3A_64 = arith.constant 0 : i32
      %dma_start3A_65 = tpu.memref_slice %arg10[%add3A_20, %dma_start3A_64] : memref<10240x64xf32, #tpu.memory_space<vmem_shared>> -> memref<128x64xf32, #tpu.memory_space<vmem_shared>>
      %dma_start3A_66 = arith.constant 0 : i32
      %dma_start3A_67 = tpu.memref_slice %arg10[%add3A_20, %dma_start3A_66] : memref<10240x64xf32, #tpu.memory_space<vmem_shared>> -> memref<128x64xf32, #tpu.memory_space<vmem_shared>>
      tpu.enqueue_dma source(%arg9 : memref<128x64xf32, #tpu.memory_space<vmem>>) target(%dma_start3A_67 : memref<128x64xf32, #tpu.memory_space<vmem_shared>>) target_semaphore(%run_scoped3A_63 : memref<!tpu.dma_semaphore, #tpu.memory_space<semaphore_mem>>)
      %dma_wait3A_68 = arith.constant 0 : i32
      %dma_wait3A_69 = tpu.memref_slice %arg10[%add3A_20, %dma_wait3A_68] : memref<10240x64xf32, #tpu.memory_space<vmem_shared>> -> memref<128x64xf32, #tpu.memory_space<vmem_shared>>
      %dma_wait3A_70 = arith.constant 0 : i32
      %dma_wait3A_71 = tpu.memref_slice %arg10[%add3A_20, %dma_wait3A_70] : memref<10240x64xf32, #tpu.memory_space<vmem_shared>> -> memref<128x64xf32, #tpu.memory_space<vmem_shared>>
      tpu.wait_dma2 semaphore(%run_scoped3A_63 : memref<!tpu.dma_semaphore, #tpu.memory_space<semaphore_mem>>) src(%arg9 : memref<128x64xf32, #tpu.memory_space<vmem>>) dst(%dma_wait3A_71 : memref<128x64xf32, #tpu.memory_space<vmem_shared>>)
      tpu.yield
    }) : () -> ()
    %mul3A_21 = arith.constant 640 : i32
    %mul3A_22 = arith.muli %arg1, %mul3A_21 : i32
    %add3A_23 = arith.constant 384 : i32
    %add3A_24 = arith.addi %mul3A_22, %add3A_23 : i32
    "tpu.region"() ({
      %run_scoped3A_63 = tpu.sem_alloc : memref<!tpu.dma_semaphore, #tpu.memory_space<semaphore_mem>>
      %dma_start3A_64 = arith.constant 0 : i32
      %dma_start3A_65 = tpu.memref_slice %arg10[%add3A_24, %dma_start3A_64] : memref<10240x64xf32, #tpu.memory_space<vmem_shared>> -> memref<128x64xf32, #tpu.memory_space<vmem_shared>>
      %dma_start3A_66 = arith.constant 0 : i32
      %dma_start3A_67 = tpu.memref_slice %arg10[%add3A_24, %dma_start3A_66] : memref<10240x64xf32, #tpu.memory_space<vmem_shared>> -> memref<128x64xf32, #tpu.memory_space<vmem_shared>>
      tpu.enqueue_dma source(%arg9 : memref<128x64xf32, #tpu.memory_space<vmem>>) target(%dma_start3A_67 : memref<128x64xf32, #tpu.memory_space<vmem_shared>>) target_semaphore(%run_scoped3A_63 : memref<!tpu.dma_semaphore, #tpu.memory_space<semaphore_mem>>)
      %dma_wait3A_68 = arith.constant 0 : i32
      %dma_wait3A_69 = tpu.memref_slice %arg10[%add3A_24, %dma_wait3A_68] : memref<10240x64xf32, #tpu.memory_space<vmem_shared>> -> memref<128x64xf32, #tpu.memory_space<vmem_shared>>
      %dma_wait3A_70 = arith.constant 0 : i32
      %dma_wait3A_71 = tpu.memref_slice %arg10[%add3A_24, %dma_wait3A_70] : memref<10240x64xf32, #tpu.memory_space<vmem_shared>> -> memref<128x64xf32, #tpu.memory_space<vmem_shared>>
      tpu.wait_dma2 semaphore(%run_scoped3A_63 : memref<!tpu.dma_semaphore, #tpu.memory_space<semaphore_mem>>) src(%arg9 : memref<128x64xf32, #tpu.memory_space<vmem>>) dst(%dma_wait3A_71 : memref<128x64xf32, #tpu.memory_space<vmem_shared>>)
      tpu.yield
    }) : () -> ()
    %mul3A_25 = arith.constant 640 : i32
    %mul3A_26 = arith.muli %arg1, %mul3A_25 : i32
    %add3A_27 = arith.constant 512 : i32
    %add3A_28 = arith.addi %mul3A_26, %add3A_27 : i32
    "tpu.region"() ({
      %run_scoped3A_63 = tpu.sem_alloc : memref<!tpu.dma_semaphore, #tpu.memory_space<semaphore_mem>>
      %dma_start3A_64 = arith.constant 0 : i32
      %dma_start3A_65 = tpu.memref_slice %arg10[%add3A_28, %dma_start3A_64] : memref<10240x64xf32, #tpu.memory_space<vmem_shared>> -> memref<128x64xf32, #tpu.memory_space<vmem_shared>>
      %dma_start3A_66 = arith.constant 0 : i32
      %dma_start3A_67 = tpu.memref_slice %arg10[%add3A_28, %dma_start3A_66] : memref<10240x64xf32, #tpu.memory_space<vmem_shared>> -> memref<128x64xf32, #tpu.memory_space<vmem_shared>>
      tpu.enqueue_dma source(%arg9 : memref<128x64xf32, #tpu.memory_space<vmem>>) target(%dma_start3A_67 : memref<128x64xf32, #tpu.memory_space<vmem_shared>>) target_semaphore(%run_scoped3A_63 : memref<!tpu.dma_semaphore, #tpu.memory_space<semaphore_mem>>)
      %dma_wait3A_68 = arith.constant 0 : i32
      %dma_wait3A_69 = tpu.memref_slice %arg10[%add3A_28, %dma_wait3A_68] : memref<10240x64xf32, #tpu.memory_space<vmem_shared>> -> memref<128x64xf32, #tpu.memory_space<vmem_shared>>
      %dma_wait3A_70 = arith.constant 0 : i32
      %dma_wait3A_71 = tpu.memref_slice %arg10[%add3A_28, %dma_wait3A_70] : memref<10240x64xf32, #tpu.memory_space<vmem_shared>> -> memref<128x64xf32, #tpu.memory_space<vmem_shared>>
      tpu.wait_dma2 semaphore(%run_scoped3A_63 : memref<!tpu.dma_semaphore, #tpu.memory_space<semaphore_mem>>) src(%arg9 : memref<128x64xf32, #tpu.memory_space<vmem>>) dst(%dma_wait3A_71 : memref<128x64xf32, #tpu.memory_space<vmem_shared>>)
      tpu.yield
    }) : () -> ()
    %barrier3A = arith.constant 0 : index
    tpu.barrier barrier_id(%barrier3A)
    %dma_start3A = arith.constant 0 : i32
    %dma_start3A_29 = arith.constant 0 : i32
    %dma_start3A_30 = arith.constant 0 : i32
    %dma_start3A_31 = arith.constant 0 : i32
    %dma_start3A_32 = tpu.memref_slice %arg8[%dma_start3A_29, %dma_start3A_30, %dma_start3A_31] : memref<2x128x64xf32, #tpu.memory_space<vmem>> -> memref<1x128x64xf32, #tpu.memory_space<vmem>>
    %dma_start3A_33 = tpu.memref_squeeze %dma_start3A_32 : memref<1x128x64xf32, #tpu.memory_space<vmem>> -> memref<128x64xf32, #tpu.memory_space<vmem>>
    %dma_start3A_34 = arith.constant 0 : i32
    %dma_start3A_35 = tpu.memref_slice %arg6[%dma_start3A, %dma_start3A_34] : memref<79x128xi32, #tpu.memory_space<vmem>> -> memref<1x128xi32, #tpu.memory_space<vmem>>
    %dma_start3A_36 = tpu.memref_squeeze %dma_start3A_35 : memref<1x128xi32, #tpu.memory_space<vmem>> -> memref<128xi32, #tpu.memory_space<vmem>>
    %dma_start3A_37 = arith.constant 0 : i32
    %dma_start3A_38 = arith.constant 0 : i32
    %dma_start3A_39 = tpu.memref_slice %arg11[%dma_start3A_37, %dma_start3A_38] : memref<10000x64xf32, #tpu.memory_space<vmem_shared>> -> memref<10000x64xf32, #tpu.memory_space<vmem_shared>>
    tpu.enqueue_indirect_dma source(%dma_start3A_39 : memref<10000x64xf32, #tpu.memory_space<vmem_shared>>) target(%dma_start3A_33 : memref<128x64xf32, #tpu.memory_space<vmem>>) offsets(%dma_start3A_36 : memref<128xi32, #tpu.memory_space<vmem>>) semaphore(%arg12 : memref<!tpu.dma_semaphore, #tpu.memory_space<semaphore_mem>>)
    %scan3A_40 = arith.constant 0 : i32
    %scan3A_41 = arith.constant 0 : i32
    %scan3A_42 = arith.constant 39 : i32
    %scan3A_43 = arith.addi %scan3A_41, %scan3A_42 : i32
    %scan3A_44 = arith.constant 1 : i32
    scf.for %scan3A_63 = %scan3A_41 to %scan3A_43 step %scan3A_44  : i32 {
      %mul3A_64 = arith.constant 2 : i32
      %mul3A_65 = arith.muli %mul3A_64, %scan3A_63 : i32
      %add3A_66 = arith.constant 1 : i32
      %add3A_67 = arith.addi %mul3A_65, %add3A_66 : i32
      %dma_start3A_68 = arith.constant 1 : i32
      %dma_start3A_69 = arith.constant 0 : i32
      %dma_start3A_70 = arith.constant 0 : i32
      %dma_start3A_71 = tpu.memref_slice %arg8[%dma_start3A_68, %dma_start3A_69, %dma_start3A_70] : memref<2x128x64xf32, #tpu.memory_space<vmem>> -> memref<1x128x64xf32, #tpu.memory_space<vmem>>
      %dma_start3A_72 = tpu.memref_squeeze %dma_start3A_71 : memref<1x128x64xf32, #tpu.memory_space<vmem>> -> memref<128x64xf32, #tpu.memory_space<vmem>>
      %dma_start3A_73 = arith.constant 0 : i32
      %dma_start3A_74 = tpu.memref_slice %arg6[%add3A_67, %dma_start3A_73] : memref<79x128xi32, #tpu.memory_space<vmem>> -> memref<1x128xi32, #tpu.memory_space<vmem>>
      %dma_start3A_75 = tpu.memref_squeeze %dma_start3A_74 : memref<1x128xi32, #tpu.memory_space<vmem>> -> memref<128xi32, #tpu.memory_space<vmem>>
      %dma_start3A_76 = arith.constant 0 : i32
      %dma_start3A_77 = arith.constant 0 : i32
      %dma_start3A_78 = tpu.memref_slice %arg11[%dma_start3A_76, %dma_start3A_77] : memref<10000x64xf32, #tpu.memory_space<vmem_shared>> -> memref<10000x64xf32, #tpu.memory_space<vmem_shared>>
      tpu.enqueue_indirect_dma source(%dma_start3A_78 : memref<10000x64xf32, #tpu.memory_space<vmem_shared>>) target(%dma_start3A_72 : memref<128x64xf32, #tpu.memory_space<vmem>>) offsets(%dma_start3A_75 : memref<128xi32, #tpu.memory_space<vmem>>) semaphore(%arg13 : memref<!tpu.dma_semaphore, #tpu.memory_space<semaphore_mem>>)
      %dma_wait3A_79 = arith.constant 0 : i32
      %dma_wait3A_80 = arith.constant 0 : i32
      %dma_wait3A_81 = arith.constant 0 : i32
      %dma_wait3A_82 = tpu.memref_slice %arg8[%dma_wait3A_79, %dma_wait3A_80, %dma_wait3A_81] : memref<2x128x64xf32, #tpu.memory_space<vmem>> -> memref<1x128x64xf32, #tpu.memory_space<vmem>>
      %dma_wait3A_83 = tpu.memref_squeeze %dma_wait3A_82 : memref<1x128x64xf32, #tpu.memory_space<vmem>> -> memref<128x64xf32, #tpu.memory_space<vmem>>
      %dma_wait3A_84 = arith.constant 0 : i32
      %dma_wait3A_85 = tpu.memref_slice %arg6[%mul3A_65, %dma_wait3A_84] : memref<79x128xi32, #tpu.memory_space<vmem>> -> memref<1x128xi32, #tpu.memory_space<vmem>>
      %dma_wait3A_86 = tpu.memref_squeeze %dma_wait3A_85 : memref<1x128xi32, #tpu.memory_space<vmem>> -> memref<128xi32, #tpu.memory_space<vmem>>
      %dma_wait3A_87 = arith.constant 0 : i32
      %dma_wait3A_88 = arith.constant 0 : i32
      %dma_wait3A_89 = tpu.memref_slice %arg11[%dma_wait3A_87, %dma_wait3A_88] : memref<10000x64xf32, #tpu.memory_space<vmem_shared>> -> memref<10000x64xf32, #tpu.memory_space<vmem_shared>>
      tpu.wait_indirect_dma semaphore(%arg12 : memref<!tpu.dma_semaphore, #tpu.memory_space<semaphore_mem>>) src(%dma_wait3A_89 : memref<10000x64xf32, #tpu.memory_space<vmem_shared>>) dst(%dma_wait3A_83 : memref<128x64xf32, #tpu.memory_space<vmem>>)
      %run_scoped3A_90 = arith.constant 0 : i32
      "tpu.region"() ({
        %run_scoped3A_120 = tpu.sem_alloc : memref<!tpu.dma_semaphore, #tpu.memory_space<semaphore_mem>>
        %dma_start3A_121 = arith.constant 0 : i32
        %dma_start3A_122 = arith.constant 0 : i32
        %dma_start3A_123 = tpu.memref_slice %arg8[%run_scoped3A_90, %dma_start3A_121, %dma_start3A_122] : memref<2x128x64xf32, #tpu.memory_space<vmem>> -> memref<1x128x64xf32, #tpu.memory_space<vmem>>
        %dma_start3A_124 = tpu.memref_squeeze %dma_start3A_123 : memref<1x128x64xf32, #tpu.memory_space<vmem>> -> memref<128x64xf32, #tpu.memory_space<vmem>>
        %dma_start3A_125 = arith.constant 0 : i32
        %dma_start3A_126 = tpu.memref_slice %arg7[%mul3A_65, %dma_start3A_125] : memref<79x128xi32, #tpu.memory_space<vmem>> -> memref<1x128xi32, #tpu.memory_space<vmem>>
        %dma_start3A_127 = tpu.memref_squeeze %dma_start3A_126 : memref<1x128xi32, #tpu.memory_space<vmem>> -> memref<128xi32, #tpu.memory_space<vmem>>
        %dma_start3A_128 = arith.constant 0 : i32
        %dma_start3A_129 = arith.constant 0 : i32
        %dma_start3A_130 = tpu.memref_slice %arg10[%dma_start3A_128, %dma_start3A_129] : memref<10240x64xf32, #tpu.memory_space<vmem_shared>> -> memref<10240x64xf32, #tpu.memory_space<vmem_shared>>
        tpu.enqueue_indirect_dma source(%dma_start3A_124 : memref<128x64xf32, #tpu.memory_space<vmem>>) target(%dma_start3A_130 : memref<10240x64xf32, #tpu.memory_space<vmem_shared>>) offsets(%dma_start3A_127 : memref<128xi32, #tpu.memory_space<vmem>>) semaphore(%run_scoped3A_120 : memref<!tpu.dma_semaphore, #tpu.memory_space<semaphore_mem>>) {add = true}
        %dma_wait3A_131 = arith.constant 0 : i32
        %dma_wait3A_132 = arith.constant 0 : i32
        %dma_wait3A_133 = tpu.memref_slice %arg8[%run_scoped3A_90, %dma_wait3A_131, %dma_wait3A_132] : memref<2x128x64xf32, #tpu.memory_space<vmem>> -> memref<1x128x64xf32, #tpu.memory_space<vmem>>
        %dma_wait3A_134 = tpu.memref_squeeze %dma_wait3A_133 : memref<1x128x64xf32, #tpu.memory_space<vmem>> -> memref<128x64xf32, #tpu.memory_space<vmem>>
        %dma_wait3A_135 = arith.constant 0 : i32
        %dma_wait3A_136 = tpu.memref_slice %arg7[%mul3A_65, %dma_wait3A_135] : memref<79x128xi32, #tpu.memory_space<vmem>> -> memref<1x128xi32, #tpu.memory_space<vmem>>
        %dma_wait3A_137 = tpu.memref_squeeze %dma_wait3A_136 : memref<1x128xi32, #tpu.memory_space<vmem>> -> memref<128xi32, #tpu.memory_space<vmem>>
        %dma_wait3A_138 = arith.constant 0 : i32
        %dma_wait3A_139 = arith.constant 0 : i32
        %dma_wait3A_140 = tpu.memref_slice %arg10[%dma_wait3A_138, %dma_wait3A_139] : memref<10240x64xf32, #tpu.memory_space<vmem_shared>> -> memref<10240x64xf32, #tpu.memory_space<vmem_shared>>
        tpu.wait_indirect_dma semaphore(%run_scoped3A_120 : memref<!tpu.dma_semaphore, #tpu.memory_space<semaphore_mem>>) src(%dma_wait3A_134 : memref<128x64xf32, #tpu.memory_space<vmem>>) dst(%dma_wait3A_140 : memref<10240x64xf32, #tpu.memory_space<vmem_shared>>)
        tpu.yield
      }) : () -> ()
      %add3A_91 = arith.constant 2 : i32
      %add3A_92 = arith.addi %mul3A_65, %add3A_91 : i32
      %dma_start3A_93 = arith.constant 0 : i32
      %dma_start3A_94 = arith.constant 0 : i32
      %dma_start3A_95 = arith.constant 0 : i32
      %dma_start3A_96 = tpu.memref_slice %arg8[%dma_start3A_93, %dma_start3A_94, %dma_start3A_95] : memref<2x128x64xf32, #tpu.memory_space<vmem>> -> memref<1x128x64xf32, #tpu.memory_space<vmem>>
      %dma_start3A_97 = tpu.memref_squeeze %dma_start3A_96 : memref<1x128x64xf32, #tpu.memory_space<vmem>> -> memref<128x64xf32, #tpu.memory_space<vmem>>
      %dma_start3A_98 = arith.constant 0 : i32
      %dma_start3A_99 = tpu.memref_slice %arg6[%add3A_92, %dma_start3A_98] : memref<79x128xi32, #tpu.memory_space<vmem>> -> memref<1x128xi32, #tpu.memory_space<vmem>>
      %dma_start3A_100 = tpu.memref_squeeze %dma_start3A_99 : memref<1x128xi32, #tpu.memory_space<vmem>> -> memref<128xi32, #tpu.memory_space<vmem>>
      %dma_start3A_101 = arith.constant 0 : i32
      %dma_start3A_102 = arith.constant 0 : i32
      %dma_start3A_103 = tpu.memref_slice %arg11[%dma_start3A_101, %dma_start3A_102] : memref<10000x64xf32, #tpu.memory_space<vmem_shared>> -> memref<10000x64xf32, #tpu.memory_space<vmem_shared>>
      tpu.enqueue_indirect_dma source(%dma_start3A_103 : memref<10000x64xf32, #tpu.memory_space<vmem_shared>>) target(%dma_start3A_97 : memref<128x64xf32, #tpu.memory_space<vmem>>) offsets(%dma_start3A_100 : memref<128xi32, #tpu.memory_space<vmem>>) semaphore(%arg12 : memref<!tpu.dma_semaphore, #tpu.memory_space<semaphore_mem>>)
      %add3A_104 = arith.constant 1 : i32
      %add3A_105 = arith.addi %mul3A_65, %add3A_104 : i32
      %dma_wait3A_106 = arith.constant 1 : i32
      %dma_wait3A_107 = arith.constant 0 : i32
      %dma_wait3A_108 = arith.constant 0 : i32
      %dma_wait3A_109 = tpu.memref_slice %arg8[%dma_wait3A_106, %dma_wait3A_107, %dma_wait3A_108] : memref<2x128x64xf32, #tpu.memory_space<vmem>> -> memref<1x128x64xf32, #tpu.memory_space<vmem>>
      %dma_wait3A_110 = tpu.memref_squeeze %dma_wait3A_109 : memref<1x128x64xf32, #tpu.memory_space<vmem>> -> memref<128x64xf32, #tpu.memory_space<vmem>>
      %dma_wait3A_111 = arith.constant 0 : i32
      %dma_wait3A_112 = tpu.memref_slice %arg6[%add3A_105, %dma_wait3A_111] : memref<79x128xi32, #tpu.memory_space<vmem>> -> memref<1x128xi32, #tpu.memory_space<vmem>>
      %dma_wait3A_113 = tpu.memref_squeeze %dma_wait3A_112 : memref<1x128xi32, #tpu.memory_space<vmem>> -> memref<128xi32, #tpu.memory_space<vmem>>
      %dma_wait3A_114 = arith.constant 0 : i32
      %dma_wait3A_115 = arith.constant 0 : i32
      %dma_wait3A_116 = tpu.memref_slice %arg11[%dma_wait3A_114, %dma_wait3A_115] : memref<10000x64xf32, #tpu.memory_space<vmem_shared>> -> memref<10000x64xf32, #tpu.memory_space<vmem_shared>>
      tpu.wait_indirect_dma semaphore(%arg13 : memref<!tpu.dma_semaphore, #tpu.memory_space<semaphore_mem>>) src(%dma_wait3A_116 : memref<10000x64xf32, #tpu.memory_space<vmem_shared>>) dst(%dma_wait3A_110 : memref<128x64xf32, #tpu.memory_space<vmem>>)
      %add3A_117 = arith.constant 1 : i32
      %add3A_118 = arith.addi %mul3A_65, %add3A_117 : i32
      %run_scoped3A_119 = arith.constant 1 : i32
      "tpu.region"() ({
        %run_scoped3A_120 = tpu.sem_alloc : memref<!tpu.dma_semaphore, #tpu.memory_space<semaphore_mem>>
        %dma_start3A_121 = arith.constant 0 : i32
        %dma_start3A_122 = arith.constant 0 : i32
        %dma_start3A_123 = tpu.memref_slice %arg8[%run_scoped3A_119, %dma_start3A_121, %dma_start3A_122] : memref<2x128x64xf32, #tpu.memory_space<vmem>> -> memref<1x128x64xf32, #tpu.memory_space<vmem>>
        %dma_start3A_124 = tpu.memref_squeeze %dma_start3A_123 : memref<1x128x64xf32, #tpu.memory_space<vmem>> -> memref<128x64xf32, #tpu.memory_space<vmem>>
        %dma_start3A_125 = arith.constant 0 : i32
        %dma_start3A_126 = tpu.memref_slice %arg7[%add3A_118, %dma_start3A_125] : memref<79x128xi32, #tpu.memory_space<vmem>> -> memref<1x128xi32, #tpu.memory_space<vmem>>
        %dma_start3A_127 = tpu.memref_squeeze %dma_start3A_126 : memref<1x128xi32, #tpu.memory_space<vmem>> -> memref<128xi32, #tpu.memory_space<vmem>>
        %dma_start3A_128 = arith.constant 0 : i32
        %dma_start3A_129 = arith.constant 0 : i32
        %dma_start3A_130 = tpu.memref_slice %arg10[%dma_start3A_128, %dma_start3A_129] : memref<10240x64xf32, #tpu.memory_space<vmem_shared>> -> memref<10240x64xf32, #tpu.memory_space<vmem_shared>>
        tpu.enqueue_indirect_dma source(%dma_start3A_124 : memref<128x64xf32, #tpu.memory_space<vmem>>) target(%dma_start3A_130 : memref<10240x64xf32, #tpu.memory_space<vmem_shared>>) offsets(%dma_start3A_127 : memref<128xi32, #tpu.memory_space<vmem>>) semaphore(%run_scoped3A_120 : memref<!tpu.dma_semaphore, #tpu.memory_space<semaphore_mem>>) {add = true}
        %dma_wait3A_131 = arith.constant 0 : i32
        %dma_wait3A_132 = arith.constant 0 : i32
        %dma_wait3A_133 = tpu.memref_slice %arg8[%run_scoped3A_119, %dma_wait3A_131, %dma_wait3A_132] : memref<2x128x64xf32, #tpu.memory_space<vmem>> -> memref<1x128x64xf32, #tpu.memory_space<vmem>>
        %dma_wait3A_134 = tpu.memref_squeeze %dma_wait3A_133 : memref<1x128x64xf32, #tpu.memory_space<vmem>> -> memref<128x64xf32, #tpu.memory_space<vmem>>
        %dma_wait3A_135 = arith.constant 0 : i32
        %dma_wait3A_136 = tpu.memref_slice %arg7[%add3A_118, %dma_wait3A_135] : memref<79x128xi32, #tpu.memory_space<vmem>> -> memref<1x128xi32, #tpu.memory_space<vmem>>
        %dma_wait3A_137 = tpu.memref_squeeze %dma_wait3A_136 : memref<1x128xi32, #tpu.memory_space<vmem>> -> memref<128xi32, #tpu.memory_space<vmem>>
        %dma_wait3A_138 = arith.constant 0 : i32
        %dma_wait3A_139 = arith.constant 0 : i32
        %dma_wait3A_140 = tpu.memref_slice %arg10[%dma_wait3A_138, %dma_wait3A_139] : memref<10240x64xf32, #tpu.memory_space<vmem_shared>> -> memref<10240x64xf32, #tpu.memory_space<vmem_shared>>
        tpu.wait_indirect_dma semaphore(%run_scoped3A_120 : memref<!tpu.dma_semaphore, #tpu.memory_space<semaphore_mem>>) src(%dma_wait3A_134 : memref<128x64xf32, #tpu.memory_space<vmem>>) dst(%dma_wait3A_140 : memref<10240x64xf32, #tpu.memory_space<vmem_shared>>)
        tpu.yield
      }) : () -> ()
    }
    %scan3A_45 = arith.constant 39 : i32
    %dma_wait3A = arith.constant 78 : i32
    %dma_wait3A_46 = arith.constant 0 : i32
    %dma_wait3A_47 = arith.constant 0 : i32
    %dma_wait3A_48 = arith.constant 0 : i32
    %dma_wait3A_49 = tpu.memref_slice %arg8[%dma_wait3A_46, %dma_wait3A_47, %dma_wait3A_48] : memref<2x128x64xf32, #tpu.memory_space<vmem>> -> memref<1x128x64xf32, #tpu.memory_space<vmem>>
    %dma_wait3A_50 = tpu.memref_squeeze %dma_wait3A_49 : memref<1x128x64xf32, #tpu.memory_space<vmem>> -> memref<128x64xf32, #tpu.memory_space<vmem>>
    %dma_wait3A_51 = arith.constant 0 : i32
    %dma_wait3A_52 = tpu.memref_slice %arg6[%dma_wait3A, %dma_wait3A_51] : memref<79x128xi32, #tpu.memory_space<vmem>> -> memref<1x128xi32, #tpu.memory_space<vmem>>
    %dma_wait3A_53 = tpu.memref_squeeze %dma_wait3A_52 : memref<1x128xi32, #tpu.memory_space<vmem>> -> memref<128xi32, #tpu.memory_space<vmem>>
    %dma_wait3A_54 = arith.constant 0 : i32
    %dma_wait3A_55 = arith.constant 0 : i32
    %dma_wait3A_56 = tpu.memref_slice %arg11[%dma_wait3A_54, %dma_wait3A_55] : memref<10000x64xf32, #tpu.memory_space<vmem_shared>> -> memref<10000x64xf32, #tpu.memory_space<vmem_shared>>
    tpu.wait_indirect_dma semaphore(%arg12 : memref<!tpu.dma_semaphore, #tpu.memory_space<semaphore_mem>>) src(%dma_wait3A_56 : memref<10000x64xf32, #tpu.memory_space<vmem_shared>>) dst(%dma_wait3A_50 : memref<128x64xf32, #tpu.memory_space<vmem>>)
    %run_scoped3A = arith.constant 0 : i32
    %run_scoped3A_57 = arith.constant 78 : i32
    "tpu.region"() ({
      %run_scoped3A_63 = tpu.sem_alloc : memref<!tpu.dma_semaphore, #tpu.memory_space<semaphore_mem>>
      %dma_start3A_64 = arith.constant 0 : i32
      %dma_start3A_65 = arith.constant 0 : i32
      %dma_start3A_66 = tpu.memref_slice %arg8[%run_scoped3A, %dma_start3A_64, %dma_start3A_65] : memref<2x128x64xf32, #tpu.memory_space<vmem>> -> memref<1x128x64xf32, #tpu.memory_space<vmem>>
      %dma_start3A_67 = tpu.memref_squeeze %dma_start3A_66 : memref<1x128x64xf32, #tpu.memory_space<vmem>> -> memref<128x64xf32, #tpu.memory_space<vmem>>
      %dma_start3A_68 = arith.constant 0 : i32
      %dma_start3A_69 = tpu.memref_slice %arg7[%run_scoped3A_57, %dma_start3A_68] : memref<79x128xi32, #tpu.memory_space<vmem>> -> memref<1x128xi32, #tpu.memory_space<vmem>>
      %dma_start3A_70 = tpu.memref_squeeze %dma_start3A_69 : memref<1x128xi32, #tpu.memory_space<vmem>> -> memref<128xi32, #tpu.memory_space<vmem>>
      %dma_start3A_71 = arith.constant 0 : i32
      %dma_start3A_72 = arith.constant 0 : i32
      %dma_start3A_73 = tpu.memref_slice %arg10[%dma_start3A_71, %dma_start3A_72] : memref<10240x64xf32, #tpu.memory_space<vmem_shared>> -> memref<10240x64xf32, #tpu.memory_space<vmem_shared>>
      tpu.enqueue_indirect_dma source(%dma_start3A_67 : memref<128x64xf32, #tpu.memory_space<vmem>>) target(%dma_start3A_73 : memref<10240x64xf32, #tpu.memory_space<vmem_shared>>) offsets(%dma_start3A_70 : memref<128xi32, #tpu.memory_space<vmem>>) semaphore(%run_scoped3A_63 : memref<!tpu.dma_semaphore, #tpu.memory_space<semaphore_mem>>) {add = true}
      %dma_wait3A_74 = arith.constant 0 : i32
      %dma_wait3A_75 = arith.constant 0 : i32
      %dma_wait3A_76 = tpu.memref_slice %arg8[%run_scoped3A, %dma_wait3A_74, %dma_wait3A_75] : memref<2x128x64xf32, #tpu.memory_space<vmem>> -> memref<1x128x64xf32, #tpu.memory_space<vmem>>
      %dma_wait3A_77 = tpu.memref_squeeze %dma_wait3A_76 : memref<1x128x64xf32, #tpu.memory_space<vmem>> -> memref<128x64xf32, #tpu.memory_space<vmem>>
      %dma_wait3A_78 = arith.constant 0 : i32
      %dma_wait3A_79 = tpu.memref_slice %arg7[%run_scoped3A_57, %dma_wait3A_78] : memref<79x128xi32, #tpu.memory_space<vmem>> -> memref<1x128xi32, #tpu.memory_space<vmem>>
      %dma_wait3A_80 = tpu.memref_squeeze %dma_wait3A_79 : memref<1x128xi32, #tpu.memory_space<vmem>> -> memref<128xi32, #tpu.memory_space<vmem>>
      %dma_wait3A_81 = arith.constant 0 : i32
      %dma_wait3A_82 = arith.constant 0 : i32
      %dma_wait3A_83 = tpu.memref_slice %arg10[%dma_wait3A_81, %dma_wait3A_82] : memref<10240x64xf32, #tpu.memory_space<vmem_shared>> -> memref<10240x64xf32, #tpu.memory_space<vmem_shared>>
      tpu.wait_indirect_dma semaphore(%run_scoped3A_63 : memref<!tpu.dma_semaphore, #tpu.memory_space<semaphore_mem>>) src(%dma_wait3A_77 : memref<128x64xf32, #tpu.memory_space<vmem>>) dst(%dma_wait3A_83 : memref<10240x64xf32, #tpu.memory_space<vmem_shared>>)
      tpu.yield
    }) : () -> ()
    %barrier3A_58 = arith.constant 0 : index
    tpu.barrier barrier_id(%barrier3A_58)
    %mul3A_59 = arith.constant 640 : i32
    %mul3A_60 = arith.muli %arg1, %mul3A_59 : i32
    %mul3A_61 = arith.constant 640 : i32
    %mul3A_62 = arith.muli %arg1, %mul3A_61 : i32
    "tpu.region"() ({
      %run_scoped3A_63 = tpu.sem_alloc : memref<!tpu.dma_semaphore, #tpu.memory_space<semaphore_mem>>
      %dma_start3A_64 = arith.constant 0 : i32
      %dma_start3A_65 = tpu.memref_slice %arg5[%arg0, %mul3A_62, %dma_start3A_64] : memref<2x10240x64xf32, #tpu.memory_space<hbm>> -> memref<1x640x64xf32, #tpu.memory_space<hbm>>
      %dma_start3A_66 = tpu.memref_squeeze %dma_start3A_65 : memref<1x640x64xf32, #tpu.memory_space<hbm>> -> memref<640x64xf32, #tpu.memory_space<hbm>>
      %dma_start3A_67 = arith.constant 0 : i32
      %dma_start3A_68 = tpu.memref_slice %arg10[%mul3A_60, %dma_start3A_67] : memref<10240x64xf32, #tpu.memory_space<vmem_shared>> -> memref<640x64xf32, #tpu.memory_space<vmem_shared>>
      tpu.enqueue_dma source(%dma_start3A_68 : memref<640x64xf32, #tpu.memory_space<vmem_shared>>) target(%dma_start3A_66 : memref<640x64xf32, #tpu.memory_space<hbm>>) target_semaphore(%run_scoped3A_63 : memref<!tpu.dma_semaphore, #tpu.memory_space<semaphore_mem>>)
      %dma_wait3A_69 = arith.constant 0 : i32
      %dma_wait3A_70 = tpu.memref_slice %arg5[%arg0, %mul3A_62, %dma_wait3A_69] : memref<2x10240x64xf32, #tpu.memory_space<hbm>> -> memref<1x640x64xf32, #tpu.memory_space<hbm>>
      %dma_wait3A_71 = tpu.memref_squeeze %dma_wait3A_70 : memref<1x640x64xf32, #tpu.memory_space<hbm>> -> memref<640x64xf32, #tpu.memory_space<hbm>>
      %dma_wait3A_72 = arith.constant 0 : i32
      %dma_wait3A_73 = tpu.memref_slice %arg10[%mul3A_60, %dma_wait3A_72] : memref<10240x64xf32, #tpu.memory_space<vmem_shared>> -> memref<640x64xf32, #tpu.memory_space<vmem_shared>>
      tpu.wait_dma2 semaphore(%run_scoped3A_63 : memref<!tpu.dma_semaphore, #tpu.memory_space<semaphore_mem>>) src(%dma_wait3A_73 : memref<640x64xf32, #tpu.memory_space<vmem_shared>>) dst(%dma_wait3A_71 : memref<640x64xf32, #tpu.memory_space<hbm>>)
      tpu.yield
    }) : () -> ()
    return
  }
}

module attributes {stable_mosaic.version = 14 : i64} {
  func.func @_tca_body(%arg0: i32, %arg1: memref<1000x128xf32, #tpu.memory_space<vmem>>, %arg2: memref<128x64xf32, #tpu.memory_space<vmem>>, %arg3: memref<2x2x1000x16xf32, #tpu.memory_space<vmem>>, %arg4: memref<1000x64xf32, #tpu.memory_space<vmem>>, %arg5: memref<1000x1xf32, #tpu.memory_space<vmem>>, %arg6: memref<1000x1xf32, #tpu.memory_space<vmem>>) attributes {dimension_semantics = [#tpu.dimension_semantics<arbitrary>], iteration_bounds = array<i64: 10>, scalar_prefetch = 0 : i64, scratch_operands = 0 : i64, tpu.core_type = #tpu.core_type<tc>, window_params = [{transform_indices = @transform_0, window_bounds = array<i64: 1000, 128>}, {pipeline_mode = #tpu.pipeline_mode<synchronous>, transform_indices = @transform_1, window_bounds = array<i64: 128, 64>}, {transform_indices = @transform_2, window_bounds = array<i64: 2, 2, 1000, 16>}, {transform_indices = @transform_3, window_bounds = array<i64: 1000, 64>}, {transform_indices = @transform_4, window_bounds = array<i64: 1000, 1>}, {transform_indices = @transform_5, window_bounds = array<i64: 1000, 1>}]} {
    %get3A = arith.constant 0 : index
    %get3A_0 = arith.constant 0 : index
    %get3A_1 = arith.constant 0 : index
    %get3A_2 = arith.constant 0 : index
    %get3A_3 = vector.load %arg3[%get3A, %get3A_0, %get3A_1, %get3A_2] : memref<2x2x1000x16xf32, #tpu.memory_space<vmem>>, vector<1x1x1000x1xf32>
    %get3A_4 = vector.shape_cast %get3A_3 : vector<1x1x1000x1xf32> to vector<1000x1xf32>
    %get3A_5 = arith.constant 0 : index
    %get3A_6 = arith.constant 1 : index
    %get3A_7 = arith.constant 0 : index
    %get3A_8 = arith.constant 0 : index
    %get3A_9 = vector.load %arg3[%get3A_5, %get3A_6, %get3A_7, %get3A_8] : memref<2x2x1000x16xf32, #tpu.memory_space<vmem>>, vector<1x1x1000x1xf32>
    %get3A_10 = vector.shape_cast %get3A_9 : vector<1x1x1000x1xf32> to vector<1000x1xf32>
    %add3A = arith.addf %get3A_4, %get3A_10 : vector<1000x1xf32>
    %get3A_11 = arith.constant 1 : index
    %get3A_12 = arith.constant 0 : index
    %get3A_13 = arith.constant 0 : index
    %get3A_14 = arith.constant 0 : index
    %get3A_15 = vector.load %arg3[%get3A_11, %get3A_12, %get3A_13, %get3A_14] : memref<2x2x1000x16xf32, #tpu.memory_space<vmem>>, vector<1x1x1000x1xf32>
    %get3A_16 = vector.shape_cast %get3A_15 : vector<1x1x1000x1xf32> to vector<1000x1xf32>
    %get3A_17 = arith.constant 1 : index
    %get3A_18 = arith.constant 1 : index
    %get3A_19 = arith.constant 0 : index
    %get3A_20 = arith.constant 0 : index
    %get3A_21 = vector.load %arg3[%get3A_17, %get3A_18, %get3A_19, %get3A_20] : memref<2x2x1000x16xf32, #tpu.memory_space<vmem>>, vector<1x1x1000x1xf32>
    %get3A_22 = vector.shape_cast %get3A_21 : vector<1x1x1000x1xf32> to vector<1000x1xf32>
    %add3A_23 = arith.addf %get3A_16, %get3A_22 : vector<1000x1xf32>
    %max3A = arith.constant 1.000000e+00 : f32
    %max3A_24 = vector.broadcast %max3A : f32 to vector<1000x1xf32>
    %max3A_25 = arith.maximumf %add3A, %max3A_24 : vector<1000x1xf32>
    %rsqrt3A = math.rsqrt %max3A_25 : vector<1000x1xf32>
    %max3A_26 = arith.constant 1.000000e+00 : f32
    %max3A_27 = vector.broadcast %max3A_26 : f32 to vector<1000x1xf32>
    %max3A_28 = arith.maximumf %add3A_23, %max3A_27 : vector<1000x1xf32>
    %rsqrt3A_29 = math.rsqrt %max3A_28 : vector<1000x1xf32>
    %get3A_30 = arith.constant 0 : index
    %get3A_31 = arith.constant 0 : index
    %get3A_32 = vector.load %arg1[%get3A_30, %get3A_31] : memref<1000x128xf32, #tpu.memory_space<vmem>>, vector<1000x128xf32>
    %get3A_33 = arith.constant 0 : index
    %get3A_34 = arith.constant 0 : index
    %get3A_35 = vector.load %arg2[%get3A_33, %get3A_34] : memref<128x64xf32, #tpu.memory_space<vmem>>, vector<128x64xf32>
    %dot_general3A = arith.constant dense<0.000000e+00> : vector<1000x64xf32>
    %dot_general3A_36 = tpu.matmul %get3A_32, %get3A_35, %dot_general3A {dimension_numbers = #tpu.dot_dimension_numbers<[1], [0], [0], [1], [0, 0, 1, 1], [], []>, transpose_lhs_hint = false} : vector<1000x128xf32>, vector<128x64xf32>, vector<1000x64xf32> -> vector<1000x64xf32>
    %mul3A = vector.broadcast %rsqrt3A : vector<1000x1xf32> to vector<1000x64xf32>
    %mul3A_37 = arith.mulf %dot_general3A_36, %mul3A : vector<1000x64xf32>
    %swap3A = arith.constant 0 : index
    %swap3A_38 = arith.constant 0 : index
    %swap3A_39 = vector.load %arg4[%swap3A, %swap3A_38] : memref<1000x64xf32, #tpu.memory_space<vmem>>, vector<1000x64xf32>
    tpu.vector_store %arg4[%swap3A, %swap3A_38], %mul3A_37 {strides = array<i32>} : memref<1000x64xf32, #tpu.memory_space<vmem>>, vector<1000x64xf32>,
    %swap3A_40 = arith.constant 0 : index
    %swap3A_41 = arith.constant 0 : index
    %swap3A_42 = vector.load %arg5[%swap3A_40, %swap3A_41] : memref<1000x1xf32, #tpu.memory_space<vmem>>, vector<1000x1xf32>
    tpu.vector_store %arg5[%swap3A_40, %swap3A_41], %rsqrt3A {strides = array<i32>} : memref<1000x1xf32, #tpu.memory_space<vmem>>, vector<1000x1xf32>,
    %swap3A_43 = arith.constant 0 : index
    %swap3A_44 = arith.constant 0 : index
    %swap3A_45 = vector.load %arg6[%swap3A_43, %swap3A_44] : memref<1000x1xf32, #tpu.memory_space<vmem>>, vector<1000x1xf32>
    tpu.vector_store %arg6[%swap3A_43, %swap3A_44], %rsqrt3A_29 {strides = array<i32>} : memref<1000x1xf32, #tpu.memory_space<vmem>>, vector<1000x1xf32>,
    return
  }
  func.func @transform_0(%arg0: i32) -> (i32, i32) {
    %c0_i32 = arith.constant 0 : i32
    %c0_i32_0 = arith.constant 0 : i32
    return %arg0, %c0_i32 : i32, i32
  }
  func.func @transform_1(%arg0: i32) -> (i32, i32) {
    %c0_i32 = arith.constant 0 : i32
    %c0_i32_0 = arith.constant 0 : i32
    %c0_i32_1 = arith.constant 0 : i32
    return %c0_i32, %c0_i32_0 : i32, i32
  }
  func.func @transform_2(%arg0: i32) -> (i32, i32, i32, i32) {
    %c0_i32 = arith.constant 0 : i32
    %c0_i32_0 = arith.constant 0 : i32
    %c0_i32_1 = arith.constant 0 : i32
    %c0_i32_2 = arith.constant 0 : i32
    return %c0_i32, %c0_i32_0, %arg0, %c0_i32_1 : i32, i32, i32, i32
  }
  func.func @transform_3(%arg0: i32) -> (i32, i32) {
    %c0_i32 = arith.constant 0 : i32
    %c0_i32_0 = arith.constant 0 : i32
    return %arg0, %c0_i32 : i32, i32
  }
  func.func @transform_4(%arg0: i32) -> (i32, i32) {
    %c0_i32 = arith.constant 0 : i32
    %c0_i32_0 = arith.constant 0 : i32
    return %arg0, %c0_i32 : i32, i32
  }
  func.func @transform_5(%arg0: i32) -> (i32, i32) {
    %c0_i32 = arith.constant 0 : i32
    %c0_i32_0 = arith.constant 0 : i32
    return %arg0, %c0_i32 : i32, i32
  }
}

module attributes {stable_mosaic.version = 14 : i64} {
  func.func @_tcb_body(%arg0: i32, %arg1: memref<2x1000x64xf32, #tpu.memory_space<vmem>>, %arg2: memref<1000x1xf32, #tpu.memory_space<vmem>>, %arg3: memref<1000x1xf32, #tpu.memory_space<vmem>>, %arg4: memref<1x64xf32, #tpu.memory_space<vmem>>, %arg5: memref<64x32xf32, #tpu.memory_space<vmem>>, %arg6: memref<1000x32xf32, #tpu.memory_space<vmem>>) attributes {dimension_semantics = [#tpu.dimension_semantics<arbitrary>], iteration_bounds = array<i64: 10>, scalar_prefetch = 0 : i64, scratch_operands = 0 : i64, tpu.core_type = #tpu.core_type<tc>, window_params = [{transform_indices = @transform_0, window_bounds = array<i64: 2, 1000, 64>}, {transform_indices = @transform_1, window_bounds = array<i64: 1000, 1>}, {transform_indices = @transform_2, window_bounds = array<i64: 1000, 1>}, {pipeline_mode = #tpu.pipeline_mode<synchronous>, transform_indices = @transform_3, window_bounds = array<i64: 1, 64>}, {pipeline_mode = #tpu.pipeline_mode<synchronous>, transform_indices = @transform_4, window_bounds = array<i64: 64, 32>}, {transform_indices = @transform_5, window_bounds = array<i64: 1000, 32>}]} {
    %get3A = arith.constant 0 : index
    %get3A_0 = arith.constant 0 : index
    %get3A_1 = arith.constant 0 : index
    %get3A_2 = vector.load %arg1[%get3A, %get3A_0, %get3A_1] : memref<2x1000x64xf32, #tpu.memory_space<vmem>>, vector<1x1000x64xf32>
    %get3A_3 = vector.shape_cast %get3A_2 : vector<1x1000x64xf32> to vector<1000x64xf32>
    %get3A_4 = arith.constant 1 : index
    %get3A_5 = arith.constant 0 : index
    %get3A_6 = arith.constant 0 : index
    %get3A_7 = vector.load %arg1[%get3A_4, %get3A_5, %get3A_6] : memref<2x1000x64xf32, #tpu.memory_space<vmem>>, vector<1x1000x64xf32>
    %get3A_8 = vector.shape_cast %get3A_7 : vector<1x1000x64xf32> to vector<1000x64xf32>
    %add3A = arith.addf %get3A_3, %get3A_8 : vector<1000x64xf32>
    %get3A_9 = arith.constant 0 : index
    %get3A_10 = arith.constant 0 : index
    %get3A_11 = vector.load %arg2[%get3A_9, %get3A_10] : memref<1000x1xf32, #tpu.memory_space<vmem>>, vector<1000x1xf32>
    %mul3A = vector.broadcast %get3A_11 : vector<1000x1xf32> to vector<1000x64xf32>
    %mul3A_12 = arith.mulf %add3A, %mul3A : vector<1000x64xf32>
    %get3A_13 = arith.constant 0 : index
    %get3A_14 = arith.constant 0 : index
    %get3A_15 = vector.load %arg4[%get3A_13, %get3A_14] : memref<1x64xf32, #tpu.memory_space<vmem>>, vector<1x64xf32>
    %add3A_16 = vector.broadcast %get3A_15 : vector<1x64xf32> to vector<1000x64xf32>
    %add3A_17 = arith.addf %mul3A_12, %add3A_16 : vector<1000x64xf32>
    %max3A = arith.constant 0.000000e+00 : f32
    %max3A_18 = vector.broadcast %max3A : f32 to vector<1000x64xf32>
    %max3A_19 = arith.maximumf %add3A_17, %max3A_18 : vector<1000x64xf32>
    %get3A_20 = arith.constant 0 : index
    %get3A_21 = arith.constant 0 : index
    %get3A_22 = vector.load %arg3[%get3A_20, %get3A_21] : memref<1000x1xf32, #tpu.memory_space<vmem>>, vector<1000x1xf32>
    %mul3A_23 = vector.broadcast %get3A_22 : vector<1000x1xf32> to vector<1000x64xf32>
    %mul3A_24 = arith.mulf %max3A_19, %mul3A_23 : vector<1000x64xf32>
    %get3A_25 = arith.constant 0 : index
    %get3A_26 = arith.constant 0 : index
    %get3A_27 = vector.load %arg5[%get3A_25, %get3A_26] : memref<64x32xf32, #tpu.memory_space<vmem>>, vector<64x32xf32>
    %dot_general3A = arith.constant dense<0.000000e+00> : vector<1000x32xf32>
    %dot_general3A_28 = tpu.matmul %mul3A_24, %get3A_27, %dot_general3A {dimension_numbers = #tpu.dot_dimension_numbers<[1], [0], [0], [1], [0, 0, 1, 1], [], []>, transpose_lhs_hint = false} : vector<1000x64xf32>, vector<64x32xf32>, vector<1000x32xf32> -> vector<1000x32xf32>
    %swap3A = arith.constant 0 : index
    %swap3A_29 = arith.constant 0 : index
    %swap3A_30 = vector.load %arg6[%swap3A, %swap3A_29] : memref<1000x32xf32, #tpu.memory_space<vmem>>, vector<1000x32xf32>
    tpu.vector_store %arg6[%swap3A, %swap3A_29], %dot_general3A_28 {strides = array<i32>} : memref<1000x32xf32, #tpu.memory_space<vmem>>, vector<1000x32xf32>,
    return
  }
  func.func @transform_0(%arg0: i32) -> (i32, i32, i32) {
    %c0_i32 = arith.constant 0 : i32
    %c0_i32_0 = arith.constant 0 : i32
    %c0_i32_1 = arith.constant 0 : i32
    return %c0_i32, %arg0, %c0_i32_0 : i32, i32, i32
  }
  func.func @transform_1(%arg0: i32) -> (i32, i32) {
    %c0_i32 = arith.constant 0 : i32
    %c0_i32_0 = arith.constant 0 : i32
    return %arg0, %c0_i32 : i32, i32
  }
  func.func @transform_2(%arg0: i32) -> (i32, i32) {
    %c0_i32 = arith.constant 0 : i32
    %c0_i32_0 = arith.constant 0 : i32
    return %arg0, %c0_i32 : i32, i32
  }
  func.func @transform_3(%arg0: i32) -> (i32, i32) {
    %c0_i32 = arith.constant 0 : i32
    %c0_i32_0 = arith.constant 0 : i32
    %c0_i32_1 = arith.constant 0 : i32
    return %c0_i32, %c0_i32_0 : i32, i32
  }
  func.func @transform_4(%arg0: i32) -> (i32, i32) {
    %c0_i32 = arith.constant 0 : i32
    %c0_i32_0 = arith.constant 0 : i32
    %c0_i32_1 = arith.constant 0 : i32
    return %c0_i32, %c0_i32_0 : i32, i32
  }
  func.func @transform_5(%arg0: i32) -> (i32, i32) {
    %c0_i32 = arith.constant 0 : i32
    %c0_i32_0 = arith.constant 0 : i32
    return %arg0, %c0_i32 : i32, i32
  }
}

module attributes {stable_mosaic.version = 14 : i64} {
  func.func @_tcc_body(%arg0: i32, %arg1: memref<2x1000x32xf32, #tpu.memory_space<vmem>>, %arg2: memref<1000x1xf32, #tpu.memory_space<vmem>>, %arg3: memref<1x32xf32, #tpu.memory_space<vmem>>, %arg4: memref<1000x16xf32, #tpu.memory_space<vmem>>, %arg5: memref<1000x16xf32, #tpu.memory_space<vmem>>) attributes {dimension_semantics = [#tpu.dimension_semantics<arbitrary>], iteration_bounds = array<i64: 10>, scalar_prefetch = 0 : i64, scratch_operands = 0 : i64, tpu.core_type = #tpu.core_type<tc>, window_params = [{transform_indices = @transform_0, window_bounds = array<i64: 2, 1000, 32>}, {transform_indices = @transform_1, window_bounds = array<i64: 1000, 1>}, {pipeline_mode = #tpu.pipeline_mode<synchronous>, transform_indices = @transform_2, window_bounds = array<i64: 1, 32>}, {transform_indices = @transform_3, window_bounds = array<i64: 1000, 16>}, {transform_indices = @transform_4, window_bounds = array<i64: 1000, 16>}]} {
    %get3A = arith.constant 0 : index
    %get3A_0 = arith.constant 0 : index
    %get3A_1 = arith.constant 0 : index
    %get3A_2 = vector.load %arg1[%get3A, %get3A_0, %get3A_1] : memref<2x1000x32xf32, #tpu.memory_space<vmem>>, vector<1x1000x32xf32>
    %get3A_3 = vector.shape_cast %get3A_2 : vector<1x1000x32xf32> to vector<1000x32xf32>
    %get3A_4 = arith.constant 1 : index
    %get3A_5 = arith.constant 0 : index
    %get3A_6 = arith.constant 0 : index
    %get3A_7 = vector.load %arg1[%get3A_4, %get3A_5, %get3A_6] : memref<2x1000x32xf32, #tpu.memory_space<vmem>>, vector<1x1000x32xf32>
    %get3A_8 = vector.shape_cast %get3A_7 : vector<1x1000x32xf32> to vector<1000x32xf32>
    %add3A = arith.addf %get3A_3, %get3A_8 : vector<1000x32xf32>
    %get3A_9 = arith.constant 0 : index
    %get3A_10 = arith.constant 0 : index
    %get3A_11 = vector.load %arg2[%get3A_9, %get3A_10] : memref<1000x1xf32, #tpu.memory_space<vmem>>, vector<1000x1xf32>
    %mul3A = vector.broadcast %get3A_11 : vector<1000x1xf32> to vector<1000x32xf32>
    %mul3A_12 = arith.mulf %add3A, %mul3A : vector<1000x32xf32>
    %get3A_13 = arith.constant 0 : index
    %get3A_14 = arith.constant 0 : index
    %get3A_15 = vector.load %arg3[%get3A_13, %get3A_14] : memref<1x32xf32, #tpu.memory_space<vmem>>, vector<1x32xf32>
    %add3A_16 = vector.broadcast %get3A_15 : vector<1x32xf32> to vector<1000x32xf32>
    %add3A_17 = arith.addf %mul3A_12, %add3A_16 : vector<1000x32xf32>
    %slice3A = vector.extract_strided_slice %add3A_17 {offsets = [0, 0], sizes = [1000, 16], strides = [1, 1]} : vector<1000x32xf32> to vector<1000x16xf32>
    %slice3A_18 = vector.extract_strided_slice %add3A_17 {offsets = [0, 16], sizes = [1000, 16], strides = [1, 1]} : vector<1000x32xf32> to vector<1000x16xf32>
    %get3A_19 = arith.constant 0 : index
    %get3A_20 = arith.constant 0 : index
    %get3A_21 = vector.load %arg4[%get3A_19, %get3A_20] : memref<1000x16xf32, #tpu.memory_space<vmem>>, vector<1000x16xf32>
    %exp3A = math.exp %slice3A_18 : vector<1000x16xf32>
    %mul3A_22 = arith.mulf %get3A_21, %exp3A : vector<1000x16xf32>
    %add3A_23 = arith.addf %slice3A, %mul3A_22 : vector<1000x16xf32>
    %swap3A = arith.constant 0 : index
    %swap3A_24 = arith.constant 0 : index
    %swap3A_25 = vector.load %arg5[%swap3A, %swap3A_24] : memref<1000x16xf32, #tpu.memory_space<vmem>>, vector<1000x16xf32>
    tpu.vector_store %arg5[%swap3A, %swap3A_24], %add3A_23 {strides = array<i32>} : memref<1000x16xf32, #tpu.memory_space<vmem>>, vector<1000x16xf32>,
    return
  }
  func.func @transform_0(%arg0: i32) -> (i32, i32, i32) {
    %c0_i32 = arith.constant 0 : i32
    %c0_i32_0 = arith.constant 0 : i32
    %c0_i32_1 = arith.constant 0 : i32
    return %c0_i32, %arg0, %c0_i32_0 : i32, i32, i32
  }
  func.func @transform_1(%arg0: i32) -> (i32, i32) {
    %c0_i32 = arith.constant 0 : i32
    %c0_i32_0 = arith.constant 0 : i32
    return %arg0, %c0_i32 : i32, i32
  }
  func.func @transform_2(%arg0: i32) -> (i32, i32) {
    %c0_i32 = arith.constant 0 : i32
    %c0_i32_0 = arith.constant 0 : i32
    %c0_i32_1 = arith.constant 0 : i32
    return %c0_i32, %c0_i32_0 : i32, i32
  }
  func.func @transform_3(%arg0: i32) -> (i32, i32) {
    %c0_i32 = arith.constant 0 : i32
    %c0_i32_0 = arith.constant 0 : i32
    return %arg0, %c0_i32 : i32, i32
  }
  func.func @transform_4(%arg0: i32) -> (i32, i32) {
    %c0_i32 = arith.constant 0 : i32
    %c0_i32_0 = arith.constant 0 : i32
    return %arg0, %c0_i32 : i32, i32
  }
}

module attributes {stable_mosaic.version = 14 : i64} {
  func.func @_dec_body(%arg0: i32, %arg1: i32, %arg2: memref<256x16xf32, #tpu.memory_space<vmem>>, %arg3: memref<10000x16xf32, #tpu.memory_space<vmem>>, %arg4: memref<256x10000xf32, #tpu.memory_space<vmem>>) attributes {dimension_semantics = [#tpu.dimension_semantics<arbitrary>, #tpu.dimension_semantics<arbitrary>], iteration_bounds = array<i64: 40, 1>, scalar_prefetch = 0 : i64, scratch_operands = 0 : i64, tpu.core_type = #tpu.core_type<tc>, window_params = [{transform_indices = @transform_0, window_bounds = array<i64: 256, 16>}, {transform_indices = @transform_1, window_bounds = array<i64: 10000, 16>}, {transform_indices = @transform_2, window_bounds = array<i64: 256, 10000>}]} {
    %get3A = arith.constant 0 : index
    %get3A_0 = arith.constant 0 : index
    %get3A_1 = vector.load %arg2[%get3A, %get3A_0] : memref<256x16xf32, #tpu.memory_space<vmem>>, vector<256x16xf32>
    %get3A_2 = arith.constant 0 : index
    %get3A_3 = arith.constant 0 : index
    %get3A_4 = vector.load %arg3[%get3A_2, %get3A_3] : memref<10000x16xf32, #tpu.memory_space<vmem>>, vector<10000x16xf32>
    %dot_general3A = arith.constant dense<0.000000e+00> : vector<256x10000xf32>
    %dot_general3A_5 = tpu.matmul %get3A_1, %get3A_4, %dot_general3A {dimension_numbers = #tpu.dot_dimension_numbers<[1], [1], [0], [0], [0, 0, 1, 0], [], []>, transpose_lhs_hint = false} : vector<256x16xf32>, vector<10000x16xf32>, vector<256x10000xf32> -> vector<256x10000xf32>
    %mul3A = arith.constant 5.000000e-01 : f32
    %mul3A_6 = vector.broadcast %mul3A : f32 to vector<256x10000xf32>
    %mul3A_7 = arith.mulf %mul3A_6, %dot_general3A_5 : vector<256x10000xf32>
    %tanh3A = math.tanh %mul3A_7 : vector<256x10000xf32>
    %add3A = arith.constant 1.000000e+00 : f32
    %add3A_8 = vector.broadcast %add3A : f32 to vector<256x10000xf32>
    %add3A_9 = arith.addf %add3A_8, %tanh3A : vector<256x10000xf32>
    %mul3A_10 = arith.constant 5.000000e-01 : f32
    %mul3A_11 = vector.broadcast %mul3A_10 : f32 to vector<256x10000xf32>
    %mul3A_12 = arith.mulf %mul3A_11, %add3A_9 : vector<256x10000xf32>
    %swap3A = arith.constant 0 : index
    %swap3A_13 = arith.constant 0 : index
    %swap3A_14 = vector.load %arg4[%swap3A, %swap3A_13] : memref<256x10000xf32, #tpu.memory_space<vmem>>, vector<256x10000xf32>
    tpu.vector_store %arg4[%swap3A, %swap3A_13], %mul3A_12 {strides = array<i32>} : memref<256x10000xf32, #tpu.memory_space<vmem>>, vector<256x10000xf32>,
    return
  }
  func.func @transform_0(%arg0: i32, %arg1: i32) -> (i32, i32) {
    %c0_i32 = arith.constant 0 : i32
    %c0_i32_0 = arith.constant 0 : i32
    return %arg0, %c0_i32 : i32, i32
  }
  func.func @transform_1(%arg0: i32, %arg1: i32) -> (i32, i32) {
    %c0_i32 = arith.constant 0 : i32
    %c0_i32_0 = arith.constant 0 : i32
    return %arg1, %c0_i32 : i32, i32
  }
  func.func @transform_2(%arg0: i32, %arg1: i32) -> (i32, i32) {
    %c0_i32 = arith.constant 0 : i32
    return %arg0, %arg1 : i32, i32
  }
}

</mosaic_0001>

<sc_bundles>
// kernel: kernel.12.cloned.1.call-start
scs
__scs_entry_jumppad:
0x0: {  	(pc) =	sbr.rel $0x88, $3  }
0x1: {  	(tag) =	ssettag $0x0;
	lr =	simm.s32 $0x1  }
0x2: {  	[smem:$0x3F99] =	sst lr;
	_ =	strace $0xD0000000  }
0x3: {  	_ = 	snop  }
0x4: {  	_ = 	snop  }
0x5: {  	_ = 	snop  }
0x6: {  	_ = 	snop  }
0x7: {  	_ = 	snop  }
__scs_overlays_trampoline_lowered:
0x8: {  	[smem:$0x3FA8] =	sst s0  }
0x9: {  	[smem:$0x3FA9] =	sst s1  }
0xa: {  	[smem:$0x3FAA] =	sst s2  }
0xb: {  	[smem:$0x3FAB] =	sst s3  }
0xc: {  	[smem:$0x3FAC] =	sst s4  }
0xd: {  	[smem:$0x3FAD] =	sst s5  }
0xe: {  	[smem:$0x3FAE] =	sst s6  }
0xf: {  	[smem:$0x3FAF] =	sst s7  }
0x10: {  	[smem:$0x3FB0] =	sst s8  }
0x11: {  	[smem:$0x3FB1] =	sst s9;
	s0 =	simm.s32 @!p0 $0x0  }
0x12: {  	s1 =	sld [smem:$0x3F97];
	s0 =	simm.s32 @p0 $0x1  }
0x13: {  	[smem:$0x3FB2] =	sst s0;
	s0 =	simm.s32 @!p1 $0x0  }
0x14: {  	s2 =	sld [smem:$0x3F96];
	s0 =	simm.s32 @p1 $0x1  }
0x15: {  	[smem:$0x3FB3] =	sst s0;
	s0 =	simm.s32 @!p2 $0x0  }
0x16: {  	s3 =	sld [smem:$0x3FDB];
	s0 =	simm.s32 @p2 $0x1  }
0x17: {  	s4 =	simm.s32 $0x1BF5;
	[smem:$0x3FB5] =	sst s0  }
0x18: {  	s0 =	sld [smem:$0x3F98];
	_ =	swait.ge [sflag:s4], $0x0  }
0x19: {  	s7 =	sld [smem:$0x3F99]  }
0x1a: {  	s8 =	sadd.s32 $0xFFFFE003, lr  }
0x1b: {  	s9 =	sadd.s32 $0xFFFFFEF7, lr;
	s5 =	simm.s32 $0xFFFFFFFF;
	p2 =	slt.u32 s8, $0xFFFFF086  }
0x1c: {  	p1 =	slt.u32 s9, $0xF7A;
	s5 =	simm.s32 @!p2 $0x0  }
0x1d: {  	s5 =	simm.s32 @p1 $0x1;
	p0 =	seq.s32 s7, s2  }
0x1e: {  	s7 =	smul.u32 @!p0 $0xF7A, s2;
	p2 =	seq.s32 @!p0 s5, $0x0  }
0x1f: {  	s9 =	smul.u32 $0xF7A, s1;
	s8 =	simm.s32 @!p0 $0x1BF5;
	p2 =	por !p2, p0  }
0x20: {  	[sflag:s8] =	ssyncset.s32 @!p0 $0xFFFFF086;
	s6 =	sadd.s32 @!p0 s3, s7;
	s7 =	simm.s32 @!p0 $0x108  }
0x21: {  	s3 =	sadd.s32 s3, s9;
	s6 =	sadd.s32 @!p0 $0x88, s6;
	s7 =	simm.s32 @p2 $0x1082  }
0x22: {  	[simem:s7], [sflag:s8] =	dma.local @!p0 [hbm:s6], $0xF7A  }
0x23: {  	s9 =	sor.u32 $0xD0000000, s2;
	s6 =	simm.s32 $0x108;
	_ =	swait.ge @!p0 [sflag:s8], $0x0  }
0x24: {  	s3 =	sadd.s32 $0x88, s3;
	s6 =	simm.s32 @!p1 $0x1082;
	[sflag:s4] =	ssyncset.s32 $0xFFFFF086  }
0x25: {  	[simem:s6], [sflag:s4] =	dma.local [hbm:s3], $0xF7A  }
0x26: {  	[smem:$0x3F99] =	sst s1;
	(tag) =	ssettag s2;
	_ =	strace s9  }
0x27: {  	s1 =	sld [smem:$0x3FA9]  }
0x28: {  	s2 =	sld [smem:$0x3FAA]  }
0x29: {  	s4 =	sld [smem:$0x3FAC]  }
0x2a: {  	p0 =	seq.s32 s5, $0x0;
	s5 =	sld [smem:$0x3FAD]  }
0x2b: {  	s6 =	sld [smem:$0x3FAE]  }
0x2c: {  	s7 =	sld [smem:$0x3FAF]  }
0x2d: {  	s3 =	simm.s32 $0x108;
	s8 =	sld [smem:$0x3FB0]  }
0x2e: {  	s3 =	simm.s32 @!p0 $0x1082;
	s9 =	sld [smem:$0x3FB1]  }
0x2f: {  	lr =	sadd.s32 s0, s3;
	s0 =	sld [smem:$0x3FA8]  }
0x30: {  	s3 =	sld [smem:$0x3FAB]  }
0x31: {  	[smem:$0x3FB4] =	sst s10  }
0x32: {  	s10 =	sld [smem:$0x3FB2];
	_ =	sdelay $0x3  }
0x33: {  	p0 =	seq.s32 s10, $0x1;
	s10 =	sld [smem:$0x3FB4];
	_ =	sdelay $0x3  }
0x34: {  	[smem:$0x3FB4] =	sst s10  }
0x35: {  	s10 =	sld [smem:$0x3FB3];
	_ =	sdelay $0x3  }
0x36: {  	p1 =	seq.s32 s10, $0x1;
	s10 =	sld [smem:$0x3FB4];
	_ =	sdelay $0x3  }
0x37: {  	[smem:$0x3FB4] =	sst s10  }
0x38: {  	s10 =	sld [smem:$0x3FB5]  }
0x39: {  	_ = 	snop;
	(pc) =	sbr.ind lr, $3  }
0x3a: {  	_ = 	snop  }
0x3b: {  	_ = 	snop  }
0x3c: {  	p2 =	seq.s32 s10, $0x1;
	s10 =	sld [smem:$0x3FB4]  }
0x3d: {  	_ =	shalt  }
0x3e: {  	_ =	shalt  }
0x3f: {  	_ =	shalt  }
0x40: {  	_ =	shalt  }
0x41: {  	_ =	shalt  }
0x42: {  	_ =	shalt  }
0x43: {  	_ =	shalt  }
0x44: {  	_ =	shalt  }
0x45: {  	_ =	shalt  }
0x46: {  	_ =	shalt  }
0x47: {  	_ =	shalt  }
0x48: {  	_ =	shalt  }
0x49: {  	_ =	shalt  }
0x4a: {  	_ =	shalt  }
0x4b: {  	_ =	shalt  }
0x4c: {  	_ =	shalt  }
0x4d: {  	_ =	shalt  }
0x4e: {  	_ =	shalt  }
0x4f: {  	_ =	shalt  }
0x50: {  	_ =	shalt  }
0x51: {  	_ =	shalt  }
0x52: {  	_ =	shalt  }
0x53: {  	_ =	shalt  }
0x54: {  	_ =	shalt  }
0x55: {  	_ =	shalt  }
0x56: {  	_ =	shalt  }
0x57: {  	_ =	shalt  }
0x58: {  	_ =	shalt  }
0x59: {  	_ =	shalt  }
0x5a: {  	_ =	shalt  }
0x5b: {  	_ =	shalt  }
0x5c: {  	_ =	shalt  }
0x5d: {  	_ =	shalt  }
0x5e: {  	_ =	shalt  }
0x5f: {  	_ =	shalt  }
0x60: {  	_ =	shalt  }
0x61: {  	_ =	shalt  }
0x62: {  	_ =	shalt  }
0x63: {  	_ =	shalt  }
0x64: {  	_ =	shalt  }
0x65: {  	_ =	shalt  }
0x66: {  	_ =	shalt  }
0x67: {  	_ =	shalt  }
0x68: {  	_ =	shalt  }
0x69: {  	_ =	shalt  }
0x6a: {  	_ =	shalt  }
0x6b: {  	_ =	shalt  }
0x6c: {  	_ =	shalt  }
0x6d: {  	_ =	shalt  }
0x6e: {  	_ =	shalt  }
0x6f: {  	_ =	shalt  }
0x70: {  	_ =	shalt  }
0x71: {  	_ =	shalt  }
0x72: {  	_ =	shalt  }
0x73: {  	_ =	shalt  }
0x74: {  	_ =	shalt  }
0x75: {  	_ =	shalt  }
0x76: {  	_ =	shalt  }
0x77: {  	_ =	shalt  }
0x78: {  	_ =	shalt  }
0x79: {  	_ =	shalt  }
0x7a: {  	_ =	shalt  }
0x7b: {  	_ =	shalt  }
0x7c: {  	_ =	shalt  }
0x7d: {  	_ =	shalt  }
0x7e: {  	_ =	shalt  }
0x7f: {  	_ =	shalt  }
0x80: {  	_ =	shalt  }
0x81: {  	_ =	shalt  }
0x82: {  	_ =	shalt  }
0x83: {  	_ =	shalt  }
0x84: {  	_ =	shalt  }
0x85: {  	_ =	shalt  }
0x86: {  	_ =	shalt  }
0x87: {  	_ =	shalt  }
.Lfunc_end0:
.L_simem_size_0:
called_computation.1_lowered:
.L_overlay_start_0:
0x88: {  	s2 =	sld [smem:$0x3FD9]  }
0x89: {  	s3 =	sld [smem:$0x3FFE];
	_ =	sdelay $0x1  }
0x8a: {  	s1 =	srdreg.scid  }
0x8b: {  	s0 =	sand.u32 $0x1, s1  }
0x8c: {  	s14 =	sshll.u32 s0, $0xA;
	s2 =	sadd.s32 s3, s2  }
0x8d: {  	s2 =	sadd.s32 s2, s14  }
0x8e: {  	[smem:$0x3FC0] =	sst s2  }
0x8f: {  	_ = 	snop  }
0x90: {  	s2 =	sld [smem:$0x3FD0];
	_ =	sdelay $0x2  }
0x91: {  	s15 =	simm.s32 $0xA;
	s4 =	simm.s32 $0x10  }
0x92: {  	[smem:s4], [sflag:s15] =	dma.local [hbm:s2], $0x1  }
0x93: {  	_ =	swait.eq [sflag:s15], $0x1  }
0x94: {  	[sflag:s15] =	ssyncset.done $0x0  }
0x95: {  	[sflag:s15] =	ssyncadd.s32 $0xFFFFFFFF  }
0x96: {  	s16 =	sld [smem:$0x10];
	(tm) =	ssettm $0x1  }
0x97: {  	s17 =	sld [smem:$0x3FFB];
	_ =	sdelay $0x3  }
0x98: {  	_ =	strace s17  }
0x99: {  	s3 =	sld [smem:$0x3FFC];
	_ =	sdelay $0x3  }
0x9a: {  	_ =	strace s3  }
0x9b: {  	s3 =	sld [smem:$0x3FFD];
	_ =	sdelay $0x3  }
0x9c: {  	_ =	strace s3  }
0x9d: {  	_ =	strace $0x8FFFFFFF  }
0x9e: {  	s18 =	sld [smem:$0x3FDB];
	_ =	sdelay $0x1  }
0x9f: {  	s19 =	simm.s32 $_scs_section_size  }
0xa0: {  	s5 =	simm.s32 $_size__tile_overlayer_lowered;
	s6 =	simm.s32 $_tile_overlayer_lowered  }
0xa1: {  	s22 =	simm.s32 $0x1BFF;
	s21 =	sshll.u32 s6, $0x1;
	s3 =	sadd.s32 s19, s18  }
0xa2: {  	s7 =	simm.s32 $0x0;
	s20 =	sshll.u32 s5, $0x1;
	s5 =	sadd.s32 s21, s3  }
0xa3: {  	[timem:s7], [sflag:s22] =	dma.local [hbm:s5], s20  }
0xa4: {  	_ =	swait.ge [sflag:s22], s20  }
0xa5: {  	s4 =	ssub.s32 $0x0, s20;
	[sflag:s22] =	ssyncset.done $0x0  }
0xa6: {  	[sflag:s22] =	ssyncadd.s32 s4;
	_ =	sdelay $0x1  }
0xa7: {  	s23 =	simm.s32 $0x1B8B  }
0xa8: {  	_ =	swait.ge [sflag:s23], $0x1  }
0xa9: {  	[sflag:s23] =	ssyncset.done $0x0  }
0xaa: {  	s25 =	simm.s32 $0x1B8E;
	s24 =	sld [smem:$0x3FFE];
	[sflag:s23] =	ssyncadd.s32 $0xFFFFFFFF  }
0xab: {  	s26 =	simm.s32 $execute0_lowered;
	[smem:$0x3FD2] =	sst s25  }
0xac: {  	s5 =	sshll.u32 s26, $0x1;
	_ =	strace $0x80000049;
	[dreg:$0x1] =	wrdreg $0xFFFFFFFF  }
0xad: {  	s28 =	simm.s32 $_size_execute0_lowered;
	s3 =	sadd.s32 s3, s5;
	[dreg:$0x0] =	wrdreg $0x0  }
0xae: {  	s5 =	sshll.u32 s28, $0x1;
	[dreg:$0x2] =	wrdreg s3  }
0xaf: {  	[dreg:$0x3] =	wrdreg s5  }
0xb0: {  	[dreg:$0x4] =	wrdreg $0xC0  }
0xb1: {  	_ =	task [dreg:s7], $0x5FFFF  }
0xb2: {  	[dreg:$0x1] =	wrdreg $0xFFFFFFFF  }
0xb3: {  	[dreg:$0x0] =	wrdreg $0x60  }
0xb4: {  	[dreg:$0x2] =	wrdreg s16  }
0xb5: {  	[dreg:$0x3] =	wrdreg s24  }
0xb6: {  	[dreg:$0x4] =	wrdreg $0x14F000  }
0xb7: {  	[dreg:$0x5] =	wrdreg $0xAF000  }
0xb8: {  	[dreg:$0x6] =	wrdreg $0x9  }
0xb9: {  	_ =	task.clear_ibuf [dreg:s7], $0x7FFFF;
	_ =	strace $0x90000049  }
0xba: {  	s29 =	simm.s32 $0x9;
	_ =	strace $0x8000004B  }
0xbb: {  	_ =	swait.ge [sflag:s29], $0x1  }
0xbc: {  	[sflag:s29] =	ssyncadd.s32 $0xFFFFFFFF  }
0xbd: {  	_ =	strace $0x9000004B  }
0xbe: {  	_ =	sfence  }
0xbf: {  	s30 =	sld [smem:$0x0];
	_ =	sdelay $0x2  }
0xc0: {  	s31 =	sshll.u32 s1, $0xD;
	s1 =	sshrl.u32 s1, $0x2  }
0xc1: {  	s3 =	sand.u32 $0x4000, s31;
	s1 =	sadd.s32 s1, s30  }
0xc2: {  	s0 =	sor.u32 s3, s0;
	s1 =	sshll.u32 s1, $0x11  }
0xc3: {  	s0 =	sor.u32 s1, s0  }
0xc4: {  	s0 =	sadd.s32 $0x8F2B, s0  }
0xc5: {  	[sflag:s0] =	ssyncadd.remote.s32 $0x1  }
0xc6: {  	_ =	sfence.sel $0xFFFF  }
0xc7: {  	[dreg:$0x0] =	wrdreg $0xFFFFFFFF;
	(pc) =	sbr.abs _section_cstart, $3  }
0xc8: {  	[dreg:$0x1] =	wrdreg $0xFFFFFFFF  }
0xc9: {  	_ =	task.clear_ibuf [dreg:s7], $0x2FFFF;
	_ =	strace $0x9FFFFFFF  }
0xca: {  	(tm) =	ssettm $0x7FFFFFFF  }
0xcb: {  	_ =	shalt  }
tec
execute0_lowered:
.L_overlay_start_1:
0x0: {  	(tag) =	ssettag $0x1  }
0x1: {  	s7 =	rddreg [dreg:$0x0]  }
0x2: {  	s5 =	rddreg [dreg:$0x1]  }
0x3: {  	s1 =	srdreg.scid;
	s2 =	rddreg [dreg:$0x2]  }
0x4: {  	s0 =	stileid.u32;
	s3 =	rddreg [dreg:$0x3];
	s4 =	simm.s32 $0x0  }
0x5: {  	s16 =	simm.s32 $0x2780;
	s19 =	simm.s32 $0x8F00;
	s20 =	simm.s32 $0x80  }
0x6: {  	s21 =	simm.s32 $0x4F00;
	s22 =	simm.s32 $0x6F00;
	s23 =	simm.s32 $0x1  }
0x7: {  	s24 =	simm.s32 $0x2;
	s25 =	simm.s32 $0x4E80;
	s9 =	smul.u32 $0xA000, s0  }
0x8: {  	s26 =	simm.s32 $0x0;
	s6 =	sand.u32 $0x1, s1;
	s11 =	smul.u32 $0xFA00, s0  }
0x9: {  	s28 =	sshll.u32 s0, $0x1;
	[smem:$0x7FF] =	sst s4;
	s13 =	smul.u32 $0x28000, s0  }
0xa: {  	p0 =	sgt.u32 s0, $0x9;
	s1 =	sor.u32 s6, s28;
	s10 =	smul.u32 $0xA0000, s6  }
0xb: {  	_ =	strace $0x8000004A;
	s6 =	ssub.s32 $0x2, s6;
	s17 =	sshll.u32 @!p0 s0, $0x6  }
0xc: {  	s8 =	smul.u32 $0x4F0, s1;
	s12 =	sshrl.u32 s6, $0x1;
	s29 =	sshrl.u32 s11, $0x3  }
0xd: {  	s30 =	sshrl.u32 s13, $0x2;
	s18 =	sadd.s32 s11, s2;
	s17 =	sor.u32 @!p0 $0x1C03, s17  }
0xe: {  	s10 =	sadd.s32 s9, s10;
	s15 =	ssub.s32 s6, s12;
	s7 =	sadd.s32 s7, s29  }
0xf: {  	s31 =	sadd.s32 s30, s3;
	s18 =	sshrl.u32 @!p0 s18, $0x3;
	s8 =	sadd.s32 s8, s5  }
0x10: {  	s10 =	sshrl.u32 s10, $0x3;
	s11 =	sadd.s32 $0x6000, s31;
	s12 =	sadd.s32 $0x8000, s31  }
0x11: {  	s14 =	sadd.s32 s10, s5;
	s5 =	sadd.s32 $0x1FC00, s8;
	s6 =	sadd.s32 $0x1E00, s8  }
0x12: {  	s8 =	sadd.s32 s9, s3;
	s9 =	sadd.s32 $0x2000, s31;
	s10 =	sadd.s32 $0x4000, s31  }
0x13: {  	v0 =	vimm.f32 $0.0e+00;
	s13 =	sadd.s32 $0x29A00, s14;
	s14 =	smax.u32 s15, $0x1;
	s15 =	simm.s32 $0x3  }
.LBB2_1:
0x14: {  	[tilespmem:s4], [sflag:$0x3] =	stream.linear.gather [hbm4b:s5+s4], $0x2780, $0x38;
	[tilespmem:$0x1EB40] =	vst v63  }
0x15: {  	_ =	swait.ge [sflag:s15], $0x2780  }
0x16: {  	[sflag:s15] =	ssyncset.done $0x0  }
0x17: {  	[sflag:s15] =	ssyncadd.s32 $0xFFFFD880  }
0x18: {  	[tilespmem:s16], [sflag:$0x3] =	stream.linear.gather [hbm4b:s6+s4], $0x2780, $0x38;
	[tilespmem:$0x1EB40] =	vst v63  }
0x19: {  	_ =	swait.ge [sflag:s15], $0x2780  }
0x1a: {  	[sflag:s15] =	ssyncset.done $0x0  }
0x1b: {  	s28 =	simm.s32 @!p0 $0x3;
	[sflag:s15] =	ssyncadd.s32 $0xFFFFD880  }
0x1c: {  	[spmem:s18], [sflag:s17] =	dma.local @!p0 [hbm:s7], $0x1F40  }
0x1d: {  	_ =	swait.ge @!p0 [sflag:s28], $0x1F40  }
0x1e: {  	[sflag:s28] =	ssyncset.done @!p0 $0x0  }
0x1f: {  	s29 =	simm.s32 $0x100;
	[sflag:s28] =	ssyncadd.s32 @!p0 $0xFFFFE0C0;
	s28 =	simm.s32 $0x0  }
.LBB2_2:
0x20: {  	p1 =	sne.s32 s29, $0x7F00;
	[tilespmem:s28+$0x8F30] =	vst v0;
	s30 =	smov.u32 s29;
	s29 =	sadd.s32 $0x100, s29  }
.Ltmp0:
0x21: {  	[tilespmem:s28+$0x8F20] =	vst v0;
	(pc) =	sbr.rel @p1 .LBB2_2-.Ltmp0, $3  }
0x22: {  	[tilespmem:s28+$0x8F00] =	vst v0  }
0x23: {  	[tilespmem:s28+$0x8F10] =	vst v0;
	_ =	sdelay $0x1  }
0x24: {  	s28 =	sshra.s32 s30, $0x2  }
0x25: {  	[tilespmem:s28+$0x8F30] =	vst v0  }
0x26: {  	[tilespmem:s28+$0x8F20] =	vst v0  }
0x27: {  	[tilespmem:s28+$0x8F00] =	vst v0  }
0x28: {  	[tilespmem:s28+$0x8F10] =	vst v0  }
0x29: {  	[spmem:s8] =	stream.linear.scatter [tilespmem:s19], [sflag:$0x3], $0x2000, $0x38;
	[tilespmem:$0x1EB40] =	vst v63  }
0x2a: {  	_ =	swait.ge [sflag:s15], $0x2000  }
0x2b: {  	[sflag:s15] =	ssyncset.done $0x0  }
0x2c: {  	[sflag:s15] =	ssyncadd.s32 $0xFFFFE000  }
0x2d: {  	[spmem:s9] =	stream.linear.scatter [tilespmem:s19], [sflag:$0x3], $0x2000, $0x38;
	[tilespmem:$0x1EB40] =	vst v63  }
0x2e: {  	_ =	swait.ge [sflag:s15], $0x2000  }
0x2f: {  	[sflag:s15] =	ssyncset.done $0x0  }
0x30: {  	[sflag:s15] =	ssyncadd.s32 $0xFFFFE000  }
0x31: {  	[spmem:s10] =	stream.linear.scatter [tilespmem:s19], [sflag:$0x3], $0x2000, $0x38;
	[tilespmem:$0x1EB40] =	vst v63  }
0x32: {  	_ =	swait.ge [sflag:s15], $0x2000  }
0x33: {  	[sflag:s15] =	ssyncset.done $0x0  }
0x34: {  	[sflag:s15] =	ssyncadd.s32 $0xFFFFE000  }
0x35: {  	[spmem:s11] =	stream.linear.scatter [tilespmem:s19], [sflag:$0x3], $0x2000, $0x38;
	[tilespmem:$0x1EB40] =	vst v63  }
0x36: {  	_ =	swait.ge [sflag:s15], $0x2000  }
0x37: {  	[sflag:s15] =	ssyncset.done $0x0  }
0x38: {  	[sflag:s15] =	ssyncadd.s32 $0xFFFFE000  }
0x39: {  	[spmem:s12] =	stream.linear.scatter [tilespmem:s19], [sflag:$0x3], $0x2000, $0x38;
	[tilespmem:$0x1EB40] =	vst v63  }
0x3a: {  	_ =	swait.ge [sflag:s15], $0x2000  }
0x3b: {  	[sflag:s15] =	ssyncset.done $0x0  }
0x3c: {  	[sflag:s15] =	ssyncadd.s32 $0xFFFFE000  }
0x3d: {  	s28 =	simm.s32 $0x0;
	[bflag:$0x0] =	sbarrier.arrive $0xFFFF  }
0x3e: {  	[tilespmem:s21], [sflag:$0x1] =	stream.indirect.gather [spmem:s2], $0x40, s28, s20, $0xb8;
	[tilespmem:$0x1EB40] =	vst v63  }
0x3f: {  	s28 =	simm.s32 $0x80  }
0x40: {  	[tilespmem:s22], [sflag:$0x2] =	stream.indirect.gather [spmem:s2], $0x40, s28, s20, $0xb8;
	[tilespmem:$0x1EB40] =	vst v63  }
0x41: {  	_ =	swait.ge [sflag:s23], $0x2000  }
0x42: {  	[sflag:s23] =	ssyncset.done $0x0  }
0x43: {  	s28 =	simm.s32 $0x2780;
	[sflag:s23] =	ssyncadd.s32 $0xFFFFE000  }
0x44: {  	[spmem:s3] =	stream.indirect.scatter.add.f32 [tilespmem:s21], [sflag:$0x3], $0x40, s28, s20, $0xb8;
	[tilespmem:$0x1EB40] =	vst v63  }
0x45: {  	_ =	swait.ge [sflag:s15], $0x2000  }
0x46: {  	[sflag:s15] =	ssyncset.done $0x0  }
0x47: {  	s28 =	simm.s32 $0x100;
	[sflag:s15] =	ssyncadd.s32 $0xFFFFE000  }
0x48: {  	[tilespmem:s21], [sflag:$0x1] =	stream.indirect.gather [spmem:s2], $0x40, s28, s20, $0xb8;
	[tilespmem:$0x1EB40] =	vst v63  }
0x49: {  	_ =	swait.ge [sflag:s24], $0x2000  }
0x4a: {  	[sflag:s24] =	ssyncset.done $0x0  }
0x4b: {  	s28 =	simm.s32 $0x2800;
	[sflag:s24] =	ssyncadd.s32 $0xFFFFE000  }
0x4c: {  	[spmem:s3] =	stream.indirect.scatter.add.f32 [tilespmem:s22], [sflag:$0x3], $0x40, s28, s20, $0xb8;
	[tilespmem:$0x1EB40] =	vst v63  }
0x4d: {  	_ =	swait.ge [sflag:s15], $0x2000  }
0x4e: {  	s29 =	simm.s32 $0x800;
	s28 =	simm.s32 $0x100;
	[sflag:s15] =	ssyncset.done $0x0  }
.LBB2_4:
0x4f: {  	s30 =	sadd.s32 $0x80, s28  }
0x50: {  	[sflag:s15] =	ssyncadd.s32 $0xFFFFE000;
	s31 =	smov.u32 s29;
	s1 =	sadd.s32 $0x400, s29  }
0x51: {  	[tilespmem:s22], [sflag:$0x2] =	stream.indirect.gather [spmem:s2], $0x40, s30, s20, $0xb8;
	[tilespmem:$0x1EB40] =	vst v63  }
0x52: {  	p1 =	sne.s32 s29, $0x9800;
	_ =	swait.ge [sflag:s23], $0x2000  }
0x53: {  	[sflag:s23] =	ssyncset.done $0x0  }
0x54: {  	s29 =	sadd.s32 $0x2780, s28;
	[sflag:s23] =	ssyncadd.s32 $0xFFFFE000  }
0x55: {  	[spmem:s3] =	stream.indirect.scatter.add.f32 [tilespmem:s21], [sflag:$0x3], $0x40, s29, s20, $0xb8;
	[tilespmem:$0x1EB40] =	vst v63  }
0x56: {  	_ =	swait.ge [sflag:s15], $0x2000  }
0x57: {  	[sflag:s15] =	ssyncset.done $0x0  }
0x58: {  	s29 =	sadd.s32 $0x100, s28;
	[sflag:s15] =	ssyncadd.s32 $0xFFFFE000  }
0x59: {  	[tilespmem:s21], [sflag:$0x1] =	stream.indirect.gather [spmem:s2], $0x40, s29, s20, $0xb8;
	[tilespmem:$0x1EB40] =	vst v63  }
0x5a: {  	_ =	swait.ge [sflag:s24], $0x2000  }
.Ltmp1:
0x5b: {  	[sflag:s24] =	ssyncset.done $0x0;
	(pc) =	sbr.rel @p1 .LBB2_4-.Ltmp1, $4  }
0x5c: {  	s28 =	sadd.s32 $0x2800, s28;
	[sflag:s24] =	ssyncadd.s32 $0xFFFFE000  }
0x5d: {  	[spmem:s3] =	stream.indirect.scatter.add.f32 [tilespmem:s22], [sflag:$0x3], $0x40, s28, s20, $0xb8;
	[tilespmem:$0x1EB40] =	vst v63  }
0x5e: {  	_ =	swait.ge [sflag:s15], $0x2000  }
0x5f: {  	s29 =	smov.u32 s1;
	s28 =	sshra.s32 s31, $0x2;
	[sflag:s15] =	ssyncset.done $0x0  }
0x60: {  	s1 =	sadd.s32 $0x80, s28;
	[sflag:s15] =	ssyncadd.s32 $0xFFFFE000  }
0x61: {  	[tilespmem:s22], [sflag:$0x2] =	stream.indirect.gather [spmem:s2], $0x40, s1, s20, $0xb8;
	[tilespmem:$0x1EB40] =	vst v63  }
0x62: {  	_ =	swait.ge [sflag:s23], $0x2000  }
0x63: {  	[sflag:s23] =	ssyncset.done $0x0  }
0x64: {  	s30 =	sadd.s32 $0x2780, s28;
	[sflag:s23] =	ssyncadd.s32 $0xFFFFE000  }
0x65: {  	[spmem:s3] =	stream.indirect.scatter.add.f32 [tilespmem:s21], [sflag:$0x3], $0x40, s30, s20, $0xb8;
	[tilespmem:$0x1EB40] =	vst v63  }
0x66: {  	_ =	swait.ge [sflag:s15], $0x2000  }
0x67: {  	[sflag:s15] =	ssyncset.done $0x0  }
0x68: {  	s31 =	sadd.s32 $0x100, s28;
	[sflag:s15] =	ssyncadd.s32 $0xFFFFE000  }
0x69: {  	[tilespmem:s21], [sflag:$0x1] =	stream.indirect.gather [spmem:s2], $0x40, s31, s20, $0xb8;
	[tilespmem:$0x1EB40] =	vst v63  }
0x6a: {  	_ =	swait.ge [sflag:s24], $0x2000  }
0x6b: {  	[sflag:s24] =	ssyncset.done $0x0  }
0x6c: {  	s29 =	sadd.s32 $0x2800, s28;
	[sflag:s24] =	ssyncadd.s32 $0xFFFFE000  }
0x6d: {  	[spmem:s3] =	stream.indirect.scatter.add.f32 [tilespmem:s22], [sflag:$0x3], $0x40, s29, s20, $0xb8;
	[tilespmem:$0x1EB40] =	vst v63  }
0x6e: {  	_ =	swait.ge [sflag:s15], $0x2000  }
0x6f: {  	[sflag:s15] =	ssyncset.done $0x0  }
0x70: {  	[sflag:s15] =	ssyncadd.s32 $0xFFFFE000  }
0x71: {  	_ =	swait.ge [sflag:s23], $0x2000  }
0x72: {  	[sflag:s23] =	ssyncset.done $0x0  }
0x73: {  	[sflag:s23] =	ssyncadd.s32 $0xFFFFE000  }
0x74: {  	[spmem:s3] =	stream.indirect.scatter.add.f32 [tilespmem:s21], [sflag:$0x3], $0x40, s25, s20, $0xb8;
	[tilespmem:$0x1EB40] =	vst v63  }
0x75: {  	_ =	swait.ge [sflag:s15], $0x2000  }
0x76: {  	s26 =	sadd.s32 $0x1, s26;
	s30 =	sshll.u32 s0, $0x6;
	[sflag:s15] =	ssyncset.done $0x0  }
0x77: {  	p1 =	sne.s32 s26, s14;
	s1 =	sor.u32 $0x1C03, s30;
	[sflag:s15] =	ssyncadd.s32 $0xFFFFE000  }
.Ltmp2:
0x78: {  	s31 =	sshrl.u32 s8, $0x3;
	[bflag:$0x0] =	sbarrier.arrive $0xFFFF;
	(pc) =	sbr.rel @p1 .LBB2_1-.Ltmp2, $4  }
0x79: {  	[hbm:s13], [sflag:s1] =	dma.local [spmem:s31], $0x1400  }
0x7a: {  	_ =	swait.ge [sflag:s15], $0x1400  }
0x7b: {  	[sflag:s15] =	ssyncset.done $0x0  }
0x7c: {  	[sflag:s15] =	ssyncadd.s32 $0xFFFFEC00  }
0x7d: {  	_ =	sfence.sel $0x180000  }
0x7e: {  	[bflag:$0x0] =	sbarrier.arrive $0xFFFF  }
0x7f: {  	_ =	strace $0x9000004A  }
0x80: {  	[bflag:$0x2] =	sbarrier.arrive $0xFFFF  }
0x81: {  	p0 =	sne.s32 s0, $0x0;
	s0 =	rddreg [dreg:$0x4]  }
0x82: {  	s0 =	sadd.s32 @!p0 $0x100000, s0  }
0x83: {  	[sflag:s0] =	ssyncadd.tile.s32 @!p0 $0x1;
	_ =	shalt  }
.Lfunc_end2:
_tile_overlayer_lowered:
.L_overlay_start_2:
0x84: {  	(tag) =	ssettag $0x2  }
0x85: {  	s0 =	rddreg [dreg:$0x0];
	s2 =	stileid.u32  }
0x86: {  	s1 =	rddreg [dreg:$0x1];
	p0 =	sne.s32 s2, $0x0  }
0x87: {  	s3 =	rddreg [dreg:$0x2];
	[bflag:$0x3] =	sbarrier.arrive $0xFFFF;
	s2 =	simm.s32 @!p0 $0x1C03  }
0x88: {  	[timem:s3], [sflag:s2] =	dma.local @!p0 [hbm:s0], s1  }
0x89: {  	s0 =	simm.s32 @!p0 $0x3  }
0x8a: {  	_ =	swait.ge @!p0 [sflag:s0], s1  }
0x8b: {  	s1 =	ssub.s32 @!p0 $0x0, s1;
	[sflag:s0] =	ssyncset.done @!p0 $0x0  }
0x8c: {  	[sflag:s0] =	ssyncadd.s32 @!p0 s1  }
0x8d: {  	[bflag:$0x3] =	sbarrier.arrive $0xFFFF  }
0x8e: {  	_ =	shalt  }

// kernel: kernel.15.cloned.1.call-start
scs
__scs_entry_jumppad:
0x0: {  	(pc) =	sbr.rel $0x88, $3  }
0x1: {  	(tag) =	ssettag $0x0;
	lr =	simm.s32 $0x1  }
0x2: {  	[smem:$0x3F99] =	sst lr;
	_ =	strace $0xD0000000  }
0x3: {  	_ = 	snop  }
0x4: {  	_ = 	snop  }
0x5: {  	_ = 	snop  }
0x6: {  	_ = 	snop  }
0x7: {  	_ = 	snop  }
__scs_overlays_trampoline_lowered:
0x8: {  	[smem:$0x3FA8] =	sst s0  }
0x9: {  	[smem:$0x3FA9] =	sst s1  }
0xa: {  	[smem:$0x3FAA] =	sst s2  }
0xb: {  	[smem:$0x3FAB] =	sst s3  }
0xc: {  	[smem:$0x3FAC] =	sst s4  }
0xd: {  	[smem:$0x3FAD] =	sst s5  }
0xe: {  	[smem:$0x3FAE] =	sst s6  }
0xf: {  	[smem:$0x3FAF] =	sst s7  }
0x10: {  	[smem:$0x3FB0] =	sst s8  }
0x11: {  	[smem:$0x3FB1] =	sst s9;
	s0 =	simm.s32 @!p0 $0x0  }
0x12: {  	s1 =	sld [smem:$0x3F97];
	s0 =	simm.s32 @p0 $0x1  }
0x13: {  	[smem:$0x3FB2] =	sst s0;
	s0 =	simm.s32 @!p1 $0x0  }
0x14: {  	s2 =	sld [smem:$0x3F96];
	s0 =	simm.s32 @p1 $0x1  }
0x15: {  	[smem:$0x3FB3] =	sst s0;
	s0 =	simm.s32 @!p2 $0x0  }
0x16: {  	s3 =	sld [smem:$0x3FDB];
	s0 =	simm.s32 @p2 $0x1  }
0x17: {  	s4 =	simm.s32 $0x1BF5;
	[smem:$0x3FB5] =	sst s0  }
0x18: {  	s0 =	sld [smem:$0x3F98];
	_ =	swait.ge [sflag:s4], $0x0  }
0x19: {  	s7 =	sld [smem:$0x3F99]  }
0x1a: {  	s8 =	sadd.s32 $0xFFFFE003, lr  }
0x1b: {  	s9 =	sadd.s32 $0xFFFFFEF7, lr;
	s5 =	simm.s32 $0xFFFFFFFF;
	p2 =	slt.u32 s8, $0xFFFFF086  }
0x1c: {  	p1 =	slt.u32 s9, $0xF7A;
	s5 =	simm.s32 @!p2 $0x0  }
0x1d: {  	s5 =	simm.s32 @p1 $0x1;
	p0 =	seq.s32 s7, s2  }
0x1e: {  	s7 =	smul.u32 @!p0 $0xF7A, s2;
	p2 =	seq.s32 @!p0 s5, $0x0  }
0x1f: {  	s9 =	smul.u32 $0xF7A, s1;
	s8 =	simm.s32 @!p0 $0x1BF5;
	p2 =	por !p2, p0  }
0x20: {  	[sflag:s8] =	ssyncset.s32 @!p0 $0xFFFFF086;
	s6 =	sadd.s32 @!p0 s3, s7;
	s7 =	simm.s32 @!p0 $0x108  }
0x21: {  	s3 =	sadd.s32 s3, s9;
	s6 =	sadd.s32 @!p0 $0x88, s6;
	s7 =	simm.s32 @p2 $0x1082  }
0x22: {  	[simem:s7], [sflag:s8] =	dma.local @!p0 [hbm:s6], $0xF7A  }
0x23: {  	s9 =	sor.u32 $0xD0000000, s2;
	s6 =	simm.s32 $0x108;
	_ =	swait.ge @!p0 [sflag:s8], $0x0  }
0x24: {  	s3 =	sadd.s32 $0x88, s3;
	s6 =	simm.s32 @!p1 $0x1082;
	[sflag:s4] =	ssyncset.s32 $0xFFFFF086  }
0x25: {  	[simem:s6], [sflag:s4] =	dma.local [hbm:s3], $0xF7A  }
0x26: {  	[smem:$0x3F99] =	sst s1;
	(tag) =	ssettag s2;
	_ =	strace s9  }
0x27: {  	s1 =	sld [smem:$0x3FA9]  }
0x28: {  	s2 =	sld [smem:$0x3FAA]  }
0x29: {  	s4 =	sld [smem:$0x3FAC]  }
0x2a: {  	p0 =	seq.s32 s5, $0x0;
	s5 =	sld [smem:$0x3FAD]  }
0x2b: {  	s6 =	sld [smem:$0x3FAE]  }
0x2c: {  	s7 =	sld [smem:$0x3FAF]  }
0x2d: {  	s3 =	simm.s32 $0x108;
	s8 =	sld [smem:$0x3FB0]  }
0x2e: {  	s3 =	simm.s32 @!p0 $0x1082;
	s9 =	sld [smem:$0x3FB1]  }
0x2f: {  	lr =	sadd.s32 s0, s3;
	s0 =	sld [smem:$0x3FA8]  }
0x30: {  	s3 =	sld [smem:$0x3FAB]  }
0x31: {  	[smem:$0x3FB4] =	sst s10  }
0x32: {  	s10 =	sld [smem:$0x3FB2];
	_ =	sdelay $0x3  }
0x33: {  	p0 =	seq.s32 s10, $0x1;
	s10 =	sld [smem:$0x3FB4];
	_ =	sdelay $0x3  }
0x34: {  	[smem:$0x3FB4] =	sst s10  }
0x35: {  	s10 =	sld [smem:$0x3FB3];
	_ =	sdelay $0x3  }
0x36: {  	p1 =	seq.s32 s10, $0x1;
	s10 =	sld [smem:$0x3FB4];
	_ =	sdelay $0x3  }
0x37: {  	[smem:$0x3FB4] =	sst s10  }
0x38: {  	s10 =	sld [smem:$0x3FB5]  }
0x39: {  	_ = 	snop;
	(pc) =	sbr.ind lr, $3  }
0x3a: {  	_ = 	snop  }
0x3b: {  	_ = 	snop  }
0x3c: {  	p2 =	seq.s32 s10, $0x1;
	s10 =	sld [smem:$0x3FB4]  }
0x3d: {  	_ =	shalt  }
0x3e: {  	_ =	shalt  }
0x3f: {  	_ =	shalt  }
0x40: {  	_ =	shalt  }
0x41: {  	_ =	shalt  }
0x42: {  	_ =	shalt  }
0x43: {  	_ =	shalt  }
0x44: {  	_ =	shalt  }
0x45: {  	_ =	shalt  }
0x46: {  	_ =	shalt  }
0x47: {  	_ =	shalt  }
0x48: {  	_ =	shalt  }
0x49: {  	_ =	shalt  }
0x4a: {  	_ =	shalt  }
0x4b: {  	_ =	shalt  }
0x4c: {  	_ =	shalt  }
0x4d: {  	_ =	shalt  }
0x4e: {  	_ =	shalt  }
0x4f: {  	_ =	shalt  }
0x50: {  	_ =	shalt  }
0x51: {  	_ =	shalt  }
0x52: {  	_ =	shalt  }
0x53: {  	_ =	shalt  }
0x54: {  	_ =	shalt  }
0x55: {  	_ =	shalt  }
0x56: {  	_ =	shalt  }
0x57: {  	_ =	shalt  }
0x58: {  	_ =	shalt  }
0x59: {  	_ =	shalt  }
0x5a: {  	_ =	shalt  }
0x5b: {  	_ =	shalt  }
0x5c: {  	_ =	shalt  }
0x5d: {  	_ =	shalt  }
0x5e: {  	_ =	shalt  }
0x5f: {  	_ =	shalt  }
0x60: {  	_ =	shalt  }
0x61: {  	_ =	shalt  }
0x62: {  	_ =	shalt  }
0x63: {  	_ =	shalt  }
0x64: {  	_ =	shalt  }
0x65: {  	_ =	shalt  }
0x66: {  	_ =	shalt  }
0x67: {  	_ =	shalt  }
0x68: {  	_ =	shalt  }
0x69: {  	_ =	shalt  }
0x6a: {  	_ =	shalt  }
0x6b: {  	_ =	shalt  }
0x6c: {  	_ =	shalt  }
0x6d: {  	_ =	shalt  }
0x6e: {  	_ =	shalt  }
0x6f: {  	_ =	shalt  }
0x70: {  	_ =	shalt  }
0x71: {  	_ =	shalt  }
0x72: {  	_ =	shalt  }
0x73: {  	_ =	shalt  }
0x74: {  	_ =	shalt  }
0x75: {  	_ =	shalt  }
0x76: {  	_ =	shalt  }
0x77: {  	_ =	shalt  }
0x78: {  	_ =	shalt  }
0x79: {  	_ =	shalt  }
0x7a: {  	_ =	shalt  }
0x7b: {  	_ =	shalt  }
0x7c: {  	_ =	shalt  }
0x7d: {  	_ =	shalt  }
0x7e: {  	_ =	shalt  }
0x7f: {  	_ =	shalt  }
0x80: {  	_ =	shalt  }
0x81: {  	_ =	shalt  }
0x82: {  	_ =	shalt  }
0x83: {  	_ =	shalt  }
0x84: {  	_ =	shalt  }
0x85: {  	_ =	shalt  }
0x86: {  	_ =	shalt  }
0x87: {  	_ =	shalt  }
.Lfunc_end0:
.L_simem_size_0:
called_computation.2_lowered:
.L_overlay_start_0:
0x88: {  	s2 =	sld [smem:$0x3FD9]  }
0x89: {  	s3 =	sld [smem:$0x3FFE];
	_ =	sdelay $0x1  }
0x8a: {  	s1 =	srdreg.scid  }
0x8b: {  	s0 =	sand.u32 $0x1, s1  }
0x8c: {  	s14 =	sshll.u32 s0, $0xA;
	s2 =	sadd.s32 s3, s2  }
0x8d: {  	s2 =	sadd.s32 s2, s14  }
0x8e: {  	[smem:$0x3FC0] =	sst s2  }
0x8f: {  	_ = 	snop  }
0x90: {  	s2 =	sld [smem:$0x3FD0];
	_ =	sdelay $0x2  }
0x91: {  	s15 =	simm.s32 $0xA;
	s4 =	simm.s32 $0x10  }
0x92: {  	[smem:s4], [sflag:s15] =	dma.local [hbm:s2], $0x1  }
0x93: {  	_ =	swait.eq [sflag:s15], $0x1  }
0x94: {  	[sflag:s15] =	ssyncset.done $0x0  }
0x95: {  	[sflag:s15] =	ssyncadd.s32 $0xFFFFFFFF  }
0x96: {  	s16 =	sld [smem:$0x10];
	(tm) =	ssettm $0x1  }
0x97: {  	s17 =	sld [smem:$0x3FFB];
	_ =	sdelay $0x3  }
0x98: {  	_ =	strace s17  }
0x99: {  	s3 =	sld [smem:$0x3FFC];
	_ =	sdelay $0x3  }
0x9a: {  	_ =	strace s3  }
0x9b: {  	s3 =	sld [smem:$0x3FFD];
	_ =	sdelay $0x3  }
0x9c: {  	_ =	strace s3  }
0x9d: {  	_ =	strace $0x8FFFFFFF  }
0x9e: {  	s18 =	sld [smem:$0x3FDB];
	_ =	sdelay $0x1  }
0x9f: {  	s19 =	simm.s32 $_scs_section_size  }
0xa0: {  	s5 =	simm.s32 $_size__tile_overlayer_lowered;
	s6 =	simm.s32 $_tile_overlayer_lowered  }
0xa1: {  	s22 =	simm.s32 $0x1BFF;
	s21 =	sshll.u32 s6, $0x1;
	s3 =	sadd.s32 s19, s18  }
0xa2: {  	s7 =	simm.s32 $0x0;
	s20 =	sshll.u32 s5, $0x1;
	s5 =	sadd.s32 s21, s3  }
0xa3: {  	[timem:s7], [sflag:s22] =	dma.local [hbm:s5], s20  }
0xa4: {  	_ =	swait.ge [sflag:s22], s20  }
0xa5: {  	s4 =	ssub.s32 $0x0, s20;
	[sflag:s22] =	ssyncset.done $0x0  }
0xa6: {  	[sflag:s22] =	ssyncadd.s32 s4;
	_ =	sdelay $0x1  }
0xa7: {  	s23 =	simm.s32 $0x1B8B  }
0xa8: {  	_ =	swait.ge [sflag:s23], $0x1  }
0xa9: {  	[sflag:s23] =	ssyncset.done $0x0  }
0xaa: {  	s25 =	simm.s32 $0x1B8E;
	s24 =	sld [smem:$0x3FFE];
	[sflag:s23] =	ssyncadd.s32 $0xFFFFFFFF  }
0xab: {  	s26 =	simm.s32 $execute0_lowered;
	[smem:$0x3FD2] =	sst s25  }
0xac: {  	s5 =	sshll.u32 s26, $0x1;
	_ =	strace $0x8000004C;
	[dreg:$0x1] =	wrdreg $0xFFFFFFFF  }
0xad: {  	s28 =	simm.s32 $_size_execute0_lowered;
	s3 =	sadd.s32 s3, s5;
	[dreg:$0x0] =	wrdreg $0x0  }
0xae: {  	s5 =	sshll.u32 s28, $0x1;
	[dreg:$0x2] =	wrdreg s3  }
0xaf: {  	[dreg:$0x3] =	wrdreg s5  }
0xb0: {  	[dreg:$0x4] =	wrdreg $0xC0  }
0xb1: {  	_ =	task [dreg:s7], $0x5FFFF  }
0xb2: {  	[dreg:$0x1] =	wrdreg $0xFFFFFFFF  }
0xb3: {  	[dreg:$0x0] =	wrdreg $0x60  }
0xb4: {  	[dreg:$0x2] =	wrdreg s16  }
0xb5: {  	[dreg:$0x3] =	wrdreg s24  }
0xb6: {  	[dreg:$0x4] =	wrdreg $0xCF000  }
0xb7: {  	[dreg:$0x5] =	wrdreg $0x7F000  }
0xb8: {  	[dreg:$0x6] =	wrdreg $0x9  }
0xb9: {  	_ =	task.clear_ibuf [dreg:s7], $0x7FFFF;
	_ =	strace $0x9000004C  }
0xba: {  	s29 =	simm.s32 $0x9;
	_ =	strace $0x8000004E  }
0xbb: {  	_ =	swait.ge [sflag:s29], $0x1  }
0xbc: {  	[sflag:s29] =	ssyncadd.s32 $0xFFFFFFFF  }
0xbd: {  	_ =	strace $0x9000004E  }
0xbe: {  	_ =	sfence  }
0xbf: {  	s30 =	sld [smem:$0x0];
	_ =	sdelay $0x2  }
0xc0: {  	s31 =	sshll.u32 s1, $0xD;
	s1 =	sshrl.u32 s1, $0x2  }
0xc1: {  	s3 =	sand.u32 $0x4000, s31;
	s1 =	sadd.s32 s1, s30  }
0xc2: {  	s0 =	sor.u32 s3, s0;
	s1 =	sshll.u32 s1, $0x11  }
0xc3: {  	s0 =	sor.u32 s1, s0  }
0xc4: {  	s0 =	sadd.s32 $0x8F2B, s0  }
0xc5: {  	[sflag:s0] =	ssyncadd.remote.s32 $0x1  }
0xc6: {  	_ =	sfence.sel $0xFFFF  }
0xc7: {  	[dreg:$0x0] =	wrdreg $0xFFFFFFFF;
	(pc) =	sbr.abs _section_cstart, $3  }
0xc8: {  	[dreg:$0x1] =	wrdreg $0xFFFFFFFF  }
0xc9: {  	_ =	task.clear_ibuf [dreg:s7], $0x2FFFF;
	_ =	strace $0x9FFFFFFF  }
0xca: {  	(tm) =	ssettm $0x7FFFFFFF  }
0xcb: {  	_ =	shalt  }
tec
execute0_lowered:
.L_overlay_start_1:
0x0: {  	(tag) =	ssettag $0x1  }
0x1: {  	s7 =	rddreg [dreg:$0x0]  }
0x2: {  	s5 =	rddreg [dreg:$0x1]  }
0x3: {  	s1 =	srdreg.scid;
	s2 =	rddreg [dreg:$0x2]  }
0x4: {  	s0 =	stileid.u32;
	s3 =	rddreg [dreg:$0x3];
	s4 =	simm.s32 $0x0  }
0x5: {  	s16 =	simm.s32 $0x2780;
	s19 =	simm.s32 $0x6F00;
	s20 =	simm.s32 $0x80  }
0x6: {  	s21 =	simm.s32 $0x4F00;
	s22 =	simm.s32 $0x5F00;
	s23 =	simm.s32 $0x1  }
0x7: {  	s24 =	simm.s32 $0x2;
	s25 =	simm.s32 $0x4E80;
	s9 =	smul.u32 $0x5000, s0  }
0x8: {  	s26 =	simm.s32 $0x0;
	s6 =	sand.u32 $0x1, s1;
	s11 =	smul.u32 $0x7D00, s0  }
0x9: {  	s28 =	sshll.u32 s0, $0x1;
	[smem:$0x7FF] =	sst s4;
	s13 =	smul.u32 $0x14000, s0  }
0xa: {  	p0 =	sgt.u32 s0, $0x9;
	s1 =	sor.u32 s6, s28;
	s10 =	smul.u32 $0x50000, s6  }
0xb: {  	_ =	strace $0x8000004D;
	s6 =	ssub.s32 $0x2, s6;
	s17 =	sshll.u32 @!p0 s0, $0x6  }
0xc: {  	s8 =	smul.u32 $0x4F0, s1;
	s12 =	sshrl.u32 s6, $0x1;
	s29 =	sshrl.u32 s11, $0x3  }
0xd: {  	s30 =	sshrl.u32 s13, $0x2;
	s18 =	sadd.s32 s11, s2;
	s17 =	sor.u32 @!p0 $0x1C03, s17  }
0xe: {  	s10 =	sadd.s32 s9, s10;
	s15 =	ssub.s32 s6, s12;
	s7 =	sadd.s32 s7, s29  }
0xf: {  	s31 =	sadd.s32 s30, s3;
	s18 =	sshrl.u32 @!p0 s18, $0x3;
	s8 =	sadd.s32 s8, s5  }
0x10: {  	s10 =	sshrl.u32 s10, $0x3;
	s11 =	sadd.s32 $0x3000, s31;
	s12 =	sadd.s32 $0x4000, s31  }
0x11: {  	s14 =	sadd.s32 s10, s5;
	s5 =	sadd.s32 $0x1FC00, s8;
	s6 =	sadd.s32 $0x1E00, s8  }
0x12: {  	s8 =	sadd.s32 s9, s3;
	s9 =	sadd.s32 $0x1000, s31;
	s10 =	sadd.s32 $0x2000, s31  }
0x13: {  	v0 =	vimm.f32 $0.0e+00;
	s13 =	sadd.s32 $0xBC00, s14;
	s14 =	smax.u32 s15, $0x1;
	s15 =	simm.s32 $0x3  }
.LBB2_1:
0x14: {  	[tilespmem:s4], [sflag:$0x3] =	stream.linear.gather [hbm4b:s5+s4], $0x2780, $0x38;
	[tilespmem:$0x11D20] =	vst v63  }
0x15: {  	_ =	swait.ge [sflag:s15], $0x2780  }
0x16: {  	[sflag:s15] =	ssyncset.done $0x0  }
0x17: {  	[sflag:s15] =	ssyncadd.s32 $0xFFFFD880  }
0x18: {  	[tilespmem:s16], [sflag:$0x3] =	stream.linear.gather [hbm4b:s6+s4], $0x2780, $0x38;
	[tilespmem:$0x11D20] =	vst v63  }
0x19: {  	_ =	swait.ge [sflag:s15], $0x2780  }
0x1a: {  	[sflag:s15] =	ssyncset.done $0x0  }
0x1b: {  	s28 =	simm.s32 @!p0 $0x3;
	[sflag:s15] =	ssyncadd.s32 $0xFFFFD880  }
0x1c: {  	[spmem:s18], [sflag:s17] =	dma.local @!p0 [hbm:s7], $0xFA0  }
0x1d: {  	_ =	swait.ge @!p0 [sflag:s28], $0xFA0  }
0x1e: {  	[sflag:s28] =	ssyncset.done @!p0 $0x0  }
0x1f: {  	s29 =	simm.s32 $0x0;
	[sflag:s28] =	ssyncadd.s32 @!p0 $0xFFFFF060;
	s28 =	simm.s32 $0x80  }
.LBB2_2:
0x20: {  	p1 =	sne.s32 s28, $0x3F80;
	[tilespmem:s29+$0x6F00] =	vst v0;
	s30 =	smov.u32 s28;
	s28 =	sadd.s32 $0x80, s28  }
.Ltmp0:
0x21: {  	[tilespmem:s29+$0x6F10] =	vst v0;
	(pc) =	sbr.rel @p1 .LBB2_2-.Ltmp0, $2  }
0x22: {  	_ =	sdelay $0x2  }
0x23: {  	s29 =	sshra.s32 s30, $0x2  }
0x24: {  	[tilespmem:s29+$0x6F00] =	vst v0  }
0x25: {  	[tilespmem:s29+$0x6F10] =	vst v0  }
0x26: {  	[spmem:s8] =	stream.linear.scatter [tilespmem:s19], [sflag:$0x3], $0x1000, $0x38;
	[tilespmem:$0x11D20] =	vst v63  }
0x27: {  	_ =	swait.ge [sflag:s15], $0x1000  }
0x28: {  	[sflag:s15] =	ssyncset.done $0x0  }
0x29: {  	[sflag:s15] =	ssyncadd.s32 $0xFFFFF000  }
0x2a: {  	[spmem:s9] =	stream.linear.scatter [tilespmem:s19], [sflag:$0x3], $0x1000, $0x38;
	[tilespmem:$0x11D20] =	vst v63  }
0x2b: {  	_ =	swait.ge [sflag:s15], $0x1000  }
0x2c: {  	[sflag:s15] =	ssyncset.done $0x0  }
0x2d: {  	[sflag:s15] =	ssyncadd.s32 $0xFFFFF000  }
0x2e: {  	[spmem:s10] =	stream.linear.scatter [tilespmem:s19], [sflag:$0x3], $0x1000, $0x38;
	[tilespmem:$0x11D20] =	vst v63  }
0x2f: {  	_ =	swait.ge [sflag:s15], $0x1000  }
0x30: {  	[sflag:s15] =	ssyncset.done $0x0  }
0x31: {  	[sflag:s15] =	ssyncadd.s32 $0xFFFFF000  }
0x32: {  	[spmem:s11] =	stream.linear.scatter [tilespmem:s19], [sflag:$0x3], $0x1000, $0x38;
	[tilespmem:$0x11D20] =	vst v63  }
0x33: {  	_ =	swait.ge [sflag:s15], $0x1000  }
0x34: {  	[sflag:s15] =	ssyncset.done $0x0  }
0x35: {  	[sflag:s15] =	ssyncadd.s32 $0xFFFFF000  }
0x36: {  	[spmem:s12] =	stream.linear.scatter [tilespmem:s19], [sflag:$0x3], $0x1000, $0x38;
	[tilespmem:$0x11D20] =	vst v63  }
0x37: {  	_ =	swait.ge [sflag:s15], $0x1000  }
0x38: {  	[sflag:s15] =	ssyncset.done $0x0  }
0x39: {  	[sflag:s15] =	ssyncadd.s32 $0xFFFFF000  }
0x3a: {  	s28 =	simm.s32 $0x0;
	[bflag:$0x0] =	sbarrier.arrive $0xFFFF  }
0x3b: {  	[tilespmem:s21], [sflag:$0x1] =	stream.indirect.gather [spmem:s2], $0x20, s28, s20, $0xb8;
	[tilespmem:$0x11D20] =	vst v63  }
0x3c: {  	s28 =	simm.s32 $0x80  }
0x3d: {  	[tilespmem:s22], [sflag:$0x2] =	stream.indirect.gather [spmem:s2], $0x20, s28, s20, $0xb8;
	[tilespmem:$0x11D20] =	vst v63  }
0x3e: {  	_ =	swait.ge [sflag:s23], $0x1000  }
0x3f: {  	[sflag:s23] =	ssyncset.done $0x0  }
0x40: {  	s28 =	simm.s32 $0x2780;
	[sflag:s23] =	ssyncadd.s32 $0xFFFFF000  }
0x41: {  	[spmem:s3] =	stream.indirect.scatter.add.f32 [tilespmem:s21], [sflag:$0x3], $0x20, s28, s20, $0xb8;
	[tilespmem:$0x11D20] =	vst v63  }
0x42: {  	_ =	swait.ge [sflag:s15], $0x1000  }
0x43: {  	[sflag:s15] =	ssyncset.done $0x0  }
0x44: {  	s28 =	simm.s32 $0x100;
	[sflag:s15] =	ssyncadd.s32 $0xFFFFF000  }
0x45: {  	[tilespmem:s21], [sflag:$0x1] =	stream.indirect.gather [spmem:s2], $0x20, s28, s20, $0xb8;
	[tilespmem:$0x11D20] =	vst v63  }
0x46: {  	_ =	swait.ge [sflag:s24], $0x1000  }
0x47: {  	[sflag:s24] =	ssyncset.done $0x0  }
0x48: {  	s28 =	simm.s32 $0x2800;
	[sflag:s24] =	ssyncadd.s32 $0xFFFFF000  }
0x49: {  	[spmem:s3] =	stream.indirect.scatter.add.f32 [tilespmem:s22], [sflag:$0x3], $0x20, s28, s20, $0xb8;
	[tilespmem:$0x11D20] =	vst v63  }
0x4a: {  	_ =	swait.ge [sflag:s15], $0x1000  }
0x4b: {  	s29 =	simm.s32 $0x800;
	s28 =	simm.s32 $0x100;
	[sflag:s15] =	ssyncset.done $0x0  }
.LBB2_4:
0x4c: {  	s30 =	sadd.s32 $0x80, s28  }
0x4d: {  	[sflag:s15] =	ssyncadd.s32 $0xFFFFF000;
	s31 =	smov.u32 s29;
	s1 =	sadd.s32 $0x400, s29  }
0x4e: {  	[tilespmem:s22], [sflag:$0x2] =	stream.indirect.gather [spmem:s2], $0x20, s30, s20, $0xb8;
	[tilespmem:$0x11D20] =	vst v63  }
0x4f: {  	p1 =	sne.s32 s29, $0x9800;
	_ =	swait.ge [sflag:s23], $0x1000  }
0x50: {  	[sflag:s23] =	ssyncset.done $0x0  }
0x51: {  	s29 =	sadd.s32 $0x2780, s28;
	[sflag:s23] =	ssyncadd.s32 $0xFFFFF000  }
0x52: {  	[spmem:s3] =	stream.indirect.scatter.add.f32 [tilespmem:s21], [sflag:$0x3], $0x20, s29, s20, $0xb8;
	[tilespmem:$0x11D20] =	vst v63  }
0x53: {  	_ =	swait.ge [sflag:s15], $0x1000  }
0x54: {  	[sflag:s15] =	ssyncset.done $0x0  }
0x55: {  	s29 =	sadd.s32 $0x100, s28;
	[sflag:s15] =	ssyncadd.s32 $0xFFFFF000  }
0x56: {  	[tilespmem:s21], [sflag:$0x1] =	stream.indirect.gather [spmem:s2], $0x20, s29, s20, $0xb8;
	[tilespmem:$0x11D20] =	vst v63  }
0x57: {  	_ =	swait.ge [sflag:s24], $0x1000  }
.Ltmp1:
0x58: {  	[sflag:s24] =	ssyncset.done $0x0;
	(pc) =	sbr.rel @p1 .LBB2_4-.Ltmp1, $4  }
0x59: {  	s28 =	sadd.s32 $0x2800, s28;
	[sflag:s24] =	ssyncadd.s32 $0xFFFFF000  }
0x5a: {  	[spmem:s3] =	stream.indirect.scatter.add.f32 [tilespmem:s22], [sflag:$0x3], $0x20, s28, s20, $0xb8;
	[tilespmem:$0x11D20] =	vst v63  }
0x5b: {  	_ =	swait.ge [sflag:s15], $0x1000  }
0x5c: {  	s29 =	smov.u32 s1;
	s28 =	sshra.s32 s31, $0x2;
	[sflag:s15] =	ssyncset.done $0x0  }
0x5d: {  	s1 =	sadd.s32 $0x80, s28;
	[sflag:s15] =	ssyncadd.s32 $0xFFFFF000  }
0x5e: {  	[tilespmem:s22], [sflag:$0x2] =	stream.indirect.gather [spmem:s2], $0x20, s1, s20, $0xb8;
	[tilespmem:$0x11D20] =	vst v63  }
0x5f: {  	_ =	swait.ge [sflag:s23], $0x1000  }
0x60: {  	[sflag:s23] =	ssyncset.done $0x0  }
0x61: {  	s30 =	sadd.s32 $0x2780, s28;
	[sflag:s23] =	ssyncadd.s32 $0xFFFFF000  }
0x62: {  	[spmem:s3] =	stream.indirect.scatter.add.f32 [tilespmem:s21], [sflag:$0x3], $0x20, s30, s20, $0xb8;
	[tilespmem:$0x11D20] =	vst v63  }
0x63: {  	_ =	swait.ge [sflag:s15], $0x1000  }
0x64: {  	[sflag:s15] =	ssyncset.done $0x0  }
0x65: {  	s31 =	sadd.s32 $0x100, s28;
	[sflag:s15] =	ssyncadd.s32 $0xFFFFF000  }
0x66: {  	[tilespmem:s21], [sflag:$0x1] =	stream.indirect.gather [spmem:s2], $0x20, s31, s20, $0xb8;
	[tilespmem:$0x11D20] =	vst v63  }
0x67: {  	_ =	swait.ge [sflag:s24], $0x1000  }
0x68: {  	[sflag:s24] =	ssyncset.done $0x0  }
0x69: {  	s29 =	sadd.s32 $0x2800, s28;
	[sflag:s24] =	ssyncadd.s32 $0xFFFFF000  }
0x6a: {  	[spmem:s3] =	stream.indirect.scatter.add.f32 [tilespmem:s22], [sflag:$0x3], $0x20, s29, s20, $0xb8;
	[tilespmem:$0x11D20] =	vst v63  }
0x6b: {  	_ =	swait.ge [sflag:s15], $0x1000  }
0x6c: {  	[sflag:s15] =	ssyncset.done $0x0  }
0x6d: {  	[sflag:s15] =	ssyncadd.s32 $0xFFFFF000  }
0x6e: {  	_ =	swait.ge [sflag:s23], $0x1000  }
0x6f: {  	[sflag:s23] =	ssyncset.done $0x0  }
0x70: {  	[sflag:s23] =	ssyncadd.s32 $0xFFFFF000  }
0x71: {  	[spmem:s3] =	stream.indirect.scatter.add.f32 [tilespmem:s21], [sflag:$0x3], $0x20, s25, s20, $0xb8;
	[tilespmem:$0x11D20] =	vst v63  }
0x72: {  	_ =	swait.ge [sflag:s15], $0x1000  }
0x73: {  	s26 =	sadd.s32 $0x1, s26;
	s30 =	sshll.u32 s0, $0x6;
	[sflag:s15] =	ssyncset.done $0x0  }
0x74: {  	p1 =	sne.s32 s26, s14;
	s1 =	sor.u32 $0x1C03, s30;
	[sflag:s15] =	ssyncadd.s32 $0xFFFFF000  }
.Ltmp2:
0x75: {  	s31 =	sshrl.u32 s8, $0x3;
	[bflag:$0x0] =	sbarrier.arrive $0xFFFF;
	(pc) =	sbr.rel @p1 .LBB2_1-.Ltmp2, $4  }
0x76: {  	[hbm:s13], [sflag:s1] =	dma.local [spmem:s31], $0xA00  }
0x77: {  	_ =	swait.ge [sflag:s15], $0xA00  }
0x78: {  	[sflag:s15] =	ssyncset.done $0x0  }
0x79: {  	[sflag:s15] =	ssyncadd.s32 $0xFFFFF600  }
0x7a: {  	_ =	sfence.sel $0x180000  }
0x7b: {  	[bflag:$0x0] =	sbarrier.arrive $0xFFFF  }
0x7c: {  	_ =	strace $0x9000004D  }
0x7d: {  	[bflag:$0x2] =	sbarrier.arrive $0xFFFF  }
0x7e: {  	p0 =	sne.s32 s0, $0x0;
	s0 =	rddreg [dreg:$0x4]  }
0x7f: {  	s0 =	sadd.s32 @!p0 $0x100000, s0  }
0x80: {  	[sflag:s0] =	ssyncadd.tile.s32 @!p0 $0x1;
	_ =	shalt  }
.Lfunc_end2:
_tile_overlayer_lowered:
.L_overlay_start_2:
0x81: {  	(tag) =	ssettag $0x2  }
0x82: {  	s0 =	rddreg [dreg:$0x0];
	s2 =	stileid.u32  }
0x83: {  	s1 =	rddreg [dreg:$0x1];
	p0 =	sne.s32 s2, $0x0  }
0x84: {  	s3 =	rddreg [dreg:$0x2];
	[bflag:$0x3] =	sbarrier.arrive $0xFFFF;
	s2 =	simm.s32 @!p0 $0x1C03  }
0x85: {  	[timem:s3], [sflag:s2] =	dma.local @!p0 [hbm:s0], s1  }
0x86: {  	s0 =	simm.s32 @!p0 $0x3  }
0x87: {  	_ =	swait.ge @!p0 [sflag:s0], s1  }
0x88: {  	s1 =	ssub.s32 @!p0 $0x0, s1;
	[sflag:s0] =	ssyncset.done @!p0 $0x0  }
0x89: {  	[sflag:s0] =	ssyncadd.s32 @!p0 s1  }
0x8a: {  	[bflag:$0x3] =	sbarrier.arrive $0xFFFF  }
0x8b: {  	_ =	shalt  }

// kernel: kernel.9.cloned.1.call-start
scs
__scs_entry_jumppad:
0x0: {  	(pc) =	sbr.rel $0x88, $3  }
0x1: {  	(tag) =	ssettag $0x0;
	lr =	simm.s32 $0x1  }
0x2: {  	[smem:$0x3F99] =	sst lr;
	_ =	strace $0xD0000000  }
0x3: {  	_ = 	snop  }
0x4: {  	_ = 	snop  }
0x5: {  	_ = 	snop  }
0x6: {  	_ = 	snop  }
0x7: {  	_ = 	snop  }
__scs_overlays_trampoline_lowered:
0x8: {  	[smem:$0x3FA8] =	sst s0  }
0x9: {  	[smem:$0x3FA9] =	sst s1  }
0xa: {  	[smem:$0x3FAA] =	sst s2  }
0xb: {  	[smem:$0x3FAB] =	sst s3  }
0xc: {  	[smem:$0x3FAC] =	sst s4  }
0xd: {  	[smem:$0x3FAD] =	sst s5  }
0xe: {  	[smem:$0x3FAE] =	sst s6  }
0xf: {  	[smem:$0x3FAF] =	sst s7  }
0x10: {  	[smem:$0x3FB0] =	sst s8  }
0x11: {  	[smem:$0x3FB1] =	sst s9;
	s0 =	simm.s32 @!p0 $0x0  }
0x12: {  	s1 =	sld [smem:$0x3F97];
	s0 =	simm.s32 @p0 $0x1  }
0x13: {  	[smem:$0x3FB2] =	sst s0;
	s0 =	simm.s32 @!p1 $0x0  }
0x14: {  	s2 =	sld [smem:$0x3F96];
	s0 =	simm.s32 @p1 $0x1  }
0x15: {  	[smem:$0x3FB3] =	sst s0;
	s0 =	simm.s32 @!p2 $0x0  }
0x16: {  	s3 =	sld [smem:$0x3FDB];
	s0 =	simm.s32 @p2 $0x1  }
0x17: {  	s4 =	simm.s32 $0x1BF5;
	[smem:$0x3FB5] =	sst s0  }
0x18: {  	s0 =	sld [smem:$0x3F98];
	_ =	swait.ge [sflag:s4], $0x0  }
0x19: {  	s7 =	sld [smem:$0x3F99]  }
0x1a: {  	s8 =	sadd.s32 $0xFFFFE003, lr  }
0x1b: {  	s9 =	sadd.s32 $0xFFFFFEF7, lr;
	s5 =	simm.s32 $0xFFFFFFFF;
	p2 =	slt.u32 s8, $0xFFFFF086  }
0x1c: {  	p1 =	slt.u32 s9, $0xF7A;
	s5 =	simm.s32 @!p2 $0x0  }
0x1d: {  	s5 =	simm.s32 @p1 $0x1;
	p0 =	seq.s32 s7, s2  }
0x1e: {  	s7 =	smul.u32 @!p0 $0xF7A, s2;
	p2 =	seq.s32 @!p0 s5, $0x0  }
0x1f: {  	s9 =	smul.u32 $0xF7A, s1;
	s8 =	simm.s32 @!p0 $0x1BF5;
	p2 =	por !p2, p0  }
0x20: {  	[sflag:s8] =	ssyncset.s32 @!p0 $0xFFFFF086;
	s6 =	sadd.s32 @!p0 s3, s7;
	s7 =	simm.s32 @!p0 $0x108  }
0x21: {  	s3 =	sadd.s32 s3, s9;
	s6 =	sadd.s32 @!p0 $0x88, s6;
	s7 =	simm.s32 @p2 $0x1082  }
0x22: {  	[simem:s7], [sflag:s8] =	dma.local @!p0 [hbm:s6], $0xF7A  }
0x23: {  	s9 =	sor.u32 $0xD0000000, s2;
	s6 =	simm.s32 $0x108;
	_ =	swait.ge @!p0 [sflag:s8], $0x0  }
0x24: {  	s3 =	sadd.s32 $0x88, s3;
	s6 =	simm.s32 @!p1 $0x1082;
	[sflag:s4] =	ssyncset.s32 $0xFFFFF086  }
0x25: {  	[simem:s6], [sflag:s4] =	dma.local [hbm:s3], $0xF7A  }
0x26: {  	[smem:$0x3F99] =	sst s1;
	(tag) =	ssettag s2;
	_ =	strace s9  }
0x27: {  	s1 =	sld [smem:$0x3FA9]  }
0x28: {  	s2 =	sld [smem:$0x3FAA]  }
0x29: {  	s4 =	sld [smem:$0x3FAC]  }
0x2a: {  	p0 =	seq.s32 s5, $0x0;
	s5 =	sld [smem:$0x3FAD]  }
0x2b: {  	s6 =	sld [smem:$0x3FAE]  }
0x2c: {  	s7 =	sld [smem:$0x3FAF]  }
0x2d: {  	s3 =	simm.s32 $0x108;
	s8 =	sld [smem:$0x3FB0]  }
0x2e: {  	s3 =	simm.s32 @!p0 $0x1082;
	s9 =	sld [smem:$0x3FB1]  }
0x2f: {  	lr =	sadd.s32 s0, s3;
	s0 =	sld [smem:$0x3FA8]  }
0x30: {  	s3 =	sld [smem:$0x3FAB]  }
0x31: {  	[smem:$0x3FB4] =	sst s10  }
0x32: {  	s10 =	sld [smem:$0x3FB2];
	_ =	sdelay $0x3  }
0x33: {  	p0 =	seq.s32 s10, $0x1;
	s10 =	sld [smem:$0x3FB4];
	_ =	sdelay $0x3  }
0x34: {  	[smem:$0x3FB4] =	sst s10  }
0x35: {  	s10 =	sld [smem:$0x3FB3];
	_ =	sdelay $0x3  }
0x36: {  	p1 =	seq.s32 s10, $0x1;
	s10 =	sld [smem:$0x3FB4];
	_ =	sdelay $0x3  }
0x37: {  	[smem:$0x3FB4] =	sst s10  }
0x38: {  	s10 =	sld [smem:$0x3FB5]  }
0x39: {  	_ = 	snop;
	(pc) =	sbr.ind lr, $3  }
0x3a: {  	_ = 	snop  }
0x3b: {  	_ = 	snop  }
0x3c: {  	p2 =	seq.s32 s10, $0x1;
	s10 =	sld [smem:$0x3FB4]  }
0x3d: {  	_ =	shalt  }
0x3e: {  	_ =	shalt  }
0x3f: {  	_ =	shalt  }
0x40: {  	_ =	shalt  }
0x41: {  	_ =	shalt  }
0x42: {  	_ =	shalt  }
0x43: {  	_ =	shalt  }
0x44: {  	_ =	shalt  }
0x45: {  	_ =	shalt  }
0x46: {  	_ =	shalt  }
0x47: {  	_ =	shalt  }
0x48: {  	_ =	shalt  }
0x49: {  	_ =	shalt  }
0x4a: {  	_ =	shalt  }
0x4b: {  	_ =	shalt  }
0x4c: {  	_ =	shalt  }
0x4d: {  	_ =	shalt  }
0x4e: {  	_ =	shalt  }
0x4f: {  	_ =	shalt  }
0x50: {  	_ =	shalt  }
0x51: {  	_ =	shalt  }
0x52: {  	_ =	shalt  }
0x53: {  	_ =	shalt  }
0x54: {  	_ =	shalt  }
0x55: {  	_ =	shalt  }
0x56: {  	_ =	shalt  }
0x57: {  	_ =	shalt  }
0x58: {  	_ =	shalt  }
0x59: {  	_ =	shalt  }
0x5a: {  	_ =	shalt  }
0x5b: {  	_ =	shalt  }
0x5c: {  	_ =	shalt  }
0x5d: {  	_ =	shalt  }
0x5e: {  	_ =	shalt  }
0x5f: {  	_ =	shalt  }
0x60: {  	_ =	shalt  }
0x61: {  	_ =	shalt  }
0x62: {  	_ =	shalt  }
0x63: {  	_ =	shalt  }
0x64: {  	_ =	shalt  }
0x65: {  	_ =	shalt  }
0x66: {  	_ =	shalt  }
0x67: {  	_ =	shalt  }
0x68: {  	_ =	shalt  }
0x69: {  	_ =	shalt  }
0x6a: {  	_ =	shalt  }
0x6b: {  	_ =	shalt  }
0x6c: {  	_ =	shalt  }
0x6d: {  	_ =	shalt  }
0x6e: {  	_ =	shalt  }
0x6f: {  	_ =	shalt  }
0x70: {  	_ =	shalt  }
0x71: {  	_ =	shalt  }
0x72: {  	_ =	shalt  }
0x73: {  	_ =	shalt  }
0x74: {  	_ =	shalt  }
0x75: {  	_ =	shalt  }
0x76: {  	_ =	shalt  }
0x77: {  	_ =	shalt  }
0x78: {  	_ =	shalt  }
0x79: {  	_ =	shalt  }
0x7a: {  	_ =	shalt  }
0x7b: {  	_ =	shalt  }
0x7c: {  	_ =	shalt  }
0x7d: {  	_ =	shalt  }
0x7e: {  	_ =	shalt  }
0x7f: {  	_ =	shalt  }
0x80: {  	_ =	shalt  }
0x81: {  	_ =	shalt  }
0x82: {  	_ =	shalt  }
0x83: {  	_ =	shalt  }
0x84: {  	_ =	shalt  }
0x85: {  	_ =	shalt  }
0x86: {  	_ =	shalt  }
0x87: {  	_ =	shalt  }
.Lfunc_end0:
.L_simem_size_0:
called_computation_lowered:
.L_overlay_start_0:
0x88: {  	s2 =	sld [smem:$0x3FD9]  }
0x89: {  	s3 =	sld [smem:$0x3FFE];
	_ =	sdelay $0x1  }
0x8a: {  	s1 =	srdreg.scid  }
0x8b: {  	s0 =	sand.u32 $0x1, s1  }
0x8c: {  	s14 =	sshll.u32 s0, $0xA;
	s2 =	sadd.s32 s3, s2  }
0x8d: {  	s2 =	sadd.s32 s2, s14  }
0x8e: {  	[smem:$0x3FC0] =	sst s2  }
0x8f: {  	_ = 	snop  }
0x90: {  	s2 =	sld [smem:$0x3FD0];
	_ =	sdelay $0x2  }
0x91: {  	s15 =	simm.s32 $0xA;
	s4 =	simm.s32 $0x10  }
0x92: {  	[smem:s4], [sflag:s15] =	dma.local [hbm:s2], $0x1  }
0x93: {  	_ =	swait.eq [sflag:s15], $0x1  }
0x94: {  	[sflag:s15] =	ssyncset.done $0x0  }
0x95: {  	[sflag:s15] =	ssyncadd.s32 $0xFFFFFFFF  }
0x96: {  	s16 =	sld [smem:$0x10];
	(tm) =	ssettm $0x1  }
0x97: {  	s17 =	sld [smem:$0x3FFB];
	_ =	sdelay $0x3  }
0x98: {  	_ =	strace s17  }
0x99: {  	s3 =	sld [smem:$0x3FFC];
	_ =	sdelay $0x3  }
0x9a: {  	_ =	strace s3  }
0x9b: {  	s3 =	sld [smem:$0x3FFD];
	_ =	sdelay $0x3  }
0x9c: {  	_ =	strace s3  }
0x9d: {  	_ =	strace $0x8FFFFFFF  }
0x9e: {  	s18 =	sld [smem:$0x3FDB];
	_ =	sdelay $0x1  }
0x9f: {  	s19 =	simm.s32 $_scs_section_size  }
0xa0: {  	s5 =	simm.s32 $_size__tile_overlayer_lowered;
	s6 =	simm.s32 $_tile_overlayer_lowered  }
0xa1: {  	s22 =	simm.s32 $0x1BFF;
	s21 =	sshll.u32 s6, $0x1;
	s3 =	sadd.s32 s19, s18  }
0xa2: {  	s7 =	simm.s32 $0x0;
	s20 =	sshll.u32 s5, $0x1;
	s5 =	sadd.s32 s21, s3  }
0xa3: {  	[timem:s7], [sflag:s22] =	dma.local [hbm:s5], s20  }
0xa4: {  	_ =	swait.ge [sflag:s22], s20  }
0xa5: {  	s4 =	ssub.s32 $0x0, s20;
	[sflag:s22] =	ssyncset.done $0x0  }
0xa6: {  	[sflag:s22] =	ssyncadd.s32 s4;
	_ =	sdelay $0x1  }
0xa7: {  	s23 =	simm.s32 $0x1B8B  }
0xa8: {  	_ =	swait.ge [sflag:s23], $0x1  }
0xa9: {  	[sflag:s23] =	ssyncset.done $0x0  }
0xaa: {  	s25 =	simm.s32 $0x1B8E;
	s24 =	sld [smem:$0x3FFE];
	[sflag:s23] =	ssyncadd.s32 $0xFFFFFFFF  }
0xab: {  	s26 =	simm.s32 $execute0_lowered;
	[smem:$0x3FD2] =	sst s25  }
0xac: {  	s5 =	sshll.u32 s26, $0x1;
	_ =	strace $0x80000046;
	[dreg:$0x1] =	wrdreg $0xFFFFFFFF  }
0xad: {  	s28 =	simm.s32 $_size_execute0_lowered;
	s3 =	sadd.s32 s3, s5;
	[dreg:$0x0] =	wrdreg $0x0  }
0xae: {  	s5 =	sshll.u32 s28, $0x1;
	[dreg:$0x2] =	wrdreg s3  }
0xaf: {  	[dreg:$0x3] =	wrdreg s5  }
0xb0: {  	[dreg:$0x4] =	wrdreg $0xC0  }
0xb1: {  	_ =	task [dreg:s7], $0x5FFFF  }
0xb2: {  	[dreg:$0x1] =	wrdreg $0xFFFFFFFF  }
0xb3: {  	[dreg:$0x0] =	wrdreg $0x60  }
0xb4: {  	[dreg:$0x2] =	wrdreg s16  }
0xb5: {  	[dreg:$0x3] =	wrdreg s24  }
0xb6: {  	[dreg:$0x4] =	wrdreg $0x5F000  }
0xb7: {  	[dreg:$0x5] =	wrdreg $0x87000  }
0xb8: {  	[dreg:$0x6] =	wrdreg $0x9  }
0xb9: {  	_ =	task.clear_ibuf [dreg:s7], $0x7FFFF;
	_ =	strace $0x90000046  }
0xba: {  	s29 =	simm.s32 $0x9;
	_ =	strace $0x80000048  }
0xbb: {  	_ =	swait.ge [sflag:s29], $0x1  }
0xbc: {  	[sflag:s29] =	ssyncadd.s32 $0xFFFFFFFF  }
0xbd: {  	_ =	strace $0x90000048  }
0xbe: {  	_ =	sfence  }
0xbf: {  	s30 =	sld [smem:$0x0];
	_ =	sdelay $0x2  }
0xc0: {  	s31 =	sshll.u32 s1, $0xD;
	s1 =	sshrl.u32 s1, $0x2  }
0xc1: {  	s3 =	sand.u32 $0x4000, s31;
	s1 =	sadd.s32 s1, s30  }
0xc2: {  	s0 =	sor.u32 s3, s0;
	s1 =	sshll.u32 s1, $0x11  }
0xc3: {  	s0 =	sor.u32 s1, s0  }
0xc4: {  	s0 =	sadd.s32 $0x8F2B, s0  }
0xc5: {  	[sflag:s0] =	ssyncadd.remote.s32 $0x1  }
0xc6: {  	_ =	sfence.sel $0xFFFF  }
0xc7: {  	[dreg:$0x0] =	wrdreg $0xFFFFFFFF;
	(pc) =	sbr.abs _section_cstart, $3  }
0xc8: {  	[dreg:$0x1] =	wrdreg $0xFFFFFFFF  }
0xc9: {  	_ =	task.clear_ibuf [dreg:s7], $0x2FFFF;
	_ =	strace $0x9FFFFFFF  }
0xca: {  	(tm) =	ssettm $0x7FFFFFFF  }
0xcb: {  	_ =	shalt  }
tec
execute0_lowered:
.L_overlay_start_1:
0x0: {  	(tag) =	ssettag $0x1  }
0x1: {  	s5 =	rddreg [dreg:$0x0]  }
0x2: {  	s6 =	rddreg [dreg:$0x1]  }
0x3: {  	s2 =	rddreg [dreg:$0x2]  }
0x4: {  	s3 =	rddreg [dreg:$0x3]  }
0x5: {  	s0 =	rddreg [dreg:$0x4];
	s4 =	srdreg.scid  }
0x6: {  	s1 =	stileid.u32;
	s20 =	simm.s32 $0x1;
	s21 =	simm.s32 $0x2780  }
0x7: {  	s22 =	simm.s32 $0x5700;
	s23 =	simm.s32 $0x80;
	s24 =	simm.s32 $0x4F00  }
0x8: {  	s25 =	simm.s32 $0x0;
	s7 =	sand.u32 $0x1, s4;
	s8 =	sshll.u32 s1, $0x1  }
0x9: {  	s14 =	smul.u32 $0x2800, s1;
	s4 =	simm.s32 $0x0;
	s8 =	sor.u32 s7, s8  }
0xa: {  	s9 =	smul.u32 $0x28000, s7;
	[smem:$0x7FF] =	sst s4;
	s7 =	ssub.s32 $0x2, s7  }
0xb: {  	s8 =	smul.u32 $0x4F0, s8;
	_ =	strace $0x80000047;
	s11 =	sshrl.u32 s7, $0x1  }
0xc: {  	s31 =	sadd.s32 $0x800, s14;
	s12 =	sadd.s32 $0x1000, s14;
	s15 =	sadd.s32 $0x1800, s14  }
0xd: {  	s16 =	sadd.s32 $0x2000, s14;
	s9 =	sadd.s32 s14, s9;
	s19 =	ssub.s32 s7, s11  }
0xe: {  	s7 =	sadd.s32 s14, s2;
	s11 =	sadd.s32 s12, s2;
	s12 =	sadd.s32 s12, s3  }
0xf: {  	s13 =	sadd.s32 s15, s2;
	s10 =	sadd.s32 s8, s6;
	s9 =	sshrl.u32 s9, $0x3  }
0x10: {  	s5 =	sadd.s32 s5, s8;
	s8 =	sadd.s32 s14, s3;
	s14 =	sadd.s32 s15, s3  }
0x11: {  	s15 =	sadd.s32 s16, s2;
	s16 =	sadd.s32 s16, s3;
	s19 =	smax.u32 s19, $0x1  }
0x12: {  	s18 =	sadd.s32 s9, s6;
	s6 =	sadd.s32 $0x1E00, s10;
	s9 =	sadd.s32 s31, s2  }
0x13: {  	v0 =	vimm.f32 $1.000000000e+00;
	v1 =	vimm.f32 $0.0e+00;
	s10 =	sadd.s32 s31, s3;
	s17 =	sadd.s32 $0xBC00, s18;
	s18 =	sadd.s32 $0x15C00, s18  }
.LBB2_1:
0x14: {  	[tilespmem:s4], [sflag:$0x1] =	stream.linear.gather [hbm4b:s5+s4], $0x2780, $0x38;
	[tilespmem:$0xAF00] =	vst v63  }
0x15: {  	_ =	swait.ge [sflag:s20], $0x2780  }
0x16: {  	[sflag:s20] =	ssyncset.done $0x0  }
0x17: {  	[sflag:s20] =	ssyncadd.s32 $0xFFFFD880  }
0x18: {  	[tilespmem:s21], [sflag:$0x1] =	stream.linear.gather [hbm4b:s6+s4], $0x2780, $0x38;
	[tilespmem:$0xAF00] =	vst v63  }
0x19: {  	_ =	swait.ge [sflag:s20], $0x2780  }
0x1a: {  	[sflag:s20] =	ssyncset.done $0x0  }
0x1b: {  	s26 =	simm.s32 $0x0;
	[sflag:s20] =	ssyncadd.s32 $0xFFFFD880  }
.LBB2_2:
0x1c: {  	p0 =	sne.s32 s26, $0x1FC0  }
.Ltmp0:
0x1d: {  	_ = 	snop;
	(pc) =	sbr.rel @p0 .LBB2_2-.Ltmp0, $3  }
0x1e: {  	_ =	sdelay $0x1  }
0x1f: {  	s28 =	sshra.s32 s26, $0x2  }
0x20: {  	s26 =	sadd.s32 $0x40, s26;
	[tilespmem:s28+$0x4F00] =	vst v0  }
0x21: {  	s26 =	simm.s32 $0x40;
	s28 =	simm.s32 $0x0  }
.LBB2_4:
0x22: {  	p0 =	sne.s32 s26, $0x1FC0;
	[tilespmem:s28+$0x5700] =	vst v1;
	s28 =	smov.u32 s26;
	s26 =	sadd.s32 $0x40, s26  }
.Ltmp1:
0x23: {  	(pc) =	sbr.rel @p0 .LBB2_4-.Ltmp1, $2  }
0x24: {  	_ =	sdelay $0x2  }
0x25: {  	s28 =	sshra.s32 s28, $0x2  }
0x26: {  	[tilespmem:s28+$0x5700] =	vst v1  }
0x27: {  	[spmem:s7] =	stream.linear.scatter [tilespmem:s22], [sflag:$0x1], $0x800, $0x38;
	[tilespmem:$0xAF00] =	vst v63  }
0x28: {  	_ =	swait.ge [sflag:s20], $0x800  }
0x29: {  	[sflag:s20] =	ssyncset.done $0x0  }
0x2a: {  	[sflag:s20] =	ssyncadd.s32 $0xFFFFF800  }
0x2b: {  	[spmem:s8] =	stream.linear.scatter [tilespmem:s22], [sflag:$0x1], $0x800, $0x38;
	[tilespmem:$0xAF00] =	vst v63  }
0x2c: {  	_ =	swait.ge [sflag:s20], $0x800  }
0x2d: {  	[sflag:s20] =	ssyncset.done $0x0  }
0x2e: {  	[sflag:s20] =	ssyncadd.s32 $0xFFFFF800  }
0x2f: {  	[spmem:s9] =	stream.linear.scatter [tilespmem:s22], [sflag:$0x1], $0x800, $0x38;
	[tilespmem:$0xAF00] =	vst v63  }
0x30: {  	_ =	swait.ge [sflag:s20], $0x800  }
0x31: {  	[sflag:s20] =	ssyncset.done $0x0  }
0x32: {  	[sflag:s20] =	ssyncadd.s32 $0xFFFFF800  }
0x33: {  	[spmem:s10] =	stream.linear.scatter [tilespmem:s22], [sflag:$0x1], $0x800, $0x38;
	[tilespmem:$0xAF00] =	vst v63  }
0x34: {  	_ =	swait.ge [sflag:s20], $0x800  }
0x35: {  	[sflag:s20] =	ssyncset.done $0x0  }
0x36: {  	[sflag:s20] =	ssyncadd.s32 $0xFFFFF800  }
0x37: {  	[spmem:s11] =	stream.linear.scatter [tilespmem:s22], [sflag:$0x1], $0x800, $0x38;
	[tilespmem:$0xAF00] =	vst v63  }
0x38: {  	_ =	swait.ge [sflag:s20], $0x800  }
0x39: {  	[sflag:s20] =	ssyncset.done $0x0  }
0x3a: {  	[sflag:s20] =	ssyncadd.s32 $0xFFFFF800  }
0x3b: {  	[spmem:s12] =	stream.linear.scatter [tilespmem:s22], [sflag:$0x1], $0x800, $0x38;
	[tilespmem:$0xAF00] =	vst v63  }
0x3c: {  	_ =	swait.ge [sflag:s20], $0x800  }
0x3d: {  	[sflag:s20] =	ssyncset.done $0x0  }
0x3e: {  	[sflag:s20] =	ssyncadd.s32 $0xFFFFF800  }
0x3f: {  	[spmem:s13] =	stream.linear.scatter [tilespmem:s22], [sflag:$0x1], $0x800, $0x38;
	[tilespmem:$0xAF00] =	vst v63  }
0x40: {  	_ =	swait.ge [sflag:s20], $0x800  }
0x41: {  	[sflag:s20] =	ssyncset.done $0x0  }
0x42: {  	[sflag:s20] =	ssyncadd.s32 $0xFFFFF800  }
0x43: {  	[spmem:s14] =	stream.linear.scatter [tilespmem:s22], [sflag:$0x1], $0x800, $0x38;
	[tilespmem:$0xAF00] =	vst v63  }
0x44: {  	_ =	swait.ge [sflag:s20], $0x800  }
0x45: {  	[sflag:s20] =	ssyncset.done $0x0  }
0x46: {  	[sflag:s20] =	ssyncadd.s32 $0xFFFFF800  }
0x47: {  	[spmem:s15] =	stream.linear.scatter [tilespmem:s22], [sflag:$0x1], $0x800, $0x38;
	[tilespmem:$0xAF00] =	vst v63  }
0x48: {  	_ =	swait.ge [sflag:s20], $0x800  }
0x49: {  	[sflag:s20] =	ssyncset.done $0x0  }
0x4a: {  	[sflag:s20] =	ssyncadd.s32 $0xFFFFF800  }
0x4b: {  	[spmem:s16] =	stream.linear.scatter [tilespmem:s22], [sflag:$0x1], $0x800, $0x38;
	[tilespmem:$0xAF00] =	vst v63  }
0x4c: {  	_ =	swait.ge [sflag:s20], $0x800  }
0x4d: {  	[sflag:s20] =	ssyncset.done $0x0  }
0x4e: {  	[sflag:s20] =	ssyncadd.s32 $0xFFFFF800  }
0x4f: {  	s26 =	simm.s32 $0x0;
	[bflag:$0x0] =	sbarrier.arrive $0xFFFF  }
0x50: {  	[spmem:s2] =	stream.indirect.scatter.add.f32 [tilespmem:s24], [sflag:$0x1], $0x10, s26, s23, $0xb8;
	[tilespmem:$0xAF00] =	vst v63  }
0x51: {  	_ =	swait.ge [sflag:s20], $0x800  }
0x52: {  	[sflag:s20] =	ssyncset.done $0x0  }
0x53: {  	s31 =	simm.s32 $0x2780;
	[sflag:s20] =	ssyncadd.s32 $0xFFFFF800  }
0x54: {  	[spmem:s3] =	stream.indirect.scatter.add.f32 [tilespmem:s24], [sflag:$0x1], $0x10, s31, s23, $0xb8;
	[tilespmem:$0xAF00] =	vst v63  }
0x55: {  	_ =	swait.ge [sflag:s20], $0x800  }
0x56: {  	s28 =	simm.s32 $0x400;
	s26 =	simm.s32 $0x200;
	[sflag:s20] =	ssyncset.done $0x0  }
.LBB2_6:
0x57: {  	s29 =	sshra.s32 s26, $0x2  }
0x58: {  	[sflag:s20] =	ssyncadd.s32 $0xFFFFF800;
	s26 =	smov.u32 s28;
	s30 =	sadd.s32 $0x200, s28  }
0x59: {  	[spmem:s2] =	stream.indirect.scatter.add.f32 [tilespmem:s24], [sflag:$0x1], $0x10, s29, s23, $0xb8;
	[tilespmem:$0xAF00] =	vst v63  }
0x5a: {  	p0 =	sne.s32 s28, $0x9C00;
	_ =	swait.ge [sflag:s20], $0x800  }
.Ltmp2:
0x5b: {  	[sflag:s20] =	ssyncset.done $0x0;
	(pc) =	sbr.rel @p0 .LBB2_6-.Ltmp2, $4  }
0x5c: {  	s28 =	sadd.s32 $0x2780, s29;
	[sflag:s20] =	ssyncadd.s32 $0xFFFFF800  }
0x5d: {  	[spmem:s3] =	stream.indirect.scatter.add.f32 [tilespmem:s24], [sflag:$0x1], $0x10, s28, s23, $0xb8;
	[tilespmem:$0xAF00] =	vst v63  }
0x5e: {  	_ =	swait.ge [sflag:s20], $0x800  }
0x5f: {  	s28 =	smov.u32 s30;
	[sflag:s20] =	ssyncset.done $0x0  }
0x60: {  	s26 =	sshra.s32 s26, $0x2;
	[sflag:s20] =	ssyncadd.s32 $0xFFFFF800  }
0x61: {  	[spmem:s2] =	stream.indirect.scatter.add.f32 [tilespmem:s24], [sflag:$0x1], $0x10, s26, s23, $0xb8;
	[tilespmem:$0xAF00] =	vst v63  }
0x62: {  	_ =	swait.ge [sflag:s20], $0x800  }
0x63: {  	[sflag:s20] =	ssyncset.done $0x0  }
0x64: {  	s26 =	sadd.s32 $0x2780, s26;
	[sflag:s20] =	ssyncadd.s32 $0xFFFFF800  }
0x65: {  	[spmem:s3] =	stream.indirect.scatter.add.f32 [tilespmem:s24], [sflag:$0x1], $0x10, s26, s23, $0xb8;
	[tilespmem:$0xAF00] =	vst v63  }
0x66: {  	_ =	swait.ge [sflag:s20], $0x800  }
0x67: {  	[sflag:s20] =	ssyncset.done $0x0  }
0x68: {  	s30 =	sshll.u32 s1, $0x6;
	[sflag:s20] =	ssyncadd.s32 $0xFFFFF800  }
0x69: {  	s28 =	sshrl.u32 s7, $0x3;
	s26 =	sor.u32 $0x1C01, s30;
	[bflag:$0x0] =	sbarrier.arrive $0xFFFF  }
0x6a: {  	[hbm:s17], [sflag:s26] =	dma.local [spmem:s28], $0x500  }
0x6b: {  	s25 =	sadd.s32 $0x1, s25;
	_ =	swait.ge [sflag:s20], $0x500  }
0x6c: {  	p0 =	sne.s32 s25, s19;
	[sflag:s20] =	ssyncset.done $0x0  }
.Ltmp3:
0x6d: {  	s31 =	sshrl.u32 s8, $0x3;
	[sflag:s20] =	ssyncadd.s32 $0xFFFFFB00;
	(pc) =	sbr.rel @p0 .LBB2_1-.Ltmp3, $4  }
0x6e: {  	[hbm:s18], [sflag:s26] =	dma.local [spmem:s31], $0x500  }
0x6f: {  	_ =	swait.ge [sflag:s20], $0x500  }
0x70: {  	[sflag:s20] =	ssyncset.done $0x0  }
0x71: {  	[sflag:s20] =	ssyncadd.s32 $0xFFFFFB00  }
0x72: {  	_ =	sfence.sel $0x180000  }
0x73: {  	[bflag:$0x0] =	sbarrier.arrive $0xFFFF  }
0x74: {  	p0 =	sne.s32 s1, $0x0;
	_ =	strace $0x90000047  }
0x75: {  	s0 =	sadd.s32 @!p0 $0x100000, s0;
	[bflag:$0x2] =	sbarrier.arrive $0xFFFF  }
0x76: {  	[sflag:s0] =	ssyncadd.tile.s32 @!p0 $0x1;
	_ =	shalt  }
.Lfunc_end2:
_tile_overlayer_lowered:
.L_overlay_start_2:
0x77: {  	(tag) =	ssettag $0x2  }
0x78: {  	s0 =	rddreg [dreg:$0x0];
	s2 =	stileid.u32  }
0x79: {  	s1 =	rddreg [dreg:$0x1];
	p0 =	sne.s32 s2, $0x0  }
0x7a: {  	s3 =	rddreg [dreg:$0x2];
	[bflag:$0x3] =	sbarrier.arrive $0xFFFF;
	s2 =	simm.s32 @!p0 $0x1C01  }
0x7b: {  	[timem:s3], [sflag:s2] =	dma.local @!p0 [hbm:s0], s1  }
0x7c: {  	s0 =	simm.s32 @!p0 $0x1  }
0x7d: {  	_ =	swait.ge @!p0 [sflag:s0], s1  }
0x7e: {  	s1 =	ssub.s32 @!p0 $0x0, s1;
	[sflag:s0] =	ssyncset.done @!p0 $0x0  }
0x7f: {  	[sflag:s0] =	ssyncadd.s32 @!p0 s1  }
0x80: {  	[bflag:$0x3] =	sbarrier.arrive $0xFFFF  }
0x81: {  	_ =	shalt  }

</sc_bundles>
